<compile_context>
chip_gen: v7x
topology: tpu7x:2x2x1
jax: 0.10.2.dev20260603
libtpu: 0.0.44.dev20260713+nightly
codegen_flags: <defaults>
</compile_context>

<pallas_src>
import functools

import jax
import jax.numpy as jnp
from jax import lax
from jax.experimental import pallas as pl
from jax.experimental.pallas import tpu as pltpu
from jax.experimental.pallas import tpu_sc as plsc

_NC = 2
_NS = 16
_NW = _NC * _NS
_L = 16

_CHUNK = 16
_P = 2
_NPAT = 2 ** _P


@functools.lru_cache(maxsize=None)
def _build(b: int, s: int, d: int):
    n_rows = b * s
    r_per_w = n_rows // _NW
    n_chunks = r_per_w // _CHUNK
    n_grp = _CHUNK // _P
    mesh = plsc.VectorSubcoreMesh(core_axis_name="c", subcore_axis_name="s")

    @functools.partial(
        pl.kernel,
        mesh=mesh,
        compiler_params=pltpu.CompilerParams(needs_layout_passes=False),
        out_type=jax.ShapeDtypeStruct((b, s, d), jnp.float32),
        scratch_types=[
            pltpu.VMEM((r_per_w,), jnp.int32),
            pltpu.VMEM((_NPAT * _P, d), jnp.float32),
            pltpu.VMEM_SHARED((_NPAT * _P, d), jnp.float32),
            pltpu.SemaphoreType.DMA,
            pltpu.SemaphoreType.DMA,
        ],
    )
    def emb(idx_hbm, table_hbm, out_hbm, idx_v, pat_v, pat_s, sem_v, sem_s):
        sid = lax.axis_index("s")
        wid = sid * _NC + lax.axis_index("c")
        base = wid * r_per_w
        bb = base // s
        srow = base - bb * s

        pltpu.sync_copy(idx_hbm.at[bb, pl.ds(srow, r_per_w)], idx_v)

        for p in range(_NPAT):
            for j in range(_P):
                bit = (p >> (_P - 1 - j)) & 1
                pltpu.sync_copy(
                    table_hbm.at[pl.ds(bit, 1)],
                    pat_v.at[pl.ds(p * _P + j, 1)],
                )

        @pl.when(sid < _NPAT)
        def _build_shared():
            for j in range(_P):
                bit = jnp.right_shift(sid, _P - 1 - j) & 1
                pltpu.sync_copy(
                    table_hbm.at[pl.ds(bit, 1)],
                    pat_s.at[pl.ds(sid * _P + j, 1)],
                )

        plsc.subcore_barrier()

        ci = lax.iota(jnp.int32, _L)
        wvec = jnp.left_shift(jnp.int32(1), (_P - 1) - (ci % _P))
        gid = ci // _P

        def fire(c, pat, sem):
            rv = idx_v[pl.ds(c * _CHUNK, _L)]
            wv = rv * wvec
            for g in range(n_grp):
                pg = jnp.sum(jnp.where(gid == g, wv, 0))
                row = srow + c * _CHUNK + g * _P
                pltpu.async_copy(
                    pat.at[pl.ds(pg * _P, _P)],
                    out_hbm.at[bb, pl.ds(row, _P)],
                    sem,
                )

        def drain(pat, sem):
            for _ in range(n_grp):
                pltpu.make_async_copy(
                    pat.at[pl.ds(0, _P)],
                    out_hbm.at[0, pl.ds(0, _P)],
                    sem,
                ).wait()

        fire(0, pat_v, sem_v)
        fire(1, pat_s, sem_s)

        def body(p, carry):
            fire(2 * p, pat_v, sem_v)
            drain(pat_v, sem_v)
            fire(2 * p + 1, pat_s, sem_s)
            drain(pat_s, sem_s)
            return carry

        lax.fori_loop(1, n_chunks // 2, body, 0)
        drain(pat_v, sem_v)
        drain(pat_s, sem_s)

    return emb


def kernel(styles, table):
    b, s = styles.shape
    d = table.shape[1]
    return _build(b, s, d)(styles.astype(jnp.int32), table)

# --- scband reference (transcript-rebuilt; emitter-appended) ---
"""Pipeline reference for scband-embedding-20126216749810 (READ-ONLY COPY).

The authoritative reference and input builder live on the scoring server;
editing this copy changes nothing except your own understanding.
"""

import jax, jax.numpy as jnp
import numpy as np

N_EMBD = 2048
VOCAB = 2
BATCH = 4
SEQ = 8192

def setup_inputs(seed: int = 0) -> dict:
    key = jax.random.key(seed)
    k_idx, k_tab = jax.random.split(key)
    styles = jax.random.randint(k_idx, (BATCH, SEQ), 0, VOCAB, dtype=jnp.int64 if jax.config.jax_enable_x64 else jnp.int32)
    # Keras Embedding default initializer is uniform(-0.05, 0.05)
    table = jax.random.uniform(k_tab, (VOCAB, N_EMBD), minval=-0.05, maxval=0.05, dtype=jnp.float32)
    return {"styles": styles, "table": table}

def reference(styles, table):
    # Embedding lookup: gather rows of the style embedding table
    style_embeddings = jnp.take(table, styles, axis=0)
    return style_embeddings

if __name__ == "__main__":
    import jax
    _d = setup_inputs()
    print(jax.jit(kernel)(*tuple(_d.values())))

</pallas_src>

<mosaic_0001>
#map = affine_map<(d0, d1) -> (0, 0)>
#map1 = affine_map<(d0, d1) -> (0, 0, 0)>
module attributes {stable_mosaic.version = 14 : i64} {
  func.func @emb(%arg0: i32, %arg1: i32, %arg2: memref<4x8192xi32, #tpu.memory_space<hbm>>, %arg3: memref<2x2048xf32, #tpu.memory_space<hbm>>, %arg4: memref<4x8192x2048xf32, #tpu.memory_space<hbm>>, %arg5: memref<1024xi32, #tpu.memory_space<vmem>>, %arg6: memref<8x2048xf32, #tpu.memory_space<vmem>>, %arg7: memref<8x2048xf32, #tpu.memory_space<vmem_shared>>, %arg8: memref<!tpu.dma_semaphore, #tpu.memory_space<semaphore_mem>>, %arg9: memref<!tpu.dma_semaphore, #tpu.memory_space<semaphore_mem>>) attributes {dimension_semantics = [#tpu.dimension_semantics<core_parallel>, #tpu.dimension_semantics<subcore_parallel>], iteration_bounds = array<i64: 2, 16>, scalar_prefetch = 0 : i64, scratch_operands = 5 : i64, tpu.core_type = #tpu.core_type<sc_vector_subcore>, window_params = [{transform_indices = #map}, {transform_indices = #map}, {transform_indices = #map1}]} {
    %mul3A = arith.constant 2 : i32
    %mul3A_0 = arith.muli %arg1, %mul3A : i32
    %add3A = arith.addi %mul3A_0, %arg0 : i32
    %mul3A_1 = arith.constant 1024 : i32
    %mul3A_2 = arith.muli %add3A, %mul3A_1 : i32
    %jit3A = arith.constant 8192 : i32
    %div3A = arith.divsi %mul3A_2, %jit3A : i32
    %sign3A = arith.constant 0 : i32
    %sign3A_3 = arith.cmpi sgt, %mul3A_2, %sign3A : i32
    %sign3A_4 = arith.extui %sign3A_3 : i1 to i32
    %sign3A_5 = arith.constant 0 : i32
    %sign3A_6 = arith.cmpi slt, %mul3A_2, %sign3A_5 : i32
    %sign3A_7 = arith.extui %sign3A_6 : i1 to i32
    %sign3A_8 = arith.subi %sign3A_4, %sign3A_7 : i32
    %sign3A_9 = arith.constant 0 : i32
    %sign3A_10 = arith.cmpi sgt, %jit3A, %sign3A_9 : i32
    %sign3A_11 = arith.extui %sign3A_10 : i1 to i32
    %sign3A_12 = arith.constant 0 : i32
    %sign3A_13 = arith.cmpi slt, %jit3A, %sign3A_12 : i32
    %sign3A_14 = arith.extui %sign3A_13 : i1 to i32
    %sign3A_15 = arith.subi %sign3A_11, %sign3A_14 : i32
    %ne3A = arith.cmpi ne, %sign3A_8, %sign3A_15 : i32
    %rem3A = arith.remsi %mul3A_2, %jit3A : i32
    %ne3A_16 = arith.constant 0 : i32
    %ne3A_17 = arith.cmpi ne, %rem3A, %ne3A_16 : i32
    %and3A = arith.andi %ne3A, %ne3A_17 : i1
    %sub3A = arith.constant 1 : i32
    %sub3A_18 = arith.subi %div3A, %sub3A : i32
    %select_n3A = arith.select %and3A, %sub3A_18, %div3A : i32
    %mul3A_19 = arith.constant 8192 : i32
    %mul3A_20 = arith.muli %select_n3A, %mul3A_19 : i32
    %sub3A_21 = arith.subi %mul3A_2, %mul3A_20 : i32
    "tpu.region"() ({
      %run_scoped3A = tpu.sem_alloc : memref<!tpu.dma_semaphore, #tpu.memory_space<semaphore_mem>>
      %dma_start3A_647 = tpu.memref_slice %arg2[%select_n3A, %sub3A_21] : memref<4x8192xi32, #tpu.memory_space<hbm>> -> memref<1x1024xi32, #tpu.memory_space<hbm>>
      %dma_start3A_648 = tpu.memref_squeeze %dma_start3A_647 : memref<1x1024xi32, #tpu.memory_space<hbm>> -> memref<1024xi32, #tpu.memory_space<hbm>>
      %dma_start3A_649 = tpu.memref_slice %arg2[%select_n3A, %sub3A_21] : memref<4x8192xi32, #tpu.memory_space<hbm>> -> memref<1x1024xi32, #tpu.memory_space<hbm>>
      %dma_start3A_650 = tpu.memref_squeeze %dma_start3A_649 : memref<1x1024xi32, #tpu.memory_space<hbm>> -> memref<1024xi32, #tpu.memory_space<hbm>>
      tpu.enqueue_dma source(%dma_start3A_650 : memref<1024xi32, #tpu.memory_space<hbm>>) target(%arg5 : memref<1024xi32, #tpu.memory_space<vmem>>) target_semaphore(%run_scoped3A : memref<!tpu.dma_semaphore, #tpu.memory_space<semaphore_mem>>)
      %dma_wait3A_651 = tpu.memref_slice %arg2[%select_n3A, %sub3A_21] : memref<4x8192xi32, #tpu.memory_space<hbm>> -> memref<1x1024xi32, #tpu.memory_space<hbm>>
      %dma_wait3A_652 = tpu.memref_squeeze %dma_wait3A_651 : memref<1x1024xi32, #tpu.memory_space<hbm>> -> memref<1024xi32, #tpu.memory_space<hbm>>
      %dma_wait3A_653 = tpu.memref_slice %arg2[%select_n3A, %sub3A_21] : memref<4x8192xi32, #tpu.memory_space<hbm>> -> memref<1x1024xi32, #tpu.memory_space<hbm>>
      %dma_wait3A_654 = tpu.memref_squeeze %dma_wait3A_653 : memref<1x1024xi32, #tpu.memory_space<hbm>> -> memref<1024xi32, #tpu.memory_space<hbm>>
      tpu.wait_dma2 semaphore(%run_scoped3A : memref<!tpu.dma_semaphore, #tpu.memory_space<semaphore_mem>>) src(%dma_wait3A_654 : memref<1024xi32, #tpu.memory_space<hbm>>) dst(%arg5 : memref<1024xi32, #tpu.memory_space<vmem>>)
      tpu.yield
    }) : () -> ()
    "tpu.region"() ({
      %run_scoped3A = tpu.sem_alloc : memref<!tpu.dma_semaphore, #tpu.memory_space<semaphore_mem>>
      %dma_start3A_647 = arith.constant 0 : i32
      %dma_start3A_648 = arith.constant 0 : i32
      %dma_start3A_649 = tpu.memref_slice %arg6[%dma_start3A_647, %dma_start3A_648] : memref<8x2048xf32, #tpu.memory_space<vmem>> -> memref<1x2048xf32, #tpu.memory_space<vmem>>
      %dma_start3A_650 = arith.constant 0 : i32
      %dma_start3A_651 = arith.constant 0 : i32
      %dma_start3A_652 = tpu.memref_slice %arg3[%dma_start3A_650, %dma_start3A_651] : memref<2x2048xf32, #tpu.memory_space<hbm>> -> memref<1x2048xf32, #tpu.memory_space<hbm>>
      %dma_start3A_653 = arith.constant 0 : i32
      %dma_start3A_654 = arith.constant 0 : i32
      %dma_start3A_655 = tpu.memref_slice %arg6[%dma_start3A_653, %dma_start3A_654] : memref<8x2048xf32, #tpu.memory_space<vmem>> -> memref<1x2048xf32, #tpu.memory_space<vmem>>
      %dma_start3A_656 = arith.constant 0 : i32
      %dma_start3A_657 = arith.constant 0 : i32
      %dma_start3A_658 = tpu.memref_slice %arg3[%dma_start3A_656, %dma_start3A_657] : memref<2x2048xf32, #tpu.memory_space<hbm>> -> memref<1x2048xf32, #tpu.memory_space<hbm>>
      tpu.enqueue_dma source(%dma_start3A_658 : memref<1x2048xf32, #tpu.memory_space<hbm>>) target(%dma_start3A_655 : memref<1x2048xf32, #tpu.memory_space<vmem>>) target_semaphore(%run_scoped3A : memref<!tpu.dma_semaphore, #tpu.memory_space<semaphore_mem>>)
      %dma_wait3A_659 = arith.constant 0 : i32
      %dma_wait3A_660 = arith.constant 0 : i32
      %dma_wait3A_661 = tpu.memref_slice %arg6[%dma_wait3A_659, %dma_wait3A_660] : memref<8x2048xf32, #tpu.memory_space<vmem>> -> memref<1x2048xf32, #tpu.memory_space<vmem>>
      %dma_wait3A_662 = arith.constant 0 : i32
      %dma_wait3A_663 = arith.constant 0 : i32
      %dma_wait3A_664 = tpu.memref_slice %arg3[%dma_wait3A_662, %dma_wait3A_663] : memref<2x2048xf32, #tpu.memory_space<hbm>> -> memref<1x2048xf32, #tpu.memory_space<hbm>>
      %dma_wait3A_665 = arith.constant 0 : i32
      %dma_wait3A_666 = arith.constant 0 : i32
      %dma_wait3A_667 = tpu.memref_slice %arg6[%dma_wait3A_665, %dma_wait3A_666] : memref<8x2048xf32, #tpu.memory_space<vmem>> -> memref<1x2048xf32, #tpu.memory_space<vmem>>
      %dma_wait3A_668 = arith.constant 0 : i32
      %dma_wait3A_669 = arith.constant 0 : i32
      %dma_wait3A_670 = tpu.memref_slice %arg3[%dma_wait3A_668, %dma_wait3A_669] : memref<2x2048xf32, #tpu.memory_space<hbm>> -> memref<1x2048xf32, #tpu.memory_space<hbm>>
      tpu.wait_dma2 semaphore(%run_scoped3A : memref<!tpu.dma_semaphore, #tpu.memory_space<semaphore_mem>>) src(%dma_wait3A_670 : memref<1x2048xf32, #tpu.memory_space<hbm>>) dst(%dma_wait3A_667 : memref<1x2048xf32, #tpu.memory_space<vmem>>)
      tpu.yield
    }) : () -> ()
    "tpu.region"() ({
      %run_scoped3A = tpu.sem_alloc : memref<!tpu.dma_semaphore, #tpu.memory_space<semaphore_mem>>
      %dma_start3A_647 = arith.constant 1 : i32
      %dma_start3A_648 = arith.constant 0 : i32
      %dma_start3A_649 = tpu.memref_slice %arg6[%dma_start3A_647, %dma_start3A_648] : memref<8x2048xf32, #tpu.memory_space<vmem>> -> memref<1x2048xf32, #tpu.memory_space<vmem>>
      %dma_start3A_650 = arith.constant 0 : i32
      %dma_start3A_651 = arith.constant 0 : i32
      %dma_start3A_652 = tpu.memref_slice %arg3[%dma_start3A_650, %dma_start3A_651] : memref<2x2048xf32, #tpu.memory_space<hbm>> -> memref<1x2048xf32, #tpu.memory_space<hbm>>
      %dma_start3A_653 = arith.constant 1 : i32
      %dma_start3A_654 = arith.constant 0 : i32
      %dma_start3A_655 = tpu.memref_slice %arg6[%dma_start3A_653, %dma_start3A_654] : memref<8x2048xf32, #tpu.memory_space<vmem>> -> memref<1x2048xf32, #tpu.memory_space<vmem>>
      %dma_start3A_656 = arith.constant 0 : i32
      %dma_start3A_657 = arith.constant 0 : i32
      %dma_start3A_658 = tpu.memref_slice %arg3[%dma_start3A_656, %dma_start3A_657] : memref<2x2048xf32, #tpu.memory_space<hbm>> -> memref<1x2048xf32, #tpu.memory_space<hbm>>
      tpu.enqueue_dma source(%dma_start3A_658 : memref<1x2048xf32, #tpu.memory_space<hbm>>) target(%dma_start3A_655 : memref<1x2048xf32, #tpu.memory_space<vmem>>) target_semaphore(%run_scoped3A : memref<!tpu.dma_semaphore, #tpu.memory_space<semaphore_mem>>)
      %dma_wait3A_659 = arith.constant 1 : i32
      %dma_wait3A_660 = arith.constant 0 : i32
      %dma_wait3A_661 = tpu.memref_slice %arg6[%dma_wait3A_659, %dma_wait3A_660] : memref<8x2048xf32, #tpu.memory_space<vmem>> -> memref<1x2048xf32, #tpu.memory_space<vmem>>
      %dma_wait3A_662 = arith.constant 0 : i32
      %dma_wait3A_663 = arith.constant 0 : i32
      %dma_wait3A_664 = tpu.memref_slice %arg3[%dma_wait3A_662, %dma_wait3A_663] : memref<2x2048xf32, #tpu.memory_space<hbm>> -> memref<1x2048xf32, #tpu.memory_space<hbm>>
      %dma_wait3A_665 = arith.constant 1 : i32
      %dma_wait3A_666 = arith.constant 0 : i32
      %dma_wait3A_667 = tpu.memref_slice %arg6[%dma_wait3A_665, %dma_wait3A_666] : memref<8x2048xf32, #tpu.memory_space<vmem>> -> memref<1x2048xf32, #tpu.memory_space<vmem>>
      %dma_wait3A_668 = arith.constant 0 : i32
      %dma_wait3A_669 = arith.constant 0 : i32
      %dma_wait3A_670 = tpu.memref_slice %arg3[%dma_wait3A_668, %dma_wait3A_669] : memref<2x2048xf32, #tpu.memory_space<hbm>> -> memref<1x2048xf32, #tpu.memory_space<hbm>>
      tpu.wait_dma2 semaphore(%run_scoped3A : memref<!tpu.dma_semaphore, #tpu.memory_space<semaphore_mem>>) src(%dma_wait3A_670 : memref<1x2048xf32, #tpu.memory_space<hbm>>) dst(%dma_wait3A_667 : memref<1x2048xf32, #tpu.memory_space<vmem>>)
      tpu.yield
    }) : () -> ()
    "tpu.region"() ({
      %run_scoped3A = tpu.sem_alloc : memref<!tpu.dma_semaphore, #tpu.memory_space<semaphore_mem>>
      %dma_start3A_647 = arith.constant 2 : i32
      %dma_start3A_648 = arith.constant 0 : i32
      %dma_start3A_649 = tpu.memref_slice %arg6[%dma_start3A_647, %dma_start3A_648] : memref<8x2048xf32, #tpu.memory_space<vmem>> -> memref<1x2048xf32, #tpu.memory_space<vmem>>
      %dma_start3A_650 = arith.constant 0 : i32
      %dma_start3A_651 = arith.constant 0 : i32
      %dma_start3A_652 = tpu.memref_slice %arg3[%dma_start3A_650, %dma_start3A_651] : memref<2x2048xf32, #tpu.memory_space<hbm>> -> memref<1x2048xf32, #tpu.memory_space<hbm>>
      %dma_start3A_653 = arith.constant 2 : i32
      %dma_start3A_654 = arith.constant 0 : i32
      %dma_start3A_655 = tpu.memref_slice %arg6[%dma_start3A_653, %dma_start3A_654] : memref<8x2048xf32, #tpu.memory_space<vmem>> -> memref<1x2048xf32, #tpu.memory_space<vmem>>
      %dma_start3A_656 = arith.constant 0 : i32
      %dma_start3A_657 = arith.constant 0 : i32
      %dma_start3A_658 = tpu.memref_slice %arg3[%dma_start3A_656, %dma_start3A_657] : memref<2x2048xf32, #tpu.memory_space<hbm>> -> memref<1x2048xf32, #tpu.memory_space<hbm>>
      tpu.enqueue_dma source(%dma_start3A_658 : memref<1x2048xf32, #tpu.memory_space<hbm>>) target(%dma_start3A_655 : memref<1x2048xf32, #tpu.memory_space<vmem>>) target_semaphore(%run_scoped3A : memref<!tpu.dma_semaphore, #tpu.memory_space<semaphore_mem>>)
      %dma_wait3A_659 = arith.constant 2 : i32
      %dma_wait3A_660 = arith.constant 0 : i32
      %dma_wait3A_661 = tpu.memref_slice %arg6[%dma_wait3A_659, %dma_wait3A_660] : memref<8x2048xf32, #tpu.memory_space<vmem>> -> memref<1x2048xf32, #tpu.memory_space<vmem>>
      %dma_wait3A_662 = arith.constant 0 : i32
      %dma_wait3A_663 = arith.constant 0 : i32
      %dma_wait3A_664 = tpu.memref_slice %arg3[%dma_wait3A_662, %dma_wait3A_663] : memref<2x2048xf32, #tpu.memory_space<hbm>> -> memref<1x2048xf32, #tpu.memory_space<hbm>>
      %dma_wait3A_665 = arith.constant 2 : i32
      %dma_wait3A_666 = arith.constant 0 : i32
      %dma_wait3A_667 = tpu.memref_slice %arg6[%dma_wait3A_665, %dma_wait3A_666] : memref<8x2048xf32, #tpu.memory_space<vmem>> -> memref<1x2048xf32, #tpu.memory_space<vmem>>
      %dma_wait3A_668 = arith.constant 0 : i32
      %dma_wait3A_669 = arith.constant 0 : i32
      %dma_wait3A_670 = tpu.memref_slice %arg3[%dma_wait3A_668, %dma_wait3A_669] : memref<2x2048xf32, #tpu.memory_space<hbm>> -> memref<1x2048xf32, #tpu.memory_space<hbm>>
      tpu.wait_dma2 semaphore(%run_scoped3A : memref<!tpu.dma_semaphore, #tpu.memory_space<semaphore_mem>>) src(%dma_wait3A_670 : memref<1x2048xf32, #tpu.memory_space<hbm>>) dst(%dma_wait3A_667 : memref<1x2048xf32, #tpu.memory_space<vmem>>)
      tpu.yield
    }) : () -> ()
    "tpu.region"() ({
      %run_scoped3A = tpu.sem_alloc : memref<!tpu.dma_semaphore, #tpu.memory_space<semaphore_mem>>
      %dma_start3A_647 = arith.constant 3 : i32
      %dma_start3A_648 = arith.constant 0 : i32
      %dma_start3A_649 = tpu.memref_slice %arg6[%dma_start3A_647, %dma_start3A_648] : memref<8x2048xf32, #tpu.memory_space<vmem>> -> memref<1x2048xf32, #tpu.memory_space<vmem>>
      %dma_start3A_650 = arith.constant 1 : i32
      %dma_start3A_651 = arith.constant 0 : i32
      %dma_start3A_652 = tpu.memref_slice %arg3[%dma_start3A_650, %dma_start3A_651] : memref<2x2048xf32, #tpu.memory_space<hbm>> -> memref<1x2048xf32, #tpu.memory_space<hbm>>
      %dma_start3A_653 = arith.constant 3 : i32
      %dma_start3A_654 = arith.constant 0 : i32
      %dma_start3A_655 = tpu.memref_slice %arg6[%dma_start3A_653, %dma_start3A_654] : memref<8x2048xf32, #tpu.memory_space<vmem>> -> memref<1x2048xf32, #tpu.memory_space<vmem>>
      %dma_start3A_656 = arith.constant 1 : i32
      %dma_start3A_657 = arith.constant 0 : i32
      %dma_start3A_658 = tpu.memref_slice %arg3[%dma_start3A_656, %dma_start3A_657] : memref<2x2048xf32, #tpu.memory_space<hbm>> -> memref<1x2048xf32, #tpu.memory_space<hbm>>
      tpu.enqueue_dma source(%dma_start3A_658 : memref<1x2048xf32, #tpu.memory_space<hbm>>) target(%dma_start3A_655 : memref<1x2048xf32, #tpu.memory_space<vmem>>) target_semaphore(%run_scoped3A : memref<!tpu.dma_semaphore, #tpu.memory_space<semaphore_mem>>)
      %dma_wait3A_659 = arith.constant 3 : i32
      %dma_wait3A_660 = arith.constant 0 : i32
      %dma_wait3A_661 = tpu.memref_slice %arg6[%dma_wait3A_659, %dma_wait3A_660] : memref<8x2048xf32, #tpu.memory_space<vmem>> -> memref<1x2048xf32, #tpu.memory_space<vmem>>
      %dma_wait3A_662 = arith.constant 1 : i32
      %dma_wait3A_663 = arith.constant 0 : i32
      %dma_wait3A_664 = tpu.memref_slice %arg3[%dma_wait3A_662, %dma_wait3A_663] : memref<2x2048xf32, #tpu.memory_space<hbm>> -> memref<1x2048xf32, #tpu.memory_space<hbm>>
      %dma_wait3A_665 = arith.constant 3 : i32
      %dma_wait3A_666 = arith.constant 0 : i32
      %dma_wait3A_667 = tpu.memref_slice %arg6[%dma_wait3A_665, %dma_wait3A_666] : memref<8x2048xf32, #tpu.memory_space<vmem>> -> memref<1x2048xf32, #tpu.memory_space<vmem>>
      %dma_wait3A_668 = arith.constant 1 : i32
      %dma_wait3A_669 = arith.constant 0 : i32
      %dma_wait3A_670 = tpu.memref_slice %arg3[%dma_wait3A_668, %dma_wait3A_669] : memref<2x2048xf32, #tpu.memory_space<hbm>> -> memref<1x2048xf32, #tpu.memory_space<hbm>>
      tpu.wait_dma2 semaphore(%run_scoped3A : memref<!tpu.dma_semaphore, #tpu.memory_space<semaphore_mem>>) src(%dma_wait3A_670 : memref<1x2048xf32, #tpu.memory_space<hbm>>) dst(%dma_wait3A_667 : memref<1x2048xf32, #tpu.memory_space<vmem>>)
      tpu.yield
    }) : () -> ()
    "tpu.region"() ({
      %run_scoped3A = tpu.sem_alloc : memref<!tpu.dma_semaphore, #tpu.memory_space<semaphore_mem>>
      %dma_start3A_647 = arith.constant 4 : i32
      %dma_start3A_648 = arith.constant 0 : i32
      %dma_start3A_649 = tpu.memref_slice %arg6[%dma_start3A_647, %dma_start3A_648] : memref<8x2048xf32, #tpu.memory_space<vmem>> -> memref<1x2048xf32, #tpu.memory_space<vmem>>
      %dma_start3A_650 = arith.constant 1 : i32
      %dma_start3A_651 = arith.constant 0 : i32
      %dma_start3A_652 = tpu.memref_slice %arg3[%dma_start3A_650, %dma_start3A_651] : memref<2x2048xf32, #tpu.memory_space<hbm>> -> memref<1x2048xf32, #tpu.memory_space<hbm>>
      %dma_start3A_653 = arith.constant 4 : i32
      %dma_start3A_654 = arith.constant 0 : i32
      %dma_start3A_655 = tpu.memref_slice %arg6[%dma_start3A_653, %dma_start3A_654] : memref<8x2048xf32, #tpu.memory_space<vmem>> -> memref<1x2048xf32, #tpu.memory_space<vmem>>
      %dma_start3A_656 = arith.constant 1 : i32
      %dma_start3A_657 = arith.constant 0 : i32
      %dma_start3A_658 = tpu.memref_slice %arg3[%dma_start3A_656, %dma_start3A_657] : memref<2x2048xf32, #tpu.memory_space<hbm>> -> memref<1x2048xf32, #tpu.memory_space<hbm>>
      tpu.enqueue_dma source(%dma_start3A_658 : memref<1x2048xf32, #tpu.memory_space<hbm>>) target(%dma_start3A_655 : memref<1x2048xf32, #tpu.memory_space<vmem>>) target_semaphore(%run_scoped3A : memref<!tpu.dma_semaphore, #tpu.memory_space<semaphore_mem>>)
      %dma_wait3A_659 = arith.constant 4 : i32
      %dma_wait3A_660 = arith.constant 0 : i32
      %dma_wait3A_661 = tpu.memref_slice %arg6[%dma_wait3A_659, %dma_wait3A_660] : memref<8x2048xf32, #tpu.memory_space<vmem>> -> memref<1x2048xf32, #tpu.memory_space<vmem>>
      %dma_wait3A_662 = arith.constant 1 : i32
      %dma_wait3A_663 = arith.constant 0 : i32
      %dma_wait3A_664 = tpu.memref_slice %arg3[%dma_wait3A_662, %dma_wait3A_663] : memref<2x2048xf32, #tpu.memory_space<hbm>> -> memref<1x2048xf32, #tpu.memory_space<hbm>>
      %dma_wait3A_665 = arith.constant 4 : i32
      %dma_wait3A_666 = arith.constant 0 : i32
      %dma_wait3A_667 = tpu.memref_slice %arg6[%dma_wait3A_665, %dma_wait3A_666] : memref<8x2048xf32, #tpu.memory_space<vmem>> -> memref<1x2048xf32, #tpu.memory_space<vmem>>
      %dma_wait3A_668 = arith.constant 1 : i32
      %dma_wait3A_669 = arith.constant 0 : i32
      %dma_wait3A_670 = tpu.memref_slice %arg3[%dma_wait3A_668, %dma_wait3A_669] : memref<2x2048xf32, #tpu.memory_space<hbm>> -> memref<1x2048xf32, #tpu.memory_space<hbm>>
      tpu.wait_dma2 semaphore(%run_scoped3A : memref<!tpu.dma_semaphore, #tpu.memory_space<semaphore_mem>>) src(%dma_wait3A_670 : memref<1x2048xf32, #tpu.memory_space<hbm>>) dst(%dma_wait3A_667 : memref<1x2048xf32, #tpu.memory_space<vmem>>)
      tpu.yield
    }) : () -> ()
    "tpu.region"() ({
      %run_scoped3A = tpu.sem_alloc : memref<!tpu.dma_semaphore, #tpu.memory_space<semaphore_mem>>
      %dma_start3A_647 = arith.constant 5 : i32
      %dma_start3A_648 = arith.constant 0 : i32
      %dma_start3A_649 = tpu.memref_slice %arg6[%dma_start3A_647, %dma_start3A_648] : memref<8x2048xf32, #tpu.memory_space<vmem>> -> memref<1x2048xf32, #tpu.memory_space<vmem>>
      %dma_start3A_650 = arith.constant 0 : i32
      %dma_start3A_651 = arith.constant 0 : i32
      %dma_start3A_652 = tpu.memref_slice %arg3[%dma_start3A_650, %dma_start3A_651] : memref<2x2048xf32, #tpu.memory_space<hbm>> -> memref<1x2048xf32, #tpu.memory_space<hbm>>
      %dma_start3A_653 = arith.constant 5 : i32
      %dma_start3A_654 = arith.constant 0 : i32
      %dma_start3A_655 = tpu.memref_slice %arg6[%dma_start3A_653, %dma_start3A_654] : memref<8x2048xf32, #tpu.memory_space<vmem>> -> memref<1x2048xf32, #tpu.memory_space<vmem>>
      %dma_start3A_656 = arith.constant 0 : i32
      %dma_start3A_657 = arith.constant 0 : i32
      %dma_start3A_658 = tpu.memref_slice %arg3[%dma_start3A_656, %dma_start3A_657] : memref<2x2048xf32, #tpu.memory_space<hbm>> -> memref<1x2048xf32, #tpu.memory_space<hbm>>
      tpu.enqueue_dma source(%dma_start3A_658 : memref<1x2048xf32, #tpu.memory_space<hbm>>) target(%dma_start3A_655 : memref<1x2048xf32, #tpu.memory_space<vmem>>) target_semaphore(%run_scoped3A : memref<!tpu.dma_semaphore, #tpu.memory_space<semaphore_mem>>)
      %dma_wait3A_659 = arith.constant 5 : i32
      %dma_wait3A_660 = arith.constant 0 : i32
      %dma_wait3A_661 = tpu.memref_slice %arg6[%dma_wait3A_659, %dma_wait3A_660] : memref<8x2048xf32, #tpu.memory_space<vmem>> -> memref<1x2048xf32, #tpu.memory_space<vmem>>
      %dma_wait3A_662 = arith.constant 0 : i32
      %dma_wait3A_663 = arith.constant 0 : i32
      %dma_wait3A_664 = tpu.memref_slice %arg3[%dma_wait3A_662, %dma_wait3A_663] : memref<2x2048xf32, #tpu.memory_space<hbm>> -> memref<1x2048xf32, #tpu.memory_space<hbm>>
      %dma_wait3A_665 = arith.constant 5 : i32
      %dma_wait3A_666 = arith.constant 0 : i32
      %dma_wait3A_667 = tpu.memref_slice %arg6[%dma_wait3A_665, %dma_wait3A_666] : memref<8x2048xf32, #tpu.memory_space<vmem>> -> memref<1x2048xf32, #tpu.memory_space<vmem>>
      %dma_wait3A_668 = arith.constant 0 : i32
      %dma_wait3A_669 = arith.constant 0 : i32
      %dma_wait3A_670 = tpu.memref_slice %arg3[%dma_wait3A_668, %dma_wait3A_669] : memref<2x2048xf32, #tpu.memory_space<hbm>> -> memref<1x2048xf32, #tpu.memory_space<hbm>>
      tpu.wait_dma2 semaphore(%run_scoped3A : memref<!tpu.dma_semaphore, #tpu.memory_space<semaphore_mem>>) src(%dma_wait3A_670 : memref<1x2048xf32, #tpu.memory_space<hbm>>) dst(%dma_wait3A_667 : memref<1x2048xf32, #tpu.memory_space<vmem>>)
      tpu.yield
    }) : () -> ()
    "tpu.region"() ({
      %run_scoped3A = tpu.sem_alloc : memref<!tpu.dma_semaphore, #tpu.memory_space<semaphore_mem>>
      %dma_start3A_647 = arith.constant 6 : i32
      %dma_start3A_648 = arith.constant 0 : i32
      %dma_start3A_649 = tpu.memref_slice %arg6[%dma_start3A_647, %dma_start3A_648] : memref<8x2048xf32, #tpu.memory_space<vmem>> -> memref<1x2048xf32, #tpu.memory_space<vmem>>
      %dma_start3A_650 = arith.constant 1 : i32
      %dma_start3A_651 = arith.constant 0 : i32
      %dma_start3A_652 = tpu.memref_slice %arg3[%dma_start3A_650, %dma_start3A_651] : memref<2x2048xf32, #tpu.memory_space<hbm>> -> memref<1x2048xf32, #tpu.memory_space<hbm>>
      %dma_start3A_653 = arith.constant 6 : i32
      %dma_start3A_654 = arith.constant 0 : i32
      %dma_start3A_655 = tpu.memref_slice %arg6[%dma_start3A_653, %dma_start3A_654] : memref<8x2048xf32, #tpu.memory_space<vmem>> -> memref<1x2048xf32, #tpu.memory_space<vmem>>
      %dma_start3A_656 = arith.constant 1 : i32
      %dma_start3A_657 = arith.constant 0 : i32
      %dma_start3A_658 = tpu.memref_slice %arg3[%dma_start3A_656, %dma_start3A_657] : memref<2x2048xf32, #tpu.memory_space<hbm>> -> memref<1x2048xf32, #tpu.memory_space<hbm>>
      tpu.enqueue_dma source(%dma_start3A_658 : memref<1x2048xf32, #tpu.memory_space<hbm>>) target(%dma_start3A_655 : memref<1x2048xf32, #tpu.memory_space<vmem>>) target_semaphore(%run_scoped3A : memref<!tpu.dma_semaphore, #tpu.memory_space<semaphore_mem>>)
      %dma_wait3A_659 = arith.constant 6 : i32
      %dma_wait3A_660 = arith.constant 0 : i32
      %dma_wait3A_661 = tpu.memref_slice %arg6[%dma_wait3A_659, %dma_wait3A_660] : memref<8x2048xf32, #tpu.memory_space<vmem>> -> memref<1x2048xf32, #tpu.memory_space<vmem>>
      %dma_wait3A_662 = arith.constant 1 : i32
      %dma_wait3A_663 = arith.constant 0 : i32
      %dma_wait3A_664 = tpu.memref_slice %arg3[%dma_wait3A_662, %dma_wait3A_663] : memref<2x2048xf32, #tpu.memory_space<hbm>> -> memref<1x2048xf32, #tpu.memory_space<hbm>>
      %dma_wait3A_665 = arith.constant 6 : i32
      %dma_wait3A_666 = arith.constant 0 : i32
      %dma_wait3A_667 = tpu.memref_slice %arg6[%dma_wait3A_665, %dma_wait3A_666] : memref<8x2048xf32, #tpu.memory_space<vmem>> -> memref<1x2048xf32, #tpu.memory_space<vmem>>
      %dma_wait3A_668 = arith.constant 1 : i32
      %dma_wait3A_669 = arith.constant 0 : i32
      %dma_wait3A_670 = tpu.memref_slice %arg3[%dma_wait3A_668, %dma_wait3A_669] : memref<2x2048xf32, #tpu.memory_space<hbm>> -> memref<1x2048xf32, #tpu.memory_space<hbm>>
      tpu.wait_dma2 semaphore(%run_scoped3A : memref<!tpu.dma_semaphore, #tpu.memory_space<semaphore_mem>>) src(%dma_wait3A_670 : memref<1x2048xf32, #tpu.memory_space<hbm>>) dst(%dma_wait3A_667 : memref<1x2048xf32, #tpu.memory_space<vmem>>)
      tpu.yield
    }) : () -> ()
    "tpu.region"() ({
      %run_scoped3A = tpu.sem_alloc : memref<!tpu.dma_semaphore, #tpu.memory_space<semaphore_mem>>
      %dma_start3A_647 = arith.constant 7 : i32
      %dma_start3A_648 = arith.constant 0 : i32
      %dma_start3A_649 = tpu.memref_slice %arg6[%dma_start3A_647, %dma_start3A_648] : memref<8x2048xf32, #tpu.memory_space<vmem>> -> memref<1x2048xf32, #tpu.memory_space<vmem>>
      %dma_start3A_650 = arith.constant 1 : i32
      %dma_start3A_651 = arith.constant 0 : i32
      %dma_start3A_652 = tpu.memref_slice %arg3[%dma_start3A_650, %dma_start3A_651] : memref<2x2048xf32, #tpu.memory_space<hbm>> -> memref<1x2048xf32, #tpu.memory_space<hbm>>
      %dma_start3A_653 = arith.constant 7 : i32
      %dma_start3A_654 = arith.constant 0 : i32
      %dma_start3A_655 = tpu.memref_slice %arg6[%dma_start3A_653, %dma_start3A_654] : memref<8x2048xf32, #tpu.memory_space<vmem>> -> memref<1x2048xf32, #tpu.memory_space<vmem>>
      %dma_start3A_656 = arith.constant 1 : i32
      %dma_start3A_657 = arith.constant 0 : i32
      %dma_start3A_658 = tpu.memref_slice %arg3[%dma_start3A_656, %dma_start3A_657] : memref<2x2048xf32, #tpu.memory_space<hbm>> -> memref<1x2048xf32, #tpu.memory_space<hbm>>
      tpu.enqueue_dma source(%dma_start3A_658 : memref<1x2048xf32, #tpu.memory_space<hbm>>) target(%dma_start3A_655 : memref<1x2048xf32, #tpu.memory_space<vmem>>) target_semaphore(%run_scoped3A : memref<!tpu.dma_semaphore, #tpu.memory_space<semaphore_mem>>)
      %dma_wait3A_659 = arith.constant 7 : i32
      %dma_wait3A_660 = arith.constant 0 : i32
      %dma_wait3A_661 = tpu.memref_slice %arg6[%dma_wait3A_659, %dma_wait3A_660] : memref<8x2048xf32, #tpu.memory_space<vmem>> -> memref<1x2048xf32, #tpu.memory_space<vmem>>
      %dma_wait3A_662 = arith.constant 1 : i32
      %dma_wait3A_663 = arith.constant 0 : i32
      %dma_wait3A_664 = tpu.memref_slice %arg3[%dma_wait3A_662, %dma_wait3A_663] : memref<2x2048xf32, #tpu.memory_space<hbm>> -> memref<1x2048xf32, #tpu.memory_space<hbm>>
      %dma_wait3A_665 = arith.constant 7 : i32
      %dma_wait3A_666 = arith.constant 0 : i32
      %dma_wait3A_667 = tpu.memref_slice %arg6[%dma_wait3A_665, %dma_wait3A_666] : memref<8x2048xf32, #tpu.memory_space<vmem>> -> memref<1x2048xf32, #tpu.memory_space<vmem>>
      %dma_wait3A_668 = arith.constant 1 : i32
      %dma_wait3A_669 = arith.constant 0 : i32
      %dma_wait3A_670 = tpu.memref_slice %arg3[%dma_wait3A_668, %dma_wait3A_669] : memref<2x2048xf32, #tpu.memory_space<hbm>> -> memref<1x2048xf32, #tpu.memory_space<hbm>>
      tpu.wait_dma2 semaphore(%run_scoped3A : memref<!tpu.dma_semaphore, #tpu.memory_space<semaphore_mem>>) src(%dma_wait3A_670 : memref<1x2048xf32, #tpu.memory_space<hbm>>) dst(%dma_wait3A_667 : memref<1x2048xf32, #tpu.memory_space<vmem>>)
      tpu.yield
    }) : () -> ()
    %lt3A = arith.constant 4 : i32
    %lt3A_22 = arith.cmpi slt, %arg1, %lt3A : i32
    %convert_element_type3A = arith.extui %lt3A_22 : i1 to i32
    %cond3A = arith.constant 0 : i32
    %cond3A_23 = arith.cmpi ne, %convert_element_type3A, %cond3A : i32
    scf.if %cond3A_23 {
      %shift_right_arithmetic3A = arith.constant 1 : i32
      %shift_right_arithmetic3A_647 = arith.shrsi %arg1, %shift_right_arithmetic3A : i32
      %and3A_648 = arith.constant 1 : i32
      %and3A_649 = arith.andi %shift_right_arithmetic3A_647, %and3A_648 : i32
      %mul3A_650 = arith.constant 2 : i32
      %mul3A_651 = arith.muli %arg1, %mul3A_650 : i32
      %add3A_652 = arith.constant 0 : i32
      %add3A_653 = arith.addi %mul3A_651, %add3A_652 : i32
      "tpu.region"() ({
        %run_scoped3A = tpu.sem_alloc : memref<!tpu.dma_semaphore, #tpu.memory_space<semaphore_mem>>
        %dma_start3A_662 = arith.constant 0 : i32
        %dma_start3A_663 = tpu.memref_slice %arg7[%add3A_653, %dma_start3A_662] : memref<8x2048xf32, #tpu.memory_space<vmem_shared>> -> memref<1x2048xf32, #tpu.memory_space<vmem_shared>>
        %dma_start3A_664 = arith.constant 0 : i32
        %dma_start3A_665 = tpu.memref_slice %arg3[%and3A_649, %dma_start3A_664] : memref<2x2048xf32, #tpu.memory_space<hbm>> -> memref<1x2048xf32, #tpu.memory_space<hbm>>
        tpu.enqueue_dma source(%dma_start3A_665 : memref<1x2048xf32, #tpu.memory_space<hbm>>) target(%dma_start3A_663 : memref<1x2048xf32, #tpu.memory_space<vmem_shared>>) target_semaphore(%run_scoped3A : memref<!tpu.dma_semaphore, #tpu.memory_space<semaphore_mem>>)
        %dma_wait3A_666 = arith.constant 0 : i32
        %dma_wait3A_667 = tpu.memref_slice %arg7[%add3A_653, %dma_wait3A_666] : memref<8x2048xf32, #tpu.memory_space<vmem_shared>> -> memref<1x2048xf32, #tpu.memory_space<vmem_shared>>
        %dma_wait3A_668 = arith.constant 0 : i32
        %dma_wait3A_669 = tpu.memref_slice %arg3[%and3A_649, %dma_wait3A_668] : memref<2x2048xf32, #tpu.memory_space<hbm>> -> memref<1x2048xf32, #tpu.memory_space<hbm>>
        tpu.wait_dma2 semaphore(%run_scoped3A : memref<!tpu.dma_semaphore, #tpu.memory_space<semaphore_mem>>) src(%dma_wait3A_669 : memref<1x2048xf32, #tpu.memory_space<hbm>>) dst(%dma_wait3A_667 : memref<1x2048xf32, #tpu.memory_space<vmem_shared>>)
        tpu.yield
      }) : () -> ()
      %shift_right_arithmetic3A_654 = arith.constant 0 : i32
      %shift_right_arithmetic3A_655 = arith.shrsi %arg1, %shift_right_arithmetic3A_654 : i32
      %and3A_656 = arith.constant 1 : i32
      %and3A_657 = arith.andi %shift_right_arithmetic3A_655, %and3A_656 : i32
      %mul3A_658 = arith.constant 2 : i32
      %mul3A_659 = arith.muli %arg1, %mul3A_658 : i32
      %add3A_660 = arith.constant 1 : i32
      %add3A_661 = arith.addi %mul3A_659, %add3A_660 : i32
      "tpu.region"() ({
        %run_scoped3A = tpu.sem_alloc : memref<!tpu.dma_semaphore, #tpu.memory_space<semaphore_mem>>
        %dma_start3A_662 = arith.constant 0 : i32
        %dma_start3A_663 = tpu.memref_slice %arg7[%add3A_661, %dma_start3A_662] : memref<8x2048xf32, #tpu.memory_space<vmem_shared>> -> memref<1x2048xf32, #tpu.memory_space<vmem_shared>>
        %dma_start3A_664 = arith.constant 0 : i32
        %dma_start3A_665 = tpu.memref_slice %arg3[%and3A_657, %dma_start3A_664] : memref<2x2048xf32, #tpu.memory_space<hbm>> -> memref<1x2048xf32, #tpu.memory_space<hbm>>
        tpu.enqueue_dma source(%dma_start3A_665 : memref<1x2048xf32, #tpu.memory_space<hbm>>) target(%dma_start3A_663 : memref<1x2048xf32, #tpu.memory_space<vmem_shared>>) target_semaphore(%run_scoped3A : memref<!tpu.dma_semaphore, #tpu.memory_space<semaphore_mem>>)
        %dma_wait3A_666 = arith.constant 0 : i32
        %dma_wait3A_667 = tpu.memref_slice %arg7[%add3A_661, %dma_wait3A_666] : memref<8x2048xf32, #tpu.memory_space<vmem_shared>> -> memref<1x2048xf32, #tpu.memory_space<vmem_shared>>
        %dma_wait3A_668 = arith.constant 0 : i32
        %dma_wait3A_669 = tpu.memref_slice %arg3[%and3A_657, %dma_wait3A_668] : memref<2x2048xf32, #tpu.memory_space<hbm>> -> memref<1x2048xf32, #tpu.memory_space<hbm>>
        tpu.wait_dma2 semaphore(%run_scoped3A : memref<!tpu.dma_semaphore, #tpu.memory_space<semaphore_mem>>) src(%dma_wait3A_669 : memref<1x2048xf32, #tpu.memory_space<hbm>>) dst(%dma_wait3A_667 : memref<1x2048xf32, #tpu.memory_space<vmem_shared>>)
        tpu.yield
      }) : () -> ()
    } else {
    }
    %barrier3A = arith.constant 0 : index
    tpu.barrier barrier_id(%barrier3A)
    %iota3A = tpu.iota {dimensions = array<i32: 0>} : vector<16xi32>
    %jit3A_24 = arith.constant 2 : i32
    %eq3A = arith.constant 0 : i32
    %eq3A_25 = arith.cmpi eq, %jit3A_24, %eq3A : i32
    %jit3A_26 = arith.constant 1 : i32
    %select_n3A_27 = arith.select %eq3A_25, %jit3A_26, %jit3A_24 : i32
    %rem3A_28 = vector.broadcast %select_n3A_27 : i32 to vector<16xi32>
    %rem3A_29 = arith.remsi %iota3A, %rem3A_28 : vector<16xi32>
    %ne3A_30 = arith.constant 0 : i32
    %ne3A_31 = vector.broadcast %ne3A_30 : i32 to vector<16xi32>
    %ne3A_32 = arith.cmpi ne, %rem3A_29, %ne3A_31 : vector<16xi32>
    %lt3A_33 = arith.constant 0 : i32
    %lt3A_34 = vector.broadcast %lt3A_33 : i32 to vector<16xi32>
    %lt3A_35 = arith.cmpi slt, %rem3A_29, %lt3A_34 : vector<16xi32>
    %lt3A_36 = arith.constant 0 : i32
    %lt3A_37 = arith.cmpi slt, %select_n3A_27, %lt3A_36 : i32
    %ne3A_38 = vector.broadcast %lt3A_37 : i1 to vector<16xi1>
    %ne3A_39 = vector.broadcast %ne3A_38 : vector<16xi1> to vector<16xi1>
    %ne3A_40 = arith.xori %lt3A_35, %ne3A_39 : vector<16xi1>
    %and3A_41 = arith.andi %ne3A_40, %ne3A_32 : vector<16xi1>
    %add3A_42 = vector.broadcast %select_n3A_27 : i32 to vector<16xi32>
    %add3A_43 = arith.addi %rem3A_29, %add3A_42 : vector<16xi32>
    %select_n3A_44 = arith.select %and3A_41, %add3A_43, %rem3A_29 : vector<16xi1>, vector<16xi32>
    %sub3A_45 = arith.constant 1 : i32
    %sub3A_46 = vector.broadcast %sub3A_45 : i32 to vector<16xi32>
    %sub3A_47 = arith.subi %sub3A_46, %select_n3A_44 : vector<16xi32>
    %shift_left3A = arith.constant 1 : i32
    %shift_left3A_48 = vector.broadcast %shift_left3A : i32 to vector<16xi32>
    %shift_left3A_49 = arith.shli %shift_left3A_48, %sub3A_47 : vector<16xi32>
    %jit3A_50 = arith.constant 2 : i32
    %div3A_51 = vector.broadcast %jit3A_50 : i32 to vector<16xi32>
    %div3A_52 = arith.divsi %iota3A, %div3A_51 : vector<16xi32>
    %sign3A_53 = arith.constant 0 : i32
    %sign3A_54 = vector.broadcast %sign3A_53 : i32 to vector<16xi32>
    %sign3A_55 = arith.cmpi sgt, %iota3A, %sign3A_54 : vector<16xi32>
    %sign3A_56 = arith.extui %sign3A_55 : vector<16xi1> to vector<16xi32>
    %sign3A_57 = arith.constant 0 : i32
    %sign3A_58 = vector.broadcast %sign3A_57 : i32 to vector<16xi32>
    %sign3A_59 = arith.cmpi slt, %iota3A, %sign3A_58 : vector<16xi32>
    %sign3A_60 = arith.extui %sign3A_59 : vector<16xi1> to vector<16xi32>
    %sign3A_61 = arith.subi %sign3A_56, %sign3A_60 : vector<16xi32>
    %sign3A_62 = arith.constant 0 : i32
    %sign3A_63 = arith.cmpi sgt, %jit3A_50, %sign3A_62 : i32
    %sign3A_64 = arith.extui %sign3A_63 : i1 to i32
    %sign3A_65 = arith.constant 0 : i32
    %sign3A_66 = arith.cmpi slt, %jit3A_50, %sign3A_65 : i32
    %sign3A_67 = arith.extui %sign3A_66 : i1 to i32
    %sign3A_68 = arith.subi %sign3A_64, %sign3A_67 : i32
    %ne3A_69 = vector.broadcast %sign3A_68 : i32 to vector<16xi32>
    %ne3A_70 = arith.cmpi ne, %sign3A_61, %ne3A_69 : vector<16xi32>
    %rem3A_71 = vector.broadcast %jit3A_50 : i32 to vector<16xi32>
    %rem3A_72 = arith.remsi %iota3A, %rem3A_71 : vector<16xi32>
    %ne3A_73 = arith.constant 0 : i32
    %ne3A_74 = vector.broadcast %ne3A_73 : i32 to vector<16xi32>
    %ne3A_75 = arith.cmpi ne, %rem3A_72, %ne3A_74 : vector<16xi32>
    %and3A_76 = arith.andi %ne3A_70, %ne3A_75 : vector<16xi1>
    %sub3A_77 = arith.constant 1 : i32
    %sub3A_78 = vector.broadcast %sub3A_77 : i32 to vector<16xi32>
    %sub3A_79 = arith.subi %div3A_52, %sub3A_78 : vector<16xi32>
    %select_n3A_80 = arith.select %and3A_76, %sub3A_79, %div3A_52 : vector<16xi1>, vector<16xi32>
    %get3A = arith.constant 0 : index
    %get3A_81 = tpu.vector_load %arg5[%get3A] {strides = array<i32>} : memref<1024xi32, #tpu.memory_space<vmem>>, vector<16xi32>,
    %mul3A_82 = arith.muli %get3A_81, %shift_left3A_49 : vector<16xi32>
    %eq3A_83 = arith.constant 0 : i32
    %eq3A_84 = vector.broadcast %eq3A_83 : i32 to vector<16xi32>
    %eq3A_85 = arith.cmpi eq, %select_n3A_80, %eq3A_84 : vector<16xi32>
    %jit3A_86 = arith.constant 0 : i32
    %broadcast_in_dim3A = vector.broadcast %jit3A_86 : i32 to vector<16xi32>
    %select_n3A_87 = arith.select %eq3A_85, %mul3A_82, %broadcast_in_dim3A : vector<16xi1>, vector<16xi32>
    %reduce_sum3A = arith.constant true
    %reduce_sum3A_88 = vector.broadcast %reduce_sum3A : i1 to vector<16xi1>
    %reduce_sum3A_89 = tpu.scan <sum>, %select_n3A_87 masked %reduce_sum3A_88 : vector<16xi32>, vector<16xi1> -> vector<16xi32>
    %reduce_sum3A_90 = vector.extract %reduce_sum3A_89[15] : i32 from vector<16xi32>
    %add3A_91 = arith.constant 0 : i32
    %add3A_92 = arith.addi %sub3A_21, %add3A_91 : i32
    %add3A_93 = arith.constant 0 : i32
    %add3A_94 = arith.addi %add3A_92, %add3A_93 : i32
    %mul3A_95 = arith.constant 2 : i32
    %mul3A_96 = arith.muli %reduce_sum3A_90, %mul3A_95 : i32
    %dma_start3A = arith.constant 0 : i32
    %dma_start3A_97 = tpu.memref_slice %arg6[%mul3A_96, %dma_start3A] : memref<8x2048xf32, #tpu.memory_space<vmem>> -> memref<2x2048xf32, #tpu.memory_space<vmem>>
    %dma_start3A_98 = arith.constant 0 : i32
    %dma_start3A_99 = tpu.memref_slice %arg4[%select_n3A, %add3A_94, %dma_start3A_98] : memref<4x8192x2048xf32, #tpu.memory_space<hbm>> -> memref<1x2x2048xf32, #tpu.memory_space<hbm>>
    %dma_start3A_100 = tpu.memref_squeeze %dma_start3A_99 : memref<1x2x2048xf32, #tpu.memory_space<hbm>> -> memref<2x2048xf32, #tpu.memory_space<hbm>>
    %dma_start3A_101 = arith.constant 0 : i32
    %dma_start3A_102 = tpu.memref_slice %arg4[%select_n3A, %add3A_94, %dma_start3A_101] : memref<4x8192x2048xf32, #tpu.memory_space<hbm>> -> memref<1x2x2048xf32, #tpu.memory_space<hbm>>
    %dma_start3A_103 = tpu.memref_squeeze %dma_start3A_102 : memref<1x2x2048xf32, #tpu.memory_space<hbm>> -> memref<2x2048xf32, #tpu.memory_space<hbm>>
    %dma_start3A_104 = arith.constant 0 : i32
    %dma_start3A_105 = tpu.memref_slice %arg6[%mul3A_96, %dma_start3A_104] : memref<8x2048xf32, #tpu.memory_space<vmem>> -> memref<2x2048xf32, #tpu.memory_space<vmem>>
    tpu.enqueue_dma source(%dma_start3A_105 : memref<2x2048xf32, #tpu.memory_space<vmem>>) target(%dma_start3A_103 : memref<2x2048xf32, #tpu.memory_space<hbm>>) target_semaphore(%arg8 : memref<!tpu.dma_semaphore, #tpu.memory_space<semaphore_mem>>)
    %eq3A_106 = arith.constant 1 : i32
    %eq3A_107 = vector.broadcast %eq3A_106 : i32 to vector<16xi32>
    %eq3A_108 = arith.cmpi eq, %select_n3A_80, %eq3A_107 : vector<16xi32>
    %jit3A_109 = arith.constant 0 : i32
    %broadcast_in_dim3A_110 = vector.broadcast %jit3A_109 : i32 to vector<16xi32>
    %select_n3A_111 = arith.select %eq3A_108, %mul3A_82, %broadcast_in_dim3A_110 : vector<16xi1>, vector<16xi32>
    %reduce_sum3A_112 = arith.constant true
    %reduce_sum3A_113 = vector.broadcast %reduce_sum3A_112 : i1 to vector<16xi1>
    %reduce_sum3A_114 = tpu.scan <sum>, %select_n3A_111 masked %reduce_sum3A_113 : vector<16xi32>, vector<16xi1> -> vector<16xi32>
    %reduce_sum3A_115 = vector.extract %reduce_sum3A_114[15] : i32 from vector<16xi32>
    %add3A_116 = arith.constant 0 : i32
    %add3A_117 = arith.addi %sub3A_21, %add3A_116 : i32
    %add3A_118 = arith.constant 2 : i32
    %add3A_119 = arith.addi %add3A_117, %add3A_118 : i32
    %mul3A_120 = arith.constant 2 : i32
    %mul3A_121 = arith.muli %reduce_sum3A_115, %mul3A_120 : i32
    %dma_start3A_122 = arith.constant 0 : i32
    %dma_start3A_123 = tpu.memref_slice %arg6[%mul3A_121, %dma_start3A_122] : memref<8x2048xf32, #tpu.memory_space<vmem>> -> memref<2x2048xf32, #tpu.memory_space<vmem>>
    %dma_start3A_124 = arith.constant 0 : i32
    %dma_start3A_125 = tpu.memref_slice %arg4[%select_n3A, %add3A_119, %dma_start3A_124] : memref<4x8192x2048xf32, #tpu.memory_space<hbm>> -> memref<1x2x2048xf32, #tpu.memory_space<hbm>>
    %dma_start3A_126 = tpu.memref_squeeze %dma_start3A_125 : memref<1x2x2048xf32, #tpu.memory_space<hbm>> -> memref<2x2048xf32, #tpu.memory_space<hbm>>
    %dma_start3A_127 = arith.constant 0 : i32
    %dma_start3A_128 = tpu.memref_slice %arg4[%select_n3A, %add3A_119, %dma_start3A_127] : memref<4x8192x2048xf32, #tpu.memory_space<hbm>> -> memref<1x2x2048xf32, #tpu.memory_space<hbm>>
    %dma_start3A_129 = tpu.memref_squeeze %dma_start3A_128 : memref<1x2x2048xf32, #tpu.memory_space<hbm>> -> memref<2x2048xf32, #tpu.memory_space<hbm>>
    %dma_start3A_130 = arith.constant 0 : i32
    %dma_start3A_131 = tpu.memref_slice %arg6[%mul3A_121, %dma_start3A_130] : memref<8x2048xf32, #tpu.memory_space<vmem>> -> memref<2x2048xf32, #tpu.memory_space<vmem>>
    tpu.enqueue_dma source(%dma_start3A_131 : memref<2x2048xf32, #tpu.memory_space<vmem>>) target(%dma_start3A_129 : memref<2x2048xf32, #tpu.memory_space<hbm>>) target_semaphore(%arg8 : memref<!tpu.dma_semaphore, #tpu.memory_space<semaphore_mem>>)
    %eq3A_132 = arith.constant 2 : i32
    %eq3A_133 = vector.broadcast %eq3A_132 : i32 to vector<16xi32>
    %eq3A_134 = arith.cmpi eq, %select_n3A_80, %eq3A_133 : vector<16xi32>
    %jit3A_135 = arith.constant 0 : i32
    %broadcast_in_dim3A_136 = vector.broadcast %jit3A_135 : i32 to vector<16xi32>
    %select_n3A_137 = arith.select %eq3A_134, %mul3A_82, %broadcast_in_dim3A_136 : vector<16xi1>, vector<16xi32>
    %reduce_sum3A_138 = arith.constant true
    %reduce_sum3A_139 = vector.broadcast %reduce_sum3A_138 : i1 to vector<16xi1>
    %reduce_sum3A_140 = tpu.scan <sum>, %select_n3A_137 masked %reduce_sum3A_139 : vector<16xi32>, vector<16xi1> -> vector<16xi32>
    %reduce_sum3A_141 = vector.extract %reduce_sum3A_140[15] : i32 from vector<16xi32>
    %add3A_142 = arith.constant 0 : i32
    %add3A_143 = arith.addi %sub3A_21, %add3A_142 : i32
    %add3A_144 = arith.constant 4 : i32
    %add3A_145 = arith.addi %add3A_143, %add3A_144 : i32
    %mul3A_146 = arith.constant 2 : i32
    %mul3A_147 = arith.muli %reduce_sum3A_141, %mul3A_146 : i32
    %dma_start3A_148 = arith.constant 0 : i32
    %dma_start3A_149 = tpu.memref_slice %arg6[%mul3A_147, %dma_start3A_148] : memref<8x2048xf32, #tpu.memory_space<vmem>> -> memref<2x2048xf32, #tpu.memory_space<vmem>>
    %dma_start3A_150 = arith.constant 0 : i32
    %dma_start3A_151 = tpu.memref_slice %arg4[%select_n3A, %add3A_145, %dma_start3A_150] : memref<4x8192x2048xf32, #tpu.memory_space<hbm>> -> memref<1x2x2048xf32, #tpu.memory_space<hbm>>
    %dma_start3A_152 = tpu.memref_squeeze %dma_start3A_151 : memref<1x2x2048xf32, #tpu.memory_space<hbm>> -> memref<2x2048xf32, #tpu.memory_space<hbm>>
    %dma_start3A_153 = arith.constant 0 : i32
    %dma_start3A_154 = tpu.memref_slice %arg4[%select_n3A, %add3A_145, %dma_start3A_153] : memref<4x8192x2048xf32, #tpu.memory_space<hbm>> -> memref<1x2x2048xf32, #tpu.memory_space<hbm>>
    %dma_start3A_155 = tpu.memref_squeeze %dma_start3A_154 : memref<1x2x2048xf32, #tpu.memory_space<hbm>> -> memref<2x2048xf32, #tpu.memory_space<hbm>>
    %dma_start3A_156 = arith.constant 0 : i32
    %dma_start3A_157 = tpu.memref_slice %arg6[%mul3A_147, %dma_start3A_156] : memref<8x2048xf32, #tpu.memory_space<vmem>> -> memref<2x2048xf32, #tpu.memory_space<vmem>>
    tpu.enqueue_dma source(%dma_start3A_157 : memref<2x2048xf32, #tpu.memory_space<vmem>>) target(%dma_start3A_155 : memref<2x2048xf32, #tpu.memory_space<hbm>>) target_semaphore(%arg8 : memref<!tpu.dma_semaphore, #tpu.memory_space<semaphore_mem>>)
    %eq3A_158 = arith.constant 3 : i32
    %eq3A_159 = vector.broadcast %eq3A_158 : i32 to vector<16xi32>
    %eq3A_160 = arith.cmpi eq, %select_n3A_80, %eq3A_159 : vector<16xi32>
    %jit3A_161 = arith.constant 0 : i32
    %broadcast_in_dim3A_162 = vector.broadcast %jit3A_161 : i32 to vector<16xi32>
    %select_n3A_163 = arith.select %eq3A_160, %mul3A_82, %broadcast_in_dim3A_162 : vector<16xi1>, vector<16xi32>
    %reduce_sum3A_164 = arith.constant true
    %reduce_sum3A_165 = vector.broadcast %reduce_sum3A_164 : i1 to vector<16xi1>
    %reduce_sum3A_166 = tpu.scan <sum>, %select_n3A_163 masked %reduce_sum3A_165 : vector<16xi32>, vector<16xi1> -> vector<16xi32>
    %reduce_sum3A_167 = vector.extract %reduce_sum3A_166[15] : i32 from vector<16xi32>
    %add3A_168 = arith.constant 0 : i32
    %add3A_169 = arith.addi %sub3A_21, %add3A_168 : i32
    %add3A_170 = arith.constant 6 : i32
    %add3A_171 = arith.addi %add3A_169, %add3A_170 : i32
    %mul3A_172 = arith.constant 2 : i32
    %mul3A_173 = arith.muli %reduce_sum3A_167, %mul3A_172 : i32
    %dma_start3A_174 = arith.constant 0 : i32
    %dma_start3A_175 = tpu.memref_slice %arg6[%mul3A_173, %dma_start3A_174] : memref<8x2048xf32, #tpu.memory_space<vmem>> -> memref<2x2048xf32, #tpu.memory_space<vmem>>
    %dma_start3A_176 = arith.constant 0 : i32
    %dma_start3A_177 = tpu.memref_slice %arg4[%select_n3A, %add3A_171, %dma_start3A_176] : memref<4x8192x2048xf32, #tpu.memory_space<hbm>> -> memref<1x2x2048xf32, #tpu.memory_space<hbm>>
    %dma_start3A_178 = tpu.memref_squeeze %dma_start3A_177 : memref<1x2x2048xf32, #tpu.memory_space<hbm>> -> memref<2x2048xf32, #tpu.memory_space<hbm>>
    %dma_start3A_179 = arith.constant 0 : i32
    %dma_start3A_180 = tpu.memref_slice %arg4[%select_n3A, %add3A_171, %dma_start3A_179] : memref<4x8192x2048xf32, #tpu.memory_space<hbm>> -> memref<1x2x2048xf32, #tpu.memory_space<hbm>>
    %dma_start3A_181 = tpu.memref_squeeze %dma_start3A_180 : memref<1x2x2048xf32, #tpu.memory_space<hbm>> -> memref<2x2048xf32, #tpu.memory_space<hbm>>
    %dma_start3A_182 = arith.constant 0 : i32
    %dma_start3A_183 = tpu.memref_slice %arg6[%mul3A_173, %dma_start3A_182] : memref<8x2048xf32, #tpu.memory_space<vmem>> -> memref<2x2048xf32, #tpu.memory_space<vmem>>
    tpu.enqueue_dma source(%dma_start3A_183 : memref<2x2048xf32, #tpu.memory_space<vmem>>) target(%dma_start3A_181 : memref<2x2048xf32, #tpu.memory_space<hbm>>) target_semaphore(%arg8 : memref<!tpu.dma_semaphore, #tpu.memory_space<semaphore_mem>>)
    %eq3A_184 = arith.constant 4 : i32
    %eq3A_185 = vector.broadcast %eq3A_184 : i32 to vector<16xi32>
    %eq3A_186 = arith.cmpi eq, %select_n3A_80, %eq3A_185 : vector<16xi32>
    %jit3A_187 = arith.constant 0 : i32
    %broadcast_in_dim3A_188 = vector.broadcast %jit3A_187 : i32 to vector<16xi32>
    %select_n3A_189 = arith.select %eq3A_186, %mul3A_82, %broadcast_in_dim3A_188 : vector<16xi1>, vector<16xi32>
    %reduce_sum3A_190 = arith.constant true
    %reduce_sum3A_191 = vector.broadcast %reduce_sum3A_190 : i1 to vector<16xi1>
    %reduce_sum3A_192 = tpu.scan <sum>, %select_n3A_189 masked %reduce_sum3A_191 : vector<16xi32>, vector<16xi1> -> vector<16xi32>
    %reduce_sum3A_193 = vector.extract %reduce_sum3A_192[15] : i32 from vector<16xi32>
    %add3A_194 = arith.constant 0 : i32
    %add3A_195 = arith.addi %sub3A_21, %add3A_194 : i32
    %add3A_196 = arith.constant 8 : i32
    %add3A_197 = arith.addi %add3A_195, %add3A_196 : i32
    %mul3A_198 = arith.constant 2 : i32
    %mul3A_199 = arith.muli %reduce_sum3A_193, %mul3A_198 : i32
    %dma_start3A_200 = arith.constant 0 : i32
    %dma_start3A_201 = tpu.memref_slice %arg6[%mul3A_199, %dma_start3A_200] : memref<8x2048xf32, #tpu.memory_space<vmem>> -> memref<2x2048xf32, #tpu.memory_space<vmem>>
    %dma_start3A_202 = arith.constant 0 : i32
    %dma_start3A_203 = tpu.memref_slice %arg4[%select_n3A, %add3A_197, %dma_start3A_202] : memref<4x8192x2048xf32, #tpu.memory_space<hbm>> -> memref<1x2x2048xf32, #tpu.memory_space<hbm>>
    %dma_start3A_204 = tpu.memref_squeeze %dma_start3A_203 : memref<1x2x2048xf32, #tpu.memory_space<hbm>> -> memref<2x2048xf32, #tpu.memory_space<hbm>>
    %dma_start3A_205 = arith.constant 0 : i32
    %dma_start3A_206 = tpu.memref_slice %arg4[%select_n3A, %add3A_197, %dma_start3A_205] : memref<4x8192x2048xf32, #tpu.memory_space<hbm>> -> memref<1x2x2048xf32, #tpu.memory_space<hbm>>
    %dma_start3A_207 = tpu.memref_squeeze %dma_start3A_206 : memref<1x2x2048xf32, #tpu.memory_space<hbm>> -> memref<2x2048xf32, #tpu.memory_space<hbm>>
    %dma_start3A_208 = arith.constant 0 : i32
    %dma_start3A_209 = tpu.memref_slice %arg6[%mul3A_199, %dma_start3A_208] : memref<8x2048xf32, #tpu.memory_space<vmem>> -> memref<2x2048xf32, #tpu.memory_space<vmem>>
    tpu.enqueue_dma source(%dma_start3A_209 : memref<2x2048xf32, #tpu.memory_space<vmem>>) target(%dma_start3A_207 : memref<2x2048xf32, #tpu.memory_space<hbm>>) target_semaphore(%arg8 : memref<!tpu.dma_semaphore, #tpu.memory_space<semaphore_mem>>)
    %eq3A_210 = arith.constant 5 : i32
    %eq3A_211 = vector.broadcast %eq3A_210 : i32 to vector<16xi32>
    %eq3A_212 = arith.cmpi eq, %select_n3A_80, %eq3A_211 : vector<16xi32>
    %jit3A_213 = arith.constant 0 : i32
    %broadcast_in_dim3A_214 = vector.broadcast %jit3A_213 : i32 to vector<16xi32>
    %select_n3A_215 = arith.select %eq3A_212, %mul3A_82, %broadcast_in_dim3A_214 : vector<16xi1>, vector<16xi32>
    %reduce_sum3A_216 = arith.constant true
    %reduce_sum3A_217 = vector.broadcast %reduce_sum3A_216 : i1 to vector<16xi1>
    %reduce_sum3A_218 = tpu.scan <sum>, %select_n3A_215 masked %reduce_sum3A_217 : vector<16xi32>, vector<16xi1> -> vector<16xi32>
    %reduce_sum3A_219 = vector.extract %reduce_sum3A_218[15] : i32 from vector<16xi32>
    %add3A_220 = arith.constant 0 : i32
    %add3A_221 = arith.addi %sub3A_21, %add3A_220 : i32
    %add3A_222 = arith.constant 10 : i32
    %add3A_223 = arith.addi %add3A_221, %add3A_222 : i32
    %mul3A_224 = arith.constant 2 : i32
    %mul3A_225 = arith.muli %reduce_sum3A_219, %mul3A_224 : i32
    %dma_start3A_226 = arith.constant 0 : i32
    %dma_start3A_227 = tpu.memref_slice %arg6[%mul3A_225, %dma_start3A_226] : memref<8x2048xf32, #tpu.memory_space<vmem>> -> memref<2x2048xf32, #tpu.memory_space<vmem>>
    %dma_start3A_228 = arith.constant 0 : i32
    %dma_start3A_229 = tpu.memref_slice %arg4[%select_n3A, %add3A_223, %dma_start3A_228] : memref<4x8192x2048xf32, #tpu.memory_space<hbm>> -> memref<1x2x2048xf32, #tpu.memory_space<hbm>>
    %dma_start3A_230 = tpu.memref_squeeze %dma_start3A_229 : memref<1x2x2048xf32, #tpu.memory_space<hbm>> -> memref<2x2048xf32, #tpu.memory_space<hbm>>
    %dma_start3A_231 = arith.constant 0 : i32
    %dma_start3A_232 = tpu.memref_slice %arg4[%select_n3A, %add3A_223, %dma_start3A_231] : memref<4x8192x2048xf32, #tpu.memory_space<hbm>> -> memref<1x2x2048xf32, #tpu.memory_space<hbm>>
    %dma_start3A_233 = tpu.memref_squeeze %dma_start3A_232 : memref<1x2x2048xf32, #tpu.memory_space<hbm>> -> memref<2x2048xf32, #tpu.memory_space<hbm>>
    %dma_start3A_234 = arith.constant 0 : i32
    %dma_start3A_235 = tpu.memref_slice %arg6[%mul3A_225, %dma_start3A_234] : memref<8x2048xf32, #tpu.memory_space<vmem>> -> memref<2x2048xf32, #tpu.memory_space<vmem>>
    tpu.enqueue_dma source(%dma_start3A_235 : memref<2x2048xf32, #tpu.memory_space<vmem>>) target(%dma_start3A_233 : memref<2x2048xf32, #tpu.memory_space<hbm>>) target_semaphore(%arg8 : memref<!tpu.dma_semaphore, #tpu.memory_space<semaphore_mem>>)
    %eq3A_236 = arith.constant 6 : i32
    %eq3A_237 = vector.broadcast %eq3A_236 : i32 to vector<16xi32>
    %eq3A_238 = arith.cmpi eq, %select_n3A_80, %eq3A_237 : vector<16xi32>
    %jit3A_239 = arith.constant 0 : i32
    %broadcast_in_dim3A_240 = vector.broadcast %jit3A_239 : i32 to vector<16xi32>
    %select_n3A_241 = arith.select %eq3A_238, %mul3A_82, %broadcast_in_dim3A_240 : vector<16xi1>, vector<16xi32>
    %reduce_sum3A_242 = arith.constant true
    %reduce_sum3A_243 = vector.broadcast %reduce_sum3A_242 : i1 to vector<16xi1>
    %reduce_sum3A_244 = tpu.scan <sum>, %select_n3A_241 masked %reduce_sum3A_243 : vector<16xi32>, vector<16xi1> -> vector<16xi32>
    %reduce_sum3A_245 = vector.extract %reduce_sum3A_244[15] : i32 from vector<16xi32>
    %add3A_246 = arith.constant 0 : i32
    %add3A_247 = arith.addi %sub3A_21, %add3A_246 : i32
    %add3A_248 = arith.constant 12 : i32
    %add3A_249 = arith.addi %add3A_247, %add3A_248 : i32
    %mul3A_250 = arith.constant 2 : i32
    %mul3A_251 = arith.muli %reduce_sum3A_245, %mul3A_250 : i32
    %dma_start3A_252 = arith.constant 0 : i32
    %dma_start3A_253 = tpu.memref_slice %arg6[%mul3A_251, %dma_start3A_252] : memref<8x2048xf32, #tpu.memory_space<vmem>> -> memref<2x2048xf32, #tpu.memory_space<vmem>>
    %dma_start3A_254 = arith.constant 0 : i32
    %dma_start3A_255 = tpu.memref_slice %arg4[%select_n3A, %add3A_249, %dma_start3A_254] : memref<4x8192x2048xf32, #tpu.memory_space<hbm>> -> memref<1x2x2048xf32, #tpu.memory_space<hbm>>
    %dma_start3A_256 = tpu.memref_squeeze %dma_start3A_255 : memref<1x2x2048xf32, #tpu.memory_space<hbm>> -> memref<2x2048xf32, #tpu.memory_space<hbm>>
    %dma_start3A_257 = arith.constant 0 : i32
    %dma_start3A_258 = tpu.memref_slice %arg4[%select_n3A, %add3A_249, %dma_start3A_257] : memref<4x8192x2048xf32, #tpu.memory_space<hbm>> -> memref<1x2x2048xf32, #tpu.memory_space<hbm>>
    %dma_start3A_259 = tpu.memref_squeeze %dma_start3A_258 : memref<1x2x2048xf32, #tpu.memory_space<hbm>> -> memref<2x2048xf32, #tpu.memory_space<hbm>>
    %dma_start3A_260 = arith.constant 0 : i32
    %dma_start3A_261 = tpu.memref_slice %arg6[%mul3A_251, %dma_start3A_260] : memref<8x2048xf32, #tpu.memory_space<vmem>> -> memref<2x2048xf32, #tpu.memory_space<vmem>>
    tpu.enqueue_dma source(%dma_start3A_261 : memref<2x2048xf32, #tpu.memory_space<vmem>>) target(%dma_start3A_259 : memref<2x2048xf32, #tpu.memory_space<hbm>>) target_semaphore(%arg8 : memref<!tpu.dma_semaphore, #tpu.memory_space<semaphore_mem>>)
    %eq3A_262 = arith.constant 7 : i32
    %eq3A_263 = vector.broadcast %eq3A_262 : i32 to vector<16xi32>
    %eq3A_264 = arith.cmpi eq, %select_n3A_80, %eq3A_263 : vector<16xi32>
    %jit3A_265 = arith.constant 0 : i32
    %broadcast_in_dim3A_266 = vector.broadcast %jit3A_265 : i32 to vector<16xi32>
    %select_n3A_267 = arith.select %eq3A_264, %mul3A_82, %broadcast_in_dim3A_266 : vector<16xi1>, vector<16xi32>
    %reduce_sum3A_268 = arith.constant true
    %reduce_sum3A_269 = vector.broadcast %reduce_sum3A_268 : i1 to vector<16xi1>
    %reduce_sum3A_270 = tpu.scan <sum>, %select_n3A_267 masked %reduce_sum3A_269 : vector<16xi32>, vector<16xi1> -> vector<16xi32>
    %reduce_sum3A_271 = vector.extract %reduce_sum3A_270[15] : i32 from vector<16xi32>
    %add3A_272 = arith.constant 0 : i32
    %add3A_273 = arith.addi %sub3A_21, %add3A_272 : i32
    %add3A_274 = arith.constant 14 : i32
    %add3A_275 = arith.addi %add3A_273, %add3A_274 : i32
    %mul3A_276 = arith.constant 2 : i32
    %mul3A_277 = arith.muli %reduce_sum3A_271, %mul3A_276 : i32
    %dma_start3A_278 = arith.constant 0 : i32
    %dma_start3A_279 = tpu.memref_slice %arg6[%mul3A_277, %dma_start3A_278] : memref<8x2048xf32, #tpu.memory_space<vmem>> -> memref<2x2048xf32, #tpu.memory_space<vmem>>
    %dma_start3A_280 = arith.constant 0 : i32
    %dma_start3A_281 = tpu.memref_slice %arg4[%select_n3A, %add3A_275, %dma_start3A_280] : memref<4x8192x2048xf32, #tpu.memory_space<hbm>> -> memref<1x2x2048xf32, #tpu.memory_space<hbm>>
    %dma_start3A_282 = tpu.memref_squeeze %dma_start3A_281 : memref<1x2x2048xf32, #tpu.memory_space<hbm>> -> memref<2x2048xf32, #tpu.memory_space<hbm>>
    %dma_start3A_283 = arith.constant 0 : i32
    %dma_start3A_284 = tpu.memref_slice %arg4[%select_n3A, %add3A_275, %dma_start3A_283] : memref<4x8192x2048xf32, #tpu.memory_space<hbm>> -> memref<1x2x2048xf32, #tpu.memory_space<hbm>>
    %dma_start3A_285 = tpu.memref_squeeze %dma_start3A_284 : memref<1x2x2048xf32, #tpu.memory_space<hbm>> -> memref<2x2048xf32, #tpu.memory_space<hbm>>
    %dma_start3A_286 = arith.constant 0 : i32
    %dma_start3A_287 = tpu.memref_slice %arg6[%mul3A_277, %dma_start3A_286] : memref<8x2048xf32, #tpu.memory_space<vmem>> -> memref<2x2048xf32, #tpu.memory_space<vmem>>
    tpu.enqueue_dma source(%dma_start3A_287 : memref<2x2048xf32, #tpu.memory_space<vmem>>) target(%dma_start3A_285 : memref<2x2048xf32, #tpu.memory_space<hbm>>) target_semaphore(%arg8 : memref<!tpu.dma_semaphore, #tpu.memory_space<semaphore_mem>>)
    %get3A_288 = arith.constant 16 : index
    %get3A_289 = tpu.vector_load %arg5[%get3A_288] {strides = array<i32>} : memref<1024xi32, #tpu.memory_space<vmem>>, vector<16xi32>,
    %mul3A_290 = arith.muli %get3A_289, %shift_left3A_49 : vector<16xi32>
    %eq3A_291 = arith.constant 0 : i32
    %eq3A_292 = vector.broadcast %eq3A_291 : i32 to vector<16xi32>
    %eq3A_293 = arith.cmpi eq, %select_n3A_80, %eq3A_292 : vector<16xi32>
    %jit3A_294 = arith.constant 0 : i32
    %broadcast_in_dim3A_295 = vector.broadcast %jit3A_294 : i32 to vector<16xi32>
    %select_n3A_296 = arith.select %eq3A_293, %mul3A_290, %broadcast_in_dim3A_295 : vector<16xi1>, vector<16xi32>
    %reduce_sum3A_297 = arith.constant true
    %reduce_sum3A_298 = vector.broadcast %reduce_sum3A_297 : i1 to vector<16xi1>
    %reduce_sum3A_299 = tpu.scan <sum>, %select_n3A_296 masked %reduce_sum3A_298 : vector<16xi32>, vector<16xi1> -> vector<16xi32>
    %reduce_sum3A_300 = vector.extract %reduce_sum3A_299[15] : i32 from vector<16xi32>
    %add3A_301 = arith.constant 16 : i32
    %add3A_302 = arith.addi %sub3A_21, %add3A_301 : i32
    %add3A_303 = arith.constant 0 : i32
    %add3A_304 = arith.addi %add3A_302, %add3A_303 : i32
    %mul3A_305 = arith.constant 2 : i32
    %mul3A_306 = arith.muli %reduce_sum3A_300, %mul3A_305 : i32
    %dma_start3A_307 = arith.constant 0 : i32
    %dma_start3A_308 = tpu.memref_slice %arg4[%select_n3A, %add3A_304, %dma_start3A_307] : memref<4x8192x2048xf32, #tpu.memory_space<hbm>> -> memref<1x2x2048xf32, #tpu.memory_space<hbm>>
    %dma_start3A_309 = tpu.memref_squeeze %dma_start3A_308 : memref<1x2x2048xf32, #tpu.memory_space<hbm>> -> memref<2x2048xf32, #tpu.memory_space<hbm>>
    %dma_start3A_310 = arith.constant 0 : i32
    %dma_start3A_311 = tpu.memref_slice %arg7[%mul3A_306, %dma_start3A_310] : memref<8x2048xf32, #tpu.memory_space<vmem_shared>> -> memref<2x2048xf32, #tpu.memory_space<vmem_shared>>
    tpu.enqueue_dma source(%dma_start3A_311 : memref<2x2048xf32, #tpu.memory_space<vmem_shared>>) target(%dma_start3A_309 : memref<2x2048xf32, #tpu.memory_space<hbm>>) target_semaphore(%arg9 : memref<!tpu.dma_semaphore, #tpu.memory_space<semaphore_mem>>)
    %eq3A_312 = arith.constant 1 : i32
    %eq3A_313 = vector.broadcast %eq3A_312 : i32 to vector<16xi32>
    %eq3A_314 = arith.cmpi eq, %select_n3A_80, %eq3A_313 : vector<16xi32>
    %jit3A_315 = arith.constant 0 : i32
    %broadcast_in_dim3A_316 = vector.broadcast %jit3A_315 : i32 to vector<16xi32>
    %select_n3A_317 = arith.select %eq3A_314, %mul3A_290, %broadcast_in_dim3A_316 : vector<16xi1>, vector<16xi32>
    %reduce_sum3A_318 = arith.constant true
    %reduce_sum3A_319 = vector.broadcast %reduce_sum3A_318 : i1 to vector<16xi1>
    %reduce_sum3A_320 = tpu.scan <sum>, %select_n3A_317 masked %reduce_sum3A_319 : vector<16xi32>, vector<16xi1> -> vector<16xi32>
    %reduce_sum3A_321 = vector.extract %reduce_sum3A_320[15] : i32 from vector<16xi32>
    %add3A_322 = arith.constant 16 : i32
    %add3A_323 = arith.addi %sub3A_21, %add3A_322 : i32
    %add3A_324 = arith.constant 2 : i32
    %add3A_325 = arith.addi %add3A_323, %add3A_324 : i32
    %mul3A_326 = arith.constant 2 : i32
    %mul3A_327 = arith.muli %reduce_sum3A_321, %mul3A_326 : i32
    %dma_start3A_328 = arith.constant 0 : i32
    %dma_start3A_329 = tpu.memref_slice %arg4[%select_n3A, %add3A_325, %dma_start3A_328] : memref<4x8192x2048xf32, #tpu.memory_space<hbm>> -> memref<1x2x2048xf32, #tpu.memory_space<hbm>>
    %dma_start3A_330 = tpu.memref_squeeze %dma_start3A_329 : memref<1x2x2048xf32, #tpu.memory_space<hbm>> -> memref<2x2048xf32, #tpu.memory_space<hbm>>
    %dma_start3A_331 = arith.constant 0 : i32
    %dma_start3A_332 = tpu.memref_slice %arg7[%mul3A_327, %dma_start3A_331] : memref<8x2048xf32, #tpu.memory_space<vmem_shared>> -> memref<2x2048xf32, #tpu.memory_space<vmem_shared>>
    tpu.enqueue_dma source(%dma_start3A_332 : memref<2x2048xf32, #tpu.memory_space<vmem_shared>>) target(%dma_start3A_330 : memref<2x2048xf32, #tpu.memory_space<hbm>>) target_semaphore(%arg9 : memref<!tpu.dma_semaphore, #tpu.memory_space<semaphore_mem>>)
    %eq3A_333 = arith.constant 2 : i32
    %eq3A_334 = vector.broadcast %eq3A_333 : i32 to vector<16xi32>
    %eq3A_335 = arith.cmpi eq, %select_n3A_80, %eq3A_334 : vector<16xi32>
    %jit3A_336 = arith.constant 0 : i32
    %broadcast_in_dim3A_337 = vector.broadcast %jit3A_336 : i32 to vector<16xi32>
    %select_n3A_338 = arith.select %eq3A_335, %mul3A_290, %broadcast_in_dim3A_337 : vector<16xi1>, vector<16xi32>
    %reduce_sum3A_339 = arith.constant true
    %reduce_sum3A_340 = vector.broadcast %reduce_sum3A_339 : i1 to vector<16xi1>
    %reduce_sum3A_341 = tpu.scan <sum>, %select_n3A_338 masked %reduce_sum3A_340 : vector<16xi32>, vector<16xi1> -> vector<16xi32>
    %reduce_sum3A_342 = vector.extract %reduce_sum3A_341[15] : i32 from vector<16xi32>
    %add3A_343 = arith.constant 16 : i32
    %add3A_344 = arith.addi %sub3A_21, %add3A_343 : i32
    %add3A_345 = arith.constant 4 : i32
    %add3A_346 = arith.addi %add3A_344, %add3A_345 : i32
    %mul3A_347 = arith.constant 2 : i32
    %mul3A_348 = arith.muli %reduce_sum3A_342, %mul3A_347 : i32
    %dma_start3A_349 = arith.constant 0 : i32
    %dma_start3A_350 = tpu.memref_slice %arg4[%select_n3A, %add3A_346, %dma_start3A_349] : memref<4x8192x2048xf32, #tpu.memory_space<hbm>> -> memref<1x2x2048xf32, #tpu.memory_space<hbm>>
    %dma_start3A_351 = tpu.memref_squeeze %dma_start3A_350 : memref<1x2x2048xf32, #tpu.memory_space<hbm>> -> memref<2x2048xf32, #tpu.memory_space<hbm>>
    %dma_start3A_352 = arith.constant 0 : i32
    %dma_start3A_353 = tpu.memref_slice %arg7[%mul3A_348, %dma_start3A_352] : memref<8x2048xf32, #tpu.memory_space<vmem_shared>> -> memref<2x2048xf32, #tpu.memory_space<vmem_shared>>
    tpu.enqueue_dma source(%dma_start3A_353 : memref<2x2048xf32, #tpu.memory_space<vmem_shared>>) target(%dma_start3A_351 : memref<2x2048xf32, #tpu.memory_space<hbm>>) target_semaphore(%arg9 : memref<!tpu.dma_semaphore, #tpu.memory_space<semaphore_mem>>)
    %eq3A_354 = arith.constant 3 : i32
    %eq3A_355 = vector.broadcast %eq3A_354 : i32 to vector<16xi32>
    %eq3A_356 = arith.cmpi eq, %select_n3A_80, %eq3A_355 : vector<16xi32>
    %jit3A_357 = arith.constant 0 : i32
    %broadcast_in_dim3A_358 = vector.broadcast %jit3A_357 : i32 to vector<16xi32>
    %select_n3A_359 = arith.select %eq3A_356, %mul3A_290, %broadcast_in_dim3A_358 : vector<16xi1>, vector<16xi32>
    %reduce_sum3A_360 = arith.constant true
    %reduce_sum3A_361 = vector.broadcast %reduce_sum3A_360 : i1 to vector<16xi1>
    %reduce_sum3A_362 = tpu.scan <sum>, %select_n3A_359 masked %reduce_sum3A_361 : vector<16xi32>, vector<16xi1> -> vector<16xi32>
    %reduce_sum3A_363 = vector.extract %reduce_sum3A_362[15] : i32 from vector<16xi32>
    %add3A_364 = arith.constant 16 : i32
    %add3A_365 = arith.addi %sub3A_21, %add3A_364 : i32
    %add3A_366 = arith.constant 6 : i32
    %add3A_367 = arith.addi %add3A_365, %add3A_366 : i32
    %mul3A_368 = arith.constant 2 : i32
    %mul3A_369 = arith.muli %reduce_sum3A_363, %mul3A_368 : i32
    %dma_start3A_370 = arith.constant 0 : i32
    %dma_start3A_371 = tpu.memref_slice %arg4[%select_n3A, %add3A_367, %dma_start3A_370] : memref<4x8192x2048xf32, #tpu.memory_space<hbm>> -> memref<1x2x2048xf32, #tpu.memory_space<hbm>>
    %dma_start3A_372 = tpu.memref_squeeze %dma_start3A_371 : memref<1x2x2048xf32, #tpu.memory_space<hbm>> -> memref<2x2048xf32, #tpu.memory_space<hbm>>
    %dma_start3A_373 = arith.constant 0 : i32
    %dma_start3A_374 = tpu.memref_slice %arg7[%mul3A_369, %dma_start3A_373] : memref<8x2048xf32, #tpu.memory_space<vmem_shared>> -> memref<2x2048xf32, #tpu.memory_space<vmem_shared>>
    tpu.enqueue_dma source(%dma_start3A_374 : memref<2x2048xf32, #tpu.memory_space<vmem_shared>>) target(%dma_start3A_372 : memref<2x2048xf32, #tpu.memory_space<hbm>>) target_semaphore(%arg9 : memref<!tpu.dma_semaphore, #tpu.memory_space<semaphore_mem>>)
    %eq3A_375 = arith.constant 4 : i32
    %eq3A_376 = vector.broadcast %eq3A_375 : i32 to vector<16xi32>
    %eq3A_377 = arith.cmpi eq, %select_n3A_80, %eq3A_376 : vector<16xi32>
    %jit3A_378 = arith.constant 0 : i32
    %broadcast_in_dim3A_379 = vector.broadcast %jit3A_378 : i32 to vector<16xi32>
    %select_n3A_380 = arith.select %eq3A_377, %mul3A_290, %broadcast_in_dim3A_379 : vector<16xi1>, vector<16xi32>
    %reduce_sum3A_381 = arith.constant true
    %reduce_sum3A_382 = vector.broadcast %reduce_sum3A_381 : i1 to vector<16xi1>
    %reduce_sum3A_383 = tpu.scan <sum>, %select_n3A_380 masked %reduce_sum3A_382 : vector<16xi32>, vector<16xi1> -> vector<16xi32>
    %reduce_sum3A_384 = vector.extract %reduce_sum3A_383[15] : i32 from vector<16xi32>
    %add3A_385 = arith.constant 16 : i32
    %add3A_386 = arith.addi %sub3A_21, %add3A_385 : i32
    %add3A_387 = arith.constant 8 : i32
    %add3A_388 = arith.addi %add3A_386, %add3A_387 : i32
    %mul3A_389 = arith.constant 2 : i32
    %mul3A_390 = arith.muli %reduce_sum3A_384, %mul3A_389 : i32
    %dma_start3A_391 = arith.constant 0 : i32
    %dma_start3A_392 = tpu.memref_slice %arg4[%select_n3A, %add3A_388, %dma_start3A_391] : memref<4x8192x2048xf32, #tpu.memory_space<hbm>> -> memref<1x2x2048xf32, #tpu.memory_space<hbm>>
    %dma_start3A_393 = tpu.memref_squeeze %dma_start3A_392 : memref<1x2x2048xf32, #tpu.memory_space<hbm>> -> memref<2x2048xf32, #tpu.memory_space<hbm>>
    %dma_start3A_394 = arith.constant 0 : i32
    %dma_start3A_395 = tpu.memref_slice %arg7[%mul3A_390, %dma_start3A_394] : memref<8x2048xf32, #tpu.memory_space<vmem_shared>> -> memref<2x2048xf32, #tpu.memory_space<vmem_shared>>
    tpu.enqueue_dma source(%dma_start3A_395 : memref<2x2048xf32, #tpu.memory_space<vmem_shared>>) target(%dma_start3A_393 : memref<2x2048xf32, #tpu.memory_space<hbm>>) target_semaphore(%arg9 : memref<!tpu.dma_semaphore, #tpu.memory_space<semaphore_mem>>)
    %eq3A_396 = arith.constant 5 : i32
    %eq3A_397 = vector.broadcast %eq3A_396 : i32 to vector<16xi32>
    %eq3A_398 = arith.cmpi eq, %select_n3A_80, %eq3A_397 : vector<16xi32>
    %jit3A_399 = arith.constant 0 : i32
    %broadcast_in_dim3A_400 = vector.broadcast %jit3A_399 : i32 to vector<16xi32>
    %select_n3A_401 = arith.select %eq3A_398, %mul3A_290, %broadcast_in_dim3A_400 : vector<16xi1>, vector<16xi32>
    %reduce_sum3A_402 = arith.constant true
    %reduce_sum3A_403 = vector.broadcast %reduce_sum3A_402 : i1 to vector<16xi1>
    %reduce_sum3A_404 = tpu.scan <sum>, %select_n3A_401 masked %reduce_sum3A_403 : vector<16xi32>, vector<16xi1> -> vector<16xi32>
    %reduce_sum3A_405 = vector.extract %reduce_sum3A_404[15] : i32 from vector<16xi32>
    %add3A_406 = arith.constant 16 : i32
    %add3A_407 = arith.addi %sub3A_21, %add3A_406 : i32
    %add3A_408 = arith.constant 10 : i32
    %add3A_409 = arith.addi %add3A_407, %add3A_408 : i32
    %mul3A_410 = arith.constant 2 : i32
    %mul3A_411 = arith.muli %reduce_sum3A_405, %mul3A_410 : i32
    %dma_start3A_412 = arith.constant 0 : i32
    %dma_start3A_413 = tpu.memref_slice %arg4[%select_n3A, %add3A_409, %dma_start3A_412] : memref<4x8192x2048xf32, #tpu.memory_space<hbm>> -> memref<1x2x2048xf32, #tpu.memory_space<hbm>>
    %dma_start3A_414 = tpu.memref_squeeze %dma_start3A_413 : memref<1x2x2048xf32, #tpu.memory_space<hbm>> -> memref<2x2048xf32, #tpu.memory_space<hbm>>
    %dma_start3A_415 = arith.constant 0 : i32
    %dma_start3A_416 = tpu.memref_slice %arg7[%mul3A_411, %dma_start3A_415] : memref<8x2048xf32, #tpu.memory_space<vmem_shared>> -> memref<2x2048xf32, #tpu.memory_space<vmem_shared>>
    tpu.enqueue_dma source(%dma_start3A_416 : memref<2x2048xf32, #tpu.memory_space<vmem_shared>>) target(%dma_start3A_414 : memref<2x2048xf32, #tpu.memory_space<hbm>>) target_semaphore(%arg9 : memref<!tpu.dma_semaphore, #tpu.memory_space<semaphore_mem>>)
    %eq3A_417 = arith.constant 6 : i32
    %eq3A_418 = vector.broadcast %eq3A_417 : i32 to vector<16xi32>
    %eq3A_419 = arith.cmpi eq, %select_n3A_80, %eq3A_418 : vector<16xi32>
    %jit3A_420 = arith.constant 0 : i32
    %broadcast_in_dim3A_421 = vector.broadcast %jit3A_420 : i32 to vector<16xi32>
    %select_n3A_422 = arith.select %eq3A_419, %mul3A_290, %broadcast_in_dim3A_421 : vector<16xi1>, vector<16xi32>
    %reduce_sum3A_423 = arith.constant true
    %reduce_sum3A_424 = vector.broadcast %reduce_sum3A_423 : i1 to vector<16xi1>
    %reduce_sum3A_425 = tpu.scan <sum>, %select_n3A_422 masked %reduce_sum3A_424 : vector<16xi32>, vector<16xi1> -> vector<16xi32>
    %reduce_sum3A_426 = vector.extract %reduce_sum3A_425[15] : i32 from vector<16xi32>
    %add3A_427 = arith.constant 16 : i32
    %add3A_428 = arith.addi %sub3A_21, %add3A_427 : i32
    %add3A_429 = arith.constant 12 : i32
    %add3A_430 = arith.addi %add3A_428, %add3A_429 : i32
    %mul3A_431 = arith.constant 2 : i32
    %mul3A_432 = arith.muli %reduce_sum3A_426, %mul3A_431 : i32
    %dma_start3A_433 = arith.constant 0 : i32
    %dma_start3A_434 = tpu.memref_slice %arg4[%select_n3A, %add3A_430, %dma_start3A_433] : memref<4x8192x2048xf32, #tpu.memory_space<hbm>> -> memref<1x2x2048xf32, #tpu.memory_space<hbm>>
    %dma_start3A_435 = tpu.memref_squeeze %dma_start3A_434 : memref<1x2x2048xf32, #tpu.memory_space<hbm>> -> memref<2x2048xf32, #tpu.memory_space<hbm>>
    %dma_start3A_436 = arith.constant 0 : i32
    %dma_start3A_437 = tpu.memref_slice %arg7[%mul3A_432, %dma_start3A_436] : memref<8x2048xf32, #tpu.memory_space<vmem_shared>> -> memref<2x2048xf32, #tpu.memory_space<vmem_shared>>
    tpu.enqueue_dma source(%dma_start3A_437 : memref<2x2048xf32, #tpu.memory_space<vmem_shared>>) target(%dma_start3A_435 : memref<2x2048xf32, #tpu.memory_space<hbm>>) target_semaphore(%arg9 : memref<!tpu.dma_semaphore, #tpu.memory_space<semaphore_mem>>)
    %eq3A_438 = arith.constant 7 : i32
    %eq3A_439 = vector.broadcast %eq3A_438 : i32 to vector<16xi32>
    %eq3A_440 = arith.cmpi eq, %select_n3A_80, %eq3A_439 : vector<16xi32>
    %jit3A_441 = arith.constant 0 : i32
    %broadcast_in_dim3A_442 = vector.broadcast %jit3A_441 : i32 to vector<16xi32>
    %select_n3A_443 = arith.select %eq3A_440, %mul3A_290, %broadcast_in_dim3A_442 : vector<16xi1>, vector<16xi32>
    %reduce_sum3A_444 = arith.constant true
    %reduce_sum3A_445 = vector.broadcast %reduce_sum3A_444 : i1 to vector<16xi1>
    %reduce_sum3A_446 = tpu.scan <sum>, %select_n3A_443 masked %reduce_sum3A_445 : vector<16xi32>, vector<16xi1> -> vector<16xi32>
    %reduce_sum3A_447 = vector.extract %reduce_sum3A_446[15] : i32 from vector<16xi32>
    %add3A_448 = arith.constant 16 : i32
    %add3A_449 = arith.addi %sub3A_21, %add3A_448 : i32
    %add3A_450 = arith.constant 14 : i32
    %add3A_451 = arith.addi %add3A_449, %add3A_450 : i32
    %mul3A_452 = arith.constant 2 : i32
    %mul3A_453 = arith.muli %reduce_sum3A_447, %mul3A_452 : i32
    %dma_start3A_454 = arith.constant 0 : i32
    %dma_start3A_455 = tpu.memref_slice %arg4[%select_n3A, %add3A_451, %dma_start3A_454] : memref<4x8192x2048xf32, #tpu.memory_space<hbm>> -> memref<1x2x2048xf32, #tpu.memory_space<hbm>>
    %dma_start3A_456 = tpu.memref_squeeze %dma_start3A_455 : memref<1x2x2048xf32, #tpu.memory_space<hbm>> -> memref<2x2048xf32, #tpu.memory_space<hbm>>
    %dma_start3A_457 = arith.constant 0 : i32
    %dma_start3A_458 = tpu.memref_slice %arg7[%mul3A_453, %dma_start3A_457] : memref<8x2048xf32, #tpu.memory_space<vmem_shared>> -> memref<2x2048xf32, #tpu.memory_space<vmem_shared>>
    tpu.enqueue_dma source(%dma_start3A_458 : memref<2x2048xf32, #tpu.memory_space<vmem_shared>>) target(%dma_start3A_456 : memref<2x2048xf32, #tpu.memory_space<hbm>>) target_semaphore(%arg9 : memref<!tpu.dma_semaphore, #tpu.memory_space<semaphore_mem>>)
    %scan3A = arith.constant 0 : i32
    %scan3A_459 = arith.constant 1 : i32
    %scan3A_460 = arith.constant 31 : i32
    %scan3A_461 = arith.addi %scan3A_459, %scan3A_460 : i32
    %scan3A_462 = arith.constant 1 : i32
    scf.for %scan3A_647 = %scan3A_459 to %scan3A_461 step %scan3A_462  : i32 {
      %mul3A_648 = arith.constant 2 : i32
      %mul3A_649 = arith.muli %mul3A_648, %scan3A_647 : i32
      %mul3A_650 = arith.constant 16 : i32
      %mul3A_651 = arith.muli %mul3A_649, %mul3A_650 : i32
      %get3A_652 = arith.index_cast %mul3A_651 : i32 to index
      %get3A_653 = tpu.vector_load %arg5[%get3A_652] {strides = array<i32>} : memref<1024xi32, #tpu.memory_space<vmem>>, vector<16xi32>,
      %mul3A_654 = arith.muli %get3A_653, %shift_left3A_49 : vector<16xi32>
      %eq3A_655 = arith.constant 0 : i32
      %eq3A_656 = vector.broadcast %eq3A_655 : i32 to vector<16xi32>
      %eq3A_657 = arith.cmpi eq, %select_n3A_80, %eq3A_656 : vector<16xi32>
      %jit3A_658 = arith.constant 0 : i32
      %broadcast_in_dim3A_659 = vector.broadcast %jit3A_658 : i32 to vector<16xi32>
      %select_n3A_660 = arith.select %eq3A_657, %mul3A_654, %broadcast_in_dim3A_659 : vector<16xi1>, vector<16xi32>
      %reduce_sum3A_661 = arith.constant true
      %reduce_sum3A_662 = vector.broadcast %reduce_sum3A_661 : i1 to vector<16xi1>
      %reduce_sum3A_663 = tpu.scan <sum>, %select_n3A_660 masked %reduce_sum3A_662 : vector<16xi32>, vector<16xi1> -> vector<16xi32>
      %reduce_sum3A_664 = vector.extract %reduce_sum3A_663[15] : i32 from vector<16xi32>
      %mul3A_665 = arith.constant 16 : i32
      %mul3A_666 = arith.muli %mul3A_649, %mul3A_665 : i32
      %add3A_667 = arith.addi %sub3A_21, %mul3A_666 : i32
      %add3A_668 = arith.constant 0 : i32
      %add3A_669 = arith.addi %add3A_667, %add3A_668 : i32
      %mul3A_670 = arith.constant 2 : i32
      %mul3A_671 = arith.muli %reduce_sum3A_664, %mul3A_670 : i32
      %dma_start3A_672 = arith.constant 0 : i32
      %dma_start3A_673 = tpu.memref_slice %arg6[%mul3A_671, %dma_start3A_672] : memref<8x2048xf32, #tpu.memory_space<vmem>> -> memref<2x2048xf32, #tpu.memory_space<vmem>>
      %dma_start3A_674 = arith.constant 0 : i32
      %dma_start3A_675 = tpu.memref_slice %arg4[%select_n3A, %add3A_669, %dma_start3A_674] : memref<4x8192x2048xf32, #tpu.memory_space<hbm>> -> memref<1x2x2048xf32, #tpu.memory_space<hbm>>
      %dma_start3A_676 = tpu.memref_squeeze %dma_start3A_675 : memref<1x2x2048xf32, #tpu.memory_space<hbm>> -> memref<2x2048xf32, #tpu.memory_space<hbm>>
      %dma_start3A_677 = arith.constant 0 : i32
      %dma_start3A_678 = tpu.memref_slice %arg4[%select_n3A, %add3A_669, %dma_start3A_677] : memref<4x8192x2048xf32, #tpu.memory_space<hbm>> -> memref<1x2x2048xf32, #tpu.memory_space<hbm>>
      %dma_start3A_679 = tpu.memref_squeeze %dma_start3A_678 : memref<1x2x2048xf32, #tpu.memory_space<hbm>> -> memref<2x2048xf32, #tpu.memory_space<hbm>>
      %dma_start3A_680 = arith.constant 0 : i32
      %dma_start3A_681 = tpu.memref_slice %arg6[%mul3A_671, %dma_start3A_680] : memref<8x2048xf32, #tpu.memory_space<vmem>> -> memref<2x2048xf32, #tpu.memory_space<vmem>>
      tpu.enqueue_dma source(%dma_start3A_681 : memref<2x2048xf32, #tpu.memory_space<vmem>>) target(%dma_start3A_679 : memref<2x2048xf32, #tpu.memory_space<hbm>>) target_semaphore(%arg8 : memref<!tpu.dma_semaphore, #tpu.memory_space<semaphore_mem>>)
      %eq3A_682 = arith.constant 1 : i32
      %eq3A_683 = vector.broadcast %eq3A_682 : i32 to vector<16xi32>
      %eq3A_684 = arith.cmpi eq, %select_n3A_80, %eq3A_683 : vector<16xi32>
      %jit3A_685 = arith.constant 0 : i32
      %broadcast_in_dim3A_686 = vector.broadcast %jit3A_685 : i32 to vector<16xi32>
      %select_n3A_687 = arith.select %eq3A_684, %mul3A_654, %broadcast_in_dim3A_686 : vector<16xi1>, vector<16xi32>
      %reduce_sum3A_688 = arith.constant true
      %reduce_sum3A_689 = vector.broadcast %reduce_sum3A_688 : i1 to vector<16xi1>
      %reduce_sum3A_690 = tpu.scan <sum>, %select_n3A_687 masked %reduce_sum3A_689 : vector<16xi32>, vector<16xi1> -> vector<16xi32>
      %reduce_sum3A_691 = vector.extract %reduce_sum3A_690[15] : i32 from vector<16xi32>
      %mul3A_692 = arith.constant 16 : i32
      %mul3A_693 = arith.muli %mul3A_649, %mul3A_692 : i32
      %add3A_694 = arith.addi %sub3A_21, %mul3A_693 : i32
      %add3A_695 = arith.constant 2 : i32
      %add3A_696 = arith.addi %add3A_694, %add3A_695 : i32
      %mul3A_697 = arith.constant 2 : i32
      %mul3A_698 = arith.muli %reduce_sum3A_691, %mul3A_697 : i32
      %dma_start3A_699 = arith.constant 0 : i32
      %dma_start3A_700 = tpu.memref_slice %arg6[%mul3A_698, %dma_start3A_699] : memref<8x2048xf32, #tpu.memory_space<vmem>> -> memref<2x2048xf32, #tpu.memory_space<vmem>>
      %dma_start3A_701 = arith.constant 0 : i32
      %dma_start3A_702 = tpu.memref_slice %arg4[%select_n3A, %add3A_696, %dma_start3A_701] : memref<4x8192x2048xf32, #tpu.memory_space<hbm>> -> memref<1x2x2048xf32, #tpu.memory_space<hbm>>
      %dma_start3A_703 = tpu.memref_squeeze %dma_start3A_702 : memref<1x2x2048xf32, #tpu.memory_space<hbm>> -> memref<2x2048xf32, #tpu.memory_space<hbm>>
      %dma_start3A_704 = arith.constant 0 : i32
      %dma_start3A_705 = tpu.memref_slice %arg4[%select_n3A, %add3A_696, %dma_start3A_704] : memref<4x8192x2048xf32, #tpu.memory_space<hbm>> -> memref<1x2x2048xf32, #tpu.memory_space<hbm>>
      %dma_start3A_706 = tpu.memref_squeeze %dma_start3A_705 : memref<1x2x2048xf32, #tpu.memory_space<hbm>> -> memref<2x2048xf32, #tpu.memory_space<hbm>>
      %dma_start3A_707 = arith.constant 0 : i32
      %dma_start3A_708 = tpu.memref_slice %arg6[%mul3A_698, %dma_start3A_707] : memref<8x2048xf32, #tpu.memory_space<vmem>> -> memref<2x2048xf32, #tpu.memory_space<vmem>>
      tpu.enqueue_dma source(%dma_start3A_708 : memref<2x2048xf32, #tpu.memory_space<vmem>>) target(%dma_start3A_706 : memref<2x2048xf32, #tpu.memory_space<hbm>>) target_semaphore(%arg8 : memref<!tpu.dma_semaphore, #tpu.memory_space<semaphore_mem>>)
      %eq3A_709 = arith.constant 2 : i32
      %eq3A_710 = vector.broadcast %eq3A_709 : i32 to vector<16xi32>
      %eq3A_711 = arith.cmpi eq, %select_n3A_80, %eq3A_710 : vector<16xi32>
      %jit3A_712 = arith.constant 0 : i32
      %broadcast_in_dim3A_713 = vector.broadcast %jit3A_712 : i32 to vector<16xi32>
      %select_n3A_714 = arith.select %eq3A_711, %mul3A_654, %broadcast_in_dim3A_713 : vector<16xi1>, vector<16xi32>
      %reduce_sum3A_715 = arith.constant true
      %reduce_sum3A_716 = vector.broadcast %reduce_sum3A_715 : i1 to vector<16xi1>
      %reduce_sum3A_717 = tpu.scan <sum>, %select_n3A_714 masked %reduce_sum3A_716 : vector<16xi32>, vector<16xi1> -> vector<16xi32>
      %reduce_sum3A_718 = vector.extract %reduce_sum3A_717[15] : i32 from vector<16xi32>
      %mul3A_719 = arith.constant 16 : i32
      %mul3A_720 = arith.muli %mul3A_649, %mul3A_719 : i32
      %add3A_721 = arith.addi %sub3A_21, %mul3A_720 : i32
      %add3A_722 = arith.constant 4 : i32
      %add3A_723 = arith.addi %add3A_721, %add3A_722 : i32
      %mul3A_724 = arith.constant 2 : i32
      %mul3A_725 = arith.muli %reduce_sum3A_718, %mul3A_724 : i32
      %dma_start3A_726 = arith.constant 0 : i32
      %dma_start3A_727 = tpu.memref_slice %arg6[%mul3A_725, %dma_start3A_726] : memref<8x2048xf32, #tpu.memory_space<vmem>> -> memref<2x2048xf32, #tpu.memory_space<vmem>>
      %dma_start3A_728 = arith.constant 0 : i32
      %dma_start3A_729 = tpu.memref_slice %arg4[%select_n3A, %add3A_723, %dma_start3A_728] : memref<4x8192x2048xf32, #tpu.memory_space<hbm>> -> memref<1x2x2048xf32, #tpu.memory_space<hbm>>
      %dma_start3A_730 = tpu.memref_squeeze %dma_start3A_729 : memref<1x2x2048xf32, #tpu.memory_space<hbm>> -> memref<2x2048xf32, #tpu.memory_space<hbm>>
      %dma_start3A_731 = arith.constant 0 : i32
      %dma_start3A_732 = tpu.memref_slice %arg4[%select_n3A, %add3A_723, %dma_start3A_731] : memref<4x8192x2048xf32, #tpu.memory_space<hbm>> -> memref<1x2x2048xf32, #tpu.memory_space<hbm>>
      %dma_start3A_733 = tpu.memref_squeeze %dma_start3A_732 : memref<1x2x2048xf32, #tpu.memory_space<hbm>> -> memref<2x2048xf32, #tpu.memory_space<hbm>>
      %dma_start3A_734 = arith.constant 0 : i32
      %dma_start3A_735 = tpu.memref_slice %arg6[%mul3A_725, %dma_start3A_734] : memref<8x2048xf32, #tpu.memory_space<vmem>> -> memref<2x2048xf32, #tpu.memory_space<vmem>>
      tpu.enqueue_dma source(%dma_start3A_735 : memref<2x2048xf32, #tpu.memory_space<vmem>>) target(%dma_start3A_733 : memref<2x2048xf32, #tpu.memory_space<hbm>>) target_semaphore(%arg8 : memref<!tpu.dma_semaphore, #tpu.memory_space<semaphore_mem>>)
      %eq3A_736 = arith.constant 3 : i32
      %eq3A_737 = vector.broadcast %eq3A_736 : i32 to vector<16xi32>
      %eq3A_738 = arith.cmpi eq, %select_n3A_80, %eq3A_737 : vector<16xi32>
      %jit3A_739 = arith.constant 0 : i32
      %broadcast_in_dim3A_740 = vector.broadcast %jit3A_739 : i32 to vector<16xi32>
      %select_n3A_741 = arith.select %eq3A_738, %mul3A_654, %broadcast_in_dim3A_740 : vector<16xi1>, vector<16xi32>
      %reduce_sum3A_742 = arith.constant true
      %reduce_sum3A_743 = vector.broadcast %reduce_sum3A_742 : i1 to vector<16xi1>
      %reduce_sum3A_744 = tpu.scan <sum>, %select_n3A_741 masked %reduce_sum3A_743 : vector<16xi32>, vector<16xi1> -> vector<16xi32>
      %reduce_sum3A_745 = vector.extract %reduce_sum3A_744[15] : i32 from vector<16xi32>
      %mul3A_746 = arith.constant 16 : i32
      %mul3A_747 = arith.muli %mul3A_649, %mul3A_746 : i32
      %add3A_748 = arith.addi %sub3A_21, %mul3A_747 : i32
      %add3A_749 = arith.constant 6 : i32
      %add3A_750 = arith.addi %add3A_748, %add3A_749 : i32
      %mul3A_751 = arith.constant 2 : i32
      %mul3A_752 = arith.muli %reduce_sum3A_745, %mul3A_751 : i32
      %dma_start3A_753 = arith.constant 0 : i32
      %dma_start3A_754 = tpu.memref_slice %arg6[%mul3A_752, %dma_start3A_753] : memref<8x2048xf32, #tpu.memory_space<vmem>> -> memref<2x2048xf32, #tpu.memory_space<vmem>>
      %dma_start3A_755 = arith.constant 0 : i32
      %dma_start3A_756 = tpu.memref_slice %arg4[%select_n3A, %add3A_750, %dma_start3A_755] : memref<4x8192x2048xf32, #tpu.memory_space<hbm>> -> memref<1x2x2048xf32, #tpu.memory_space<hbm>>
      %dma_start3A_757 = tpu.memref_squeeze %dma_start3A_756 : memref<1x2x2048xf32, #tpu.memory_space<hbm>> -> memref<2x2048xf32, #tpu.memory_space<hbm>>
      %dma_start3A_758 = arith.constant 0 : i32
      %dma_start3A_759 = tpu.memref_slice %arg4[%select_n3A, %add3A_750, %dma_start3A_758] : memref<4x8192x2048xf32, #tpu.memory_space<hbm>> -> memref<1x2x2048xf32, #tpu.memory_space<hbm>>
      %dma_start3A_760 = tpu.memref_squeeze %dma_start3A_759 : memref<1x2x2048xf32, #tpu.memory_space<hbm>> -> memref<2x2048xf32, #tpu.memory_space<hbm>>
      %dma_start3A_761 = arith.constant 0 : i32
      %dma_start3A_762 = tpu.memref_slice %arg6[%mul3A_752, %dma_start3A_761] : memref<8x2048xf32, #tpu.memory_space<vmem>> -> memref<2x2048xf32, #tpu.memory_space<vmem>>
      tpu.enqueue_dma source(%dma_start3A_762 : memref<2x2048xf32, #tpu.memory_space<vmem>>) target(%dma_start3A_760 : memref<2x2048xf32, #tpu.memory_space<hbm>>) target_semaphore(%arg8 : memref<!tpu.dma_semaphore, #tpu.memory_space<semaphore_mem>>)
      %eq3A_763 = arith.constant 4 : i32
      %eq3A_764 = vector.broadcast %eq3A_763 : i32 to vector<16xi32>
      %eq3A_765 = arith.cmpi eq, %select_n3A_80, %eq3A_764 : vector<16xi32>
      %jit3A_766 = arith.constant 0 : i32
      %broadcast_in_dim3A_767 = vector.broadcast %jit3A_766 : i32 to vector<16xi32>
      %select_n3A_768 = arith.select %eq3A_765, %mul3A_654, %broadcast_in_dim3A_767 : vector<16xi1>, vector<16xi32>
      %reduce_sum3A_769 = arith.constant true
      %reduce_sum3A_770 = vector.broadcast %reduce_sum3A_769 : i1 to vector<16xi1>
      %reduce_sum3A_771 = tpu.scan <sum>, %select_n3A_768 masked %reduce_sum3A_770 : vector<16xi32>, vector<16xi1> -> vector<16xi32>
      %reduce_sum3A_772 = vector.extract %reduce_sum3A_771[15] : i32 from vector<16xi32>
      %mul3A_773 = arith.constant 16 : i32
      %mul3A_774 = arith.muli %mul3A_649, %mul3A_773 : i32
      %add3A_775 = arith.addi %sub3A_21, %mul3A_774 : i32
      %add3A_776 = arith.constant 8 : i32
      %add3A_777 = arith.addi %add3A_775, %add3A_776 : i32
      %mul3A_778 = arith.constant 2 : i32
      %mul3A_779 = arith.muli %reduce_sum3A_772, %mul3A_778 : i32
      %dma_start3A_780 = arith.constant 0 : i32
      %dma_start3A_781 = tpu.memref_slice %arg6[%mul3A_779, %dma_start3A_780] : memref<8x2048xf32, #tpu.memory_space<vmem>> -> memref<2x2048xf32, #tpu.memory_space<vmem>>
      %dma_start3A_782 = arith.constant 0 : i32
      %dma_start3A_783 = tpu.memref_slice %arg4[%select_n3A, %add3A_777, %dma_start3A_782] : memref<4x8192x2048xf32, #tpu.memory_space<hbm>> -> memref<1x2x2048xf32, #tpu.memory_space<hbm>>
      %dma_start3A_784 = tpu.memref_squeeze %dma_start3A_783 : memref<1x2x2048xf32, #tpu.memory_space<hbm>> -> memref<2x2048xf32, #tpu.memory_space<hbm>>
      %dma_start3A_785 = arith.constant 0 : i32
      %dma_start3A_786 = tpu.memref_slice %arg4[%select_n3A, %add3A_777, %dma_start3A_785] : memref<4x8192x2048xf32, #tpu.memory_space<hbm>> -> memref<1x2x2048xf32, #tpu.memory_space<hbm>>
      %dma_start3A_787 = tpu.memref_squeeze %dma_start3A_786 : memref<1x2x2048xf32, #tpu.memory_space<hbm>> -> memref<2x2048xf32, #tpu.memory_space<hbm>>
      %dma_start3A_788 = arith.constant 0 : i32
      %dma_start3A_789 = tpu.memref_slice %arg6[%mul3A_779, %dma_start3A_788] : memref<8x2048xf32, #tpu.memory_space<vmem>> -> memref<2x2048xf32, #tpu.memory_space<vmem>>
      tpu.enqueue_dma source(%dma_start3A_789 : memref<2x2048xf32, #tpu.memory_space<vmem>>) target(%dma_start3A_787 : memref<2x2048xf32, #tpu.memory_space<hbm>>) target_semaphore(%arg8 : memref<!tpu.dma_semaphore, #tpu.memory_space<semaphore_mem>>)
      %eq3A_790 = arith.constant 5 : i32
      %eq3A_791 = vector.broadcast %eq3A_790 : i32 to vector<16xi32>
      %eq3A_792 = arith.cmpi eq, %select_n3A_80, %eq3A_791 : vector<16xi32>
      %jit3A_793 = arith.constant 0 : i32
      %broadcast_in_dim3A_794 = vector.broadcast %jit3A_793 : i32 to vector<16xi32>
      %select_n3A_795 = arith.select %eq3A_792, %mul3A_654, %broadcast_in_dim3A_794 : vector<16xi1>, vector<16xi32>
      %reduce_sum3A_796 = arith.constant true
      %reduce_sum3A_797 = vector.broadcast %reduce_sum3A_796 : i1 to vector<16xi1>
      %reduce_sum3A_798 = tpu.scan <sum>, %select_n3A_795 masked %reduce_sum3A_797 : vector<16xi32>, vector<16xi1> -> vector<16xi32>
      %reduce_sum3A_799 = vector.extract %reduce_sum3A_798[15] : i32 from vector<16xi32>
      %mul3A_800 = arith.constant 16 : i32
      %mul3A_801 = arith.muli %mul3A_649, %mul3A_800 : i32
      %add3A_802 = arith.addi %sub3A_21, %mul3A_801 : i32
      %add3A_803 = arith.constant 10 : i32
      %add3A_804 = arith.addi %add3A_802, %add3A_803 : i32
      %mul3A_805 = arith.constant 2 : i32
      %mul3A_806 = arith.muli %reduce_sum3A_799, %mul3A_805 : i32
      %dma_start3A_807 = arith.constant 0 : i32
      %dma_start3A_808 = tpu.memref_slice %arg6[%mul3A_806, %dma_start3A_807] : memref<8x2048xf32, #tpu.memory_space<vmem>> -> memref<2x2048xf32, #tpu.memory_space<vmem>>
      %dma_start3A_809 = arith.constant 0 : i32
      %dma_start3A_810 = tpu.memref_slice %arg4[%select_n3A, %add3A_804, %dma_start3A_809] : memref<4x8192x2048xf32, #tpu.memory_space<hbm>> -> memref<1x2x2048xf32, #tpu.memory_space<hbm>>
      %dma_start3A_811 = tpu.memref_squeeze %dma_start3A_810 : memref<1x2x2048xf32, #tpu.memory_space<hbm>> -> memref<2x2048xf32, #tpu.memory_space<hbm>>
      %dma_start3A_812 = arith.constant 0 : i32
      %dma_start3A_813 = tpu.memref_slice %arg4[%select_n3A, %add3A_804, %dma_start3A_812] : memref<4x8192x2048xf32, #tpu.memory_space<hbm>> -> memref<1x2x2048xf32, #tpu.memory_space<hbm>>
      %dma_start3A_814 = tpu.memref_squeeze %dma_start3A_813 : memref<1x2x2048xf32, #tpu.memory_space<hbm>> -> memref<2x2048xf32, #tpu.memory_space<hbm>>
      %dma_start3A_815 = arith.constant 0 : i32
      %dma_start3A_816 = tpu.memref_slice %arg6[%mul3A_806, %dma_start3A_815] : memref<8x2048xf32, #tpu.memory_space<vmem>> -> memref<2x2048xf32, #tpu.memory_space<vmem>>
      tpu.enqueue_dma source(%dma_start3A_816 : memref<2x2048xf32, #tpu.memory_space<vmem>>) target(%dma_start3A_814 : memref<2x2048xf32, #tpu.memory_space<hbm>>) target_semaphore(%arg8 : memref<!tpu.dma_semaphore, #tpu.memory_space<semaphore_mem>>)
      %eq3A_817 = arith.constant 6 : i32
      %eq3A_818 = vector.broadcast %eq3A_817 : i32 to vector<16xi32>
      %eq3A_819 = arith.cmpi eq, %select_n3A_80, %eq3A_818 : vector<16xi32>
      %jit3A_820 = arith.constant 0 : i32
      %broadcast_in_dim3A_821 = vector.broadcast %jit3A_820 : i32 to vector<16xi32>
      %select_n3A_822 = arith.select %eq3A_819, %mul3A_654, %broadcast_in_dim3A_821 : vector<16xi1>, vector<16xi32>
      %reduce_sum3A_823 = arith.constant true
      %reduce_sum3A_824 = vector.broadcast %reduce_sum3A_823 : i1 to vector<16xi1>
      %reduce_sum3A_825 = tpu.scan <sum>, %select_n3A_822 masked %reduce_sum3A_824 : vector<16xi32>, vector<16xi1> -> vector<16xi32>
      %reduce_sum3A_826 = vector.extract %reduce_sum3A_825[15] : i32 from vector<16xi32>
      %mul3A_827 = arith.constant 16 : i32
      %mul3A_828 = arith.muli %mul3A_649, %mul3A_827 : i32
      %add3A_829 = arith.addi %sub3A_21, %mul3A_828 : i32
      %add3A_830 = arith.constant 12 : i32
      %add3A_831 = arith.addi %add3A_829, %add3A_830 : i32
      %mul3A_832 = arith.constant 2 : i32
      %mul3A_833 = arith.muli %reduce_sum3A_826, %mul3A_832 : i32
      %dma_start3A_834 = arith.constant 0 : i32
      %dma_start3A_835 = tpu.memref_slice %arg6[%mul3A_833, %dma_start3A_834] : memref<8x2048xf32, #tpu.memory_space<vmem>> -> memref<2x2048xf32, #tpu.memory_space<vmem>>
      %dma_start3A_836 = arith.constant 0 : i32
      %dma_start3A_837 = tpu.memref_slice %arg4[%select_n3A, %add3A_831, %dma_start3A_836] : memref<4x8192x2048xf32, #tpu.memory_space<hbm>> -> memref<1x2x2048xf32, #tpu.memory_space<hbm>>
      %dma_start3A_838 = tpu.memref_squeeze %dma_start3A_837 : memref<1x2x2048xf32, #tpu.memory_space<hbm>> -> memref<2x2048xf32, #tpu.memory_space<hbm>>
      %dma_start3A_839 = arith.constant 0 : i32
      %dma_start3A_840 = tpu.memref_slice %arg4[%select_n3A, %add3A_831, %dma_start3A_839] : memref<4x8192x2048xf32, #tpu.memory_space<hbm>> -> memref<1x2x2048xf32, #tpu.memory_space<hbm>>
      %dma_start3A_841 = tpu.memref_squeeze %dma_start3A_840 : memref<1x2x2048xf32, #tpu.memory_space<hbm>> -> memref<2x2048xf32, #tpu.memory_space<hbm>>
      %dma_start3A_842 = arith.constant 0 : i32
      %dma_start3A_843 = tpu.memref_slice %arg6[%mul3A_833, %dma_start3A_842] : memref<8x2048xf32, #tpu.memory_space<vmem>> -> memref<2x2048xf32, #tpu.memory_space<vmem>>
      tpu.enqueue_dma source(%dma_start3A_843 : memref<2x2048xf32, #tpu.memory_space<vmem>>) target(%dma_start3A_841 : memref<2x2048xf32, #tpu.memory_space<hbm>>) target_semaphore(%arg8 : memref<!tpu.dma_semaphore, #tpu.memory_space<semaphore_mem>>)
      %eq3A_844 = arith.constant 7 : i32
      %eq3A_845 = vector.broadcast %eq3A_844 : i32 to vector<16xi32>
      %eq3A_846 = arith.cmpi eq, %select_n3A_80, %eq3A_845 : vector<16xi32>
      %jit3A_847 = arith.constant 0 : i32
      %broadcast_in_dim3A_848 = vector.broadcast %jit3A_847 : i32 to vector<16xi32>
      %select_n3A_849 = arith.select %eq3A_846, %mul3A_654, %broadcast_in_dim3A_848 : vector<16xi1>, vector<16xi32>
      %reduce_sum3A_850 = arith.constant true
      %reduce_sum3A_851 = vector.broadcast %reduce_sum3A_850 : i1 to vector<16xi1>
      %reduce_sum3A_852 = tpu.scan <sum>, %select_n3A_849 masked %reduce_sum3A_851 : vector<16xi32>, vector<16xi1> -> vector<16xi32>
      %reduce_sum3A_853 = vector.extract %reduce_sum3A_852[15] : i32 from vector<16xi32>
      %mul3A_854 = arith.constant 16 : i32
      %mul3A_855 = arith.muli %mul3A_649, %mul3A_854 : i32
      %add3A_856 = arith.addi %sub3A_21, %mul3A_855 : i32
      %add3A_857 = arith.constant 14 : i32
      %add3A_858 = arith.addi %add3A_856, %add3A_857 : i32
      %mul3A_859 = arith.constant 2 : i32
      %mul3A_860 = arith.muli %reduce_sum3A_853, %mul3A_859 : i32
      %dma_start3A_861 = arith.constant 0 : i32
      %dma_start3A_862 = tpu.memref_slice %arg6[%mul3A_860, %dma_start3A_861] : memref<8x2048xf32, #tpu.memory_space<vmem>> -> memref<2x2048xf32, #tpu.memory_space<vmem>>
      %dma_start3A_863 = arith.constant 0 : i32
      %dma_start3A_864 = tpu.memref_slice %arg4[%select_n3A, %add3A_858, %dma_start3A_863] : memref<4x8192x2048xf32, #tpu.memory_space<hbm>> -> memref<1x2x2048xf32, #tpu.memory_space<hbm>>
      %dma_start3A_865 = tpu.memref_squeeze %dma_start3A_864 : memref<1x2x2048xf32, #tpu.memory_space<hbm>> -> memref<2x2048xf32, #tpu.memory_space<hbm>>
      %dma_start3A_866 = arith.constant 0 : i32
      %dma_start3A_867 = tpu.memref_slice %arg4[%select_n3A, %add3A_858, %dma_start3A_866] : memref<4x8192x2048xf32, #tpu.memory_space<hbm>> -> memref<1x2x2048xf32, #tpu.memory_space<hbm>>
      %dma_start3A_868 = tpu.memref_squeeze %dma_start3A_867 : memref<1x2x2048xf32, #tpu.memory_space<hbm>> -> memref<2x2048xf32, #tpu.memory_space<hbm>>
      %dma_start3A_869 = arith.constant 0 : i32
      %dma_start3A_870 = tpu.memref_slice %arg6[%mul3A_860, %dma_start3A_869] : memref<8x2048xf32, #tpu.memory_space<vmem>> -> memref<2x2048xf32, #tpu.memory_space<vmem>>
      tpu.enqueue_dma source(%dma_start3A_870 : memref<2x2048xf32, #tpu.memory_space<vmem>>) target(%dma_start3A_868 : memref<2x2048xf32, #tpu.memory_space<hbm>>) target_semaphore(%arg8 : memref<!tpu.dma_semaphore, #tpu.memory_space<semaphore_mem>>)
      %dma_wait3A_871 = arith.constant 0 : i32
      %dma_wait3A_872 = arith.constant 0 : i32
      %dma_wait3A_873 = arith.constant 0 : i32
      %dma_wait3A_874 = tpu.memref_slice %arg6[%dma_wait3A_872, %dma_wait3A_873] : memref<8x2048xf32, #tpu.memory_space<vmem>> -> memref<2x2048xf32, #tpu.memory_space<vmem>>
      %dma_wait3A_875 = arith.constant 0 : i32
      %dma_wait3A_876 = arith.constant 0 : i32
      %dma_wait3A_877 = tpu.memref_slice %arg4[%dma_wait3A_871, %dma_wait3A_875, %dma_wait3A_876] : memref<4x8192x2048xf32, #tpu.memory_space<hbm>> -> memref<1x2x2048xf32, #tpu.memory_space<hbm>>
      %dma_wait3A_878 = tpu.memref_squeeze %dma_wait3A_877 : memref<1x2x2048xf32, #tpu.memory_space<hbm>> -> memref<2x2048xf32, #tpu.memory_space<hbm>>
      %dma_wait3A_879 = arith.constant 0 : i32
      %dma_wait3A_880 = arith.constant 0 : i32
      %dma_wait3A_881 = tpu.memref_slice %arg4[%dma_wait3A_871, %dma_wait3A_879, %dma_wait3A_880] : memref<4x8192x2048xf32, #tpu.memory_space<hbm>> -> memref<1x2x2048xf32, #tpu.memory_space<hbm>>
      %dma_wait3A_882 = tpu.memref_squeeze %dma_wait3A_881 : memref<1x2x2048xf32, #tpu.memory_space<hbm>> -> memref<2x2048xf32, #tpu.memory_space<hbm>>
      %dma_wait3A_883 = arith.constant 0 : i32
      %dma_wait3A_884 = arith.constant 0 : i32
      %dma_wait3A_885 = tpu.memref_slice %arg6[%dma_wait3A_883, %dma_wait3A_884] : memref<8x2048xf32, #tpu.memory_space<vmem>> -> memref<2x2048xf32, #tpu.memory_space<vmem>>
      tpu.wait_dma2 semaphore(%arg8 : memref<!tpu.dma_semaphore, #tpu.memory_space<semaphore_mem>>) src(%dma_wait3A_885 : memref<2x2048xf32, #tpu.memory_space<vmem>>) dst(%dma_wait3A_882 : memref<2x2048xf32, #tpu.memory_space<hbm>>)
      %dma_wait3A_886 = arith.constant 0 : i32
      %dma_wait3A_887 = arith.constant 0 : i32
      %dma_wait3A_888 = arith.constant 0 : i32
      %dma_wait3A_889 = tpu.memref_slice %arg6[%dma_wait3A_887, %dma_wait3A_888] : memref<8x2048xf32, #tpu.memory_space<vmem>> -> memref<2x2048xf32, #tpu.memory_space<vmem>>
      %dma_wait3A_890 = arith.constant 0 : i32
      %dma_wait3A_891 = arith.constant 0 : i32
      %dma_wait3A_892 = tpu.memref_slice %arg4[%dma_wait3A_886, %dma_wait3A_890, %dma_wait3A_891] : memref<4x8192x2048xf32, #tpu.memory_space<hbm>> -> memref<1x2x2048xf32, #tpu.memory_space<hbm>>
      %dma_wait3A_893 = tpu.memref_squeeze %dma_wait3A_892 : memref<1x2x2048xf32, #tpu.memory_space<hbm>> -> memref<2x2048xf32, #tpu.memory_space<hbm>>
      %dma_wait3A_894 = arith.constant 0 : i32
      %dma_wait3A_895 = arith.constant 0 : i32
      %dma_wait3A_896 = tpu.memref_slice %arg4[%dma_wait3A_886, %dma_wait3A_894, %dma_wait3A_895] : memref<4x8192x2048xf32, #tpu.memory_space<hbm>> -> memref<1x2x2048xf32, #tpu.memory_space<hbm>>
      %dma_wait3A_897 = tpu.memref_squeeze %dma_wait3A_896 : memref<1x2x2048xf32, #tpu.memory_space<hbm>> -> memref<2x2048xf32, #tpu.memory_space<hbm>>
      %dma_wait3A_898 = arith.constant 0 : i32
      %dma_wait3A_899 = arith.constant 0 : i32
      %dma_wait3A_900 = tpu.memref_slice %arg6[%dma_wait3A_898, %dma_wait3A_899] : memref<8x2048xf32, #tpu.memory_space<vmem>> -> memref<2x2048xf32, #tpu.memory_space<vmem>>
      tpu.wait_dma2 semaphore(%arg8 : memref<!tpu.dma_semaphore, #tpu.memory_space<semaphore_mem>>) src(%dma_wait3A_900 : memref<2x2048xf32, #tpu.memory_space<vmem>>) dst(%dma_wait3A_897 : memref<2x2048xf32, #tpu.memory_space<hbm>>)
      %dma_wait3A_901 = arith.constant 0 : i32
      %dma_wait3A_902 = arith.constant 0 : i32
      %dma_wait3A_903 = arith.constant 0 : i32
      %dma_wait3A_904 = tpu.memref_slice %arg6[%dma_wait3A_902, %dma_wait3A_903] : memref<8x2048xf32, #tpu.memory_space<vmem>> -> memref<2x2048xf32, #tpu.memory_space<vmem>>
      %dma_wait3A_905 = arith.constant 0 : i32
      %dma_wait3A_906 = arith.constant 0 : i32
      %dma_wait3A_907 = tpu.memref_slice %arg4[%dma_wait3A_901, %dma_wait3A_905, %dma_wait3A_906] : memref<4x8192x2048xf32, #tpu.memory_space<hbm>> -> memref<1x2x2048xf32, #tpu.memory_space<hbm>>
      %dma_wait3A_908 = tpu.memref_squeeze %dma_wait3A_907 : memref<1x2x2048xf32, #tpu.memory_space<hbm>> -> memref<2x2048xf32, #tpu.memory_space<hbm>>
      %dma_wait3A_909 = arith.constant 0 : i32
      %dma_wait3A_910 = arith.constant 0 : i32
      %dma_wait3A_911 = tpu.memref_slice %arg4[%dma_wait3A_901, %dma_wait3A_909, %dma_wait3A_910] : memref<4x8192x2048xf32, #tpu.memory_space<hbm>> -> memref<1x2x2048xf32, #tpu.memory_space<hbm>>
      %dma_wait3A_912 = tpu.memref_squeeze %dma_wait3A_911 : memref<1x2x2048xf32, #tpu.memory_space<hbm>> -> memref<2x2048xf32, #tpu.memory_space<hbm>>
      %dma_wait3A_913 = arith.constant 0 : i32
      %dma_wait3A_914 = arith.constant 0 : i32
      %dma_wait3A_915 = tpu.memref_slice %arg6[%dma_wait3A_913, %dma_wait3A_914] : memref<8x2048xf32, #tpu.memory_space<vmem>> -> memref<2x2048xf32, #tpu.memory_space<vmem>>
      tpu.wait_dma2 semaphore(%arg8 : memref<!tpu.dma_semaphore, #tpu.memory_space<semaphore_mem>>) src(%dma_wait3A_915 : memref<2x2048xf32, #tpu.memory_space<vmem>>) dst(%dma_wait3A_912 : memref<2x2048xf32, #tpu.memory_space<hbm>>)
      %dma_wait3A_916 = arith.constant 0 : i32
      %dma_wait3A_917 = arith.constant 0 : i32
      %dma_wait3A_918 = arith.constant 0 : i32
      %dma_wait3A_919 = tpu.memref_slice %arg6[%dma_wait3A_917, %dma_wait3A_918] : memref<8x2048xf32, #tpu.memory_space<vmem>> -> memref<2x2048xf32, #tpu.memory_space<vmem>>
      %dma_wait3A_920 = arith.constant 0 : i32
      %dma_wait3A_921 = arith.constant 0 : i32
      %dma_wait3A_922 = tpu.memref_slice %arg4[%dma_wait3A_916, %dma_wait3A_920, %dma_wait3A_921] : memref<4x8192x2048xf32, #tpu.memory_space<hbm>> -> memref<1x2x2048xf32, #tpu.memory_space<hbm>>
      %dma_wait3A_923 = tpu.memref_squeeze %dma_wait3A_922 : memref<1x2x2048xf32, #tpu.memory_space<hbm>> -> memref<2x2048xf32, #tpu.memory_space<hbm>>
      %dma_wait3A_924 = arith.constant 0 : i32
      %dma_wait3A_925 = arith.constant 0 : i32
      %dma_wait3A_926 = tpu.memref_slice %arg4[%dma_wait3A_916, %dma_wait3A_924, %dma_wait3A_925] : memref<4x8192x2048xf32, #tpu.memory_space<hbm>> -> memref<1x2x2048xf32, #tpu.memory_space<hbm>>
      %dma_wait3A_927 = tpu.memref_squeeze %dma_wait3A_926 : memref<1x2x2048xf32, #tpu.memory_space<hbm>> -> memref<2x2048xf32, #tpu.memory_space<hbm>>
      %dma_wait3A_928 = arith.constant 0 : i32
      %dma_wait3A_929 = arith.constant 0 : i32
      %dma_wait3A_930 = tpu.memref_slice %arg6[%dma_wait3A_928, %dma_wait3A_929] : memref<8x2048xf32, #tpu.memory_space<vmem>> -> memref<2x2048xf32, #tpu.memory_space<vmem>>
      tpu.wait_dma2 semaphore(%arg8 : memref<!tpu.dma_semaphore, #tpu.memory_space<semaphore_mem>>) src(%dma_wait3A_930 : memref<2x2048xf32, #tpu.memory_space<vmem>>) dst(%dma_wait3A_927 : memref<2x2048xf32, #tpu.memory_space<hbm>>)
      %dma_wait3A_931 = arith.constant 0 : i32
      %dma_wait3A_932 = arith.constant 0 : i32
      %dma_wait3A_933 = arith.constant 0 : i32
      %dma_wait3A_934 = tpu.memref_slice %arg6[%dma_wait3A_932, %dma_wait3A_933] : memref<8x2048xf32, #tpu.memory_space<vmem>> -> memref<2x2048xf32, #tpu.memory_space<vmem>>
      %dma_wait3A_935 = arith.constant 0 : i32
      %dma_wait3A_936 = arith.constant 0 : i32
      %dma_wait3A_937 = tpu.memref_slice %arg4[%dma_wait3A_931, %dma_wait3A_935, %dma_wait3A_936] : memref<4x8192x2048xf32, #tpu.memory_space<hbm>> -> memref<1x2x2048xf32, #tpu.memory_space<hbm>>
      %dma_wait3A_938 = tpu.memref_squeeze %dma_wait3A_937 : memref<1x2x2048xf32, #tpu.memory_space<hbm>> -> memref<2x2048xf32, #tpu.memory_space<hbm>>
      %dma_wait3A_939 = arith.constant 0 : i32
      %dma_wait3A_940 = arith.constant 0 : i32
      %dma_wait3A_941 = tpu.memref_slice %arg4[%dma_wait3A_931, %dma_wait3A_939, %dma_wait3A_940] : memref<4x8192x2048xf32, #tpu.memory_space<hbm>> -> memref<1x2x2048xf32, #tpu.memory_space<hbm>>
      %dma_wait3A_942 = tpu.memref_squeeze %dma_wait3A_941 : memref<1x2x2048xf32, #tpu.memory_space<hbm>> -> memref<2x2048xf32, #tpu.memory_space<hbm>>
      %dma_wait3A_943 = arith.constant 0 : i32
      %dma_wait3A_944 = arith.constant 0 : i32
      %dma_wait3A_945 = tpu.memref_slice %arg6[%dma_wait3A_943, %dma_wait3A_944] : memref<8x2048xf32, #tpu.memory_space<vmem>> -> memref<2x2048xf32, #tpu.memory_space<vmem>>
      tpu.wait_dma2 semaphore(%arg8 : memref<!tpu.dma_semaphore, #tpu.memory_space<semaphore_mem>>) src(%dma_wait3A_945 : memref<2x2048xf32, #tpu.memory_space<vmem>>) dst(%dma_wait3A_942 : memref<2x2048xf32, #tpu.memory_space<hbm>>)
      %dma_wait3A_946 = arith.constant 0 : i32
      %dma_wait3A_947 = arith.constant 0 : i32
      %dma_wait3A_948 = arith.constant 0 : i32
      %dma_wait3A_949 = tpu.memref_slice %arg6[%dma_wait3A_947, %dma_wait3A_948] : memref<8x2048xf32, #tpu.memory_space<vmem>> -> memref<2x2048xf32, #tpu.memory_space<vmem>>
      %dma_wait3A_950 = arith.constant 0 : i32
      %dma_wait3A_951 = arith.constant 0 : i32
      %dma_wait3A_952 = tpu.memref_slice %arg4[%dma_wait3A_946, %dma_wait3A_950, %dma_wait3A_951] : memref<4x8192x2048xf32, #tpu.memory_space<hbm>> -> memref<1x2x2048xf32, #tpu.memory_space<hbm>>
      %dma_wait3A_953 = tpu.memref_squeeze %dma_wait3A_952 : memref<1x2x2048xf32, #tpu.memory_space<hbm>> -> memref<2x2048xf32, #tpu.memory_space<hbm>>
      %dma_wait3A_954 = arith.constant 0 : i32
      %dma_wait3A_955 = arith.constant 0 : i32
      %dma_wait3A_956 = tpu.memref_slice %arg4[%dma_wait3A_946, %dma_wait3A_954, %dma_wait3A_955] : memref<4x8192x2048xf32, #tpu.memory_space<hbm>> -> memref<1x2x2048xf32, #tpu.memory_space<hbm>>
      %dma_wait3A_957 = tpu.memref_squeeze %dma_wait3A_956 : memref<1x2x2048xf32, #tpu.memory_space<hbm>> -> memref<2x2048xf32, #tpu.memory_space<hbm>>
      %dma_wait3A_958 = arith.constant 0 : i32
      %dma_wait3A_959 = arith.constant 0 : i32
      %dma_wait3A_960 = tpu.memref_slice %arg6[%dma_wait3A_958, %dma_wait3A_959] : memref<8x2048xf32, #tpu.memory_space<vmem>> -> memref<2x2048xf32, #tpu.memory_space<vmem>>
      tpu.wait_dma2 semaphore(%arg8 : memref<!tpu.dma_semaphore, #tpu.memory_space<semaphore_mem>>) src(%dma_wait3A_960 : memref<2x2048xf32, #tpu.memory_space<vmem>>) dst(%dma_wait3A_957 : memref<2x2048xf32, #tpu.memory_space<hbm>>)
      %dma_wait3A_961 = arith.constant 0 : i32
      %dma_wait3A_962 = arith.constant 0 : i32
      %dma_wait3A_963 = arith.constant 0 : i32
      %dma_wait3A_964 = tpu.memref_slice %arg6[%dma_wait3A_962, %dma_wait3A_963] : memref<8x2048xf32, #tpu.memory_space<vmem>> -> memref<2x2048xf32, #tpu.memory_space<vmem>>
      %dma_wait3A_965 = arith.constant 0 : i32
      %dma_wait3A_966 = arith.constant 0 : i32
      %dma_wait3A_967 = tpu.memref_slice %arg4[%dma_wait3A_961, %dma_wait3A_965, %dma_wait3A_966] : memref<4x8192x2048xf32, #tpu.memory_space<hbm>> -> memref<1x2x2048xf32, #tpu.memory_space<hbm>>
      %dma_wait3A_968 = tpu.memref_squeeze %dma_wait3A_967 : memref<1x2x2048xf32, #tpu.memory_space<hbm>> -> memref<2x2048xf32, #tpu.memory_space<hbm>>
      %dma_wait3A_969 = arith.constant 0 : i32
      %dma_wait3A_970 = arith.constant 0 : i32
      %dma_wait3A_971 = tpu.memref_slice %arg4[%dma_wait3A_961, %dma_wait3A_969, %dma_wait3A_970] : memref<4x8192x2048xf32, #tpu.memory_space<hbm>> -> memref<1x2x2048xf32, #tpu.memory_space<hbm>>
      %dma_wait3A_972 = tpu.memref_squeeze %dma_wait3A_971 : memref<1x2x2048xf32, #tpu.memory_space<hbm>> -> memref<2x2048xf32, #tpu.memory_space<hbm>>
      %dma_wait3A_973 = arith.constant 0 : i32
      %dma_wait3A_974 = arith.constant 0 : i32
      %dma_wait3A_975 = tpu.memref_slice %arg6[%dma_wait3A_973, %dma_wait3A_974] : memref<8x2048xf32, #tpu.memory_space<vmem>> -> memref<2x2048xf32, #tpu.memory_space<vmem>>
      tpu.wait_dma2 semaphore(%arg8 : memref<!tpu.dma_semaphore, #tpu.memory_space<semaphore_mem>>) src(%dma_wait3A_975 : memref<2x2048xf32, #tpu.memory_space<vmem>>) dst(%dma_wait3A_972 : memref<2x2048xf32, #tpu.memory_space<hbm>>)
      %dma_wait3A_976 = arith.constant 0 : i32
      %dma_wait3A_977 = arith.constant 0 : i32
      %dma_wait3A_978 = arith.constant 0 : i32
      %dma_wait3A_979 = tpu.memref_slice %arg6[%dma_wait3A_977, %dma_wait3A_978] : memref<8x2048xf32, #tpu.memory_space<vmem>> -> memref<2x2048xf32, #tpu.memory_space<vmem>>
      %dma_wait3A_980 = arith.constant 0 : i32
      %dma_wait3A_981 = arith.constant 0 : i32
      %dma_wait3A_982 = tpu.memref_slice %arg4[%dma_wait3A_976, %dma_wait3A_980, %dma_wait3A_981] : memref<4x8192x2048xf32, #tpu.memory_space<hbm>> -> memref<1x2x2048xf32, #tpu.memory_space<hbm>>
      %dma_wait3A_983 = tpu.memref_squeeze %dma_wait3A_982 : memref<1x2x2048xf32, #tpu.memory_space<hbm>> -> memref<2x2048xf32, #tpu.memory_space<hbm>>
      %dma_wait3A_984 = arith.constant 0 : i32
      %dma_wait3A_985 = arith.constant 0 : i32
      %dma_wait3A_986 = tpu.memref_slice %arg4[%dma_wait3A_976, %dma_wait3A_984, %dma_wait3A_985] : memref<4x8192x2048xf32, #tpu.memory_space<hbm>> -> memref<1x2x2048xf32, #tpu.memory_space<hbm>>
      %dma_wait3A_987 = tpu.memref_squeeze %dma_wait3A_986 : memref<1x2x2048xf32, #tpu.memory_space<hbm>> -> memref<2x2048xf32, #tpu.memory_space<hbm>>
      %dma_wait3A_988 = arith.constant 0 : i32
      %dma_wait3A_989 = arith.constant 0 : i32
      %dma_wait3A_990 = tpu.memref_slice %arg6[%dma_wait3A_988, %dma_wait3A_989] : memref<8x2048xf32, #tpu.memory_space<vmem>> -> memref<2x2048xf32, #tpu.memory_space<vmem>>
      tpu.wait_dma2 semaphore(%arg8 : memref<!tpu.dma_semaphore, #tpu.memory_space<semaphore_mem>>) src(%dma_wait3A_990 : memref<2x2048xf32, #tpu.memory_space<vmem>>) dst(%dma_wait3A_987 : memref<2x2048xf32, #tpu.memory_space<hbm>>)
      %mul3A_991 = arith.constant 2 : i32
      %mul3A_992 = arith.muli %mul3A_991, %scan3A_647 : i32
      %add3A_993 = arith.constant 1 : i32
      %add3A_994 = arith.addi %mul3A_992, %add3A_993 : i32
      %mul3A_995 = arith.constant 16 : i32
      %mul3A_996 = arith.muli %add3A_994, %mul3A_995 : i32
      %get3A_997 = arith.index_cast %mul3A_996 : i32 to index
      %get3A_998 = tpu.vector_load %arg5[%get3A_997] {strides = array<i32>} : memref<1024xi32, #tpu.memory_space<vmem>>, vector<16xi32>,
      %mul3A_999 = arith.muli %get3A_998, %shift_left3A_49 : vector<16xi32>
      %eq3A_1000 = arith.constant 0 : i32
      %eq3A_1001 = vector.broadcast %eq3A_1000 : i32 to vector<16xi32>
      %eq3A_1002 = arith.cmpi eq, %select_n3A_80, %eq3A_1001 : vector<16xi32>
      %jit3A_1003 = arith.constant 0 : i32
      %broadcast_in_dim3A_1004 = vector.broadcast %jit3A_1003 : i32 to vector<16xi32>
      %select_n3A_1005 = arith.select %eq3A_1002, %mul3A_999, %broadcast_in_dim3A_1004 : vector<16xi1>, vector<16xi32>
      %reduce_sum3A_1006 = arith.constant true
      %reduce_sum3A_1007 = vector.broadcast %reduce_sum3A_1006 : i1 to vector<16xi1>
      %reduce_sum3A_1008 = tpu.scan <sum>, %select_n3A_1005 masked %reduce_sum3A_1007 : vector<16xi32>, vector<16xi1> -> vector<16xi32>
      %reduce_sum3A_1009 = vector.extract %reduce_sum3A_1008[15] : i32 from vector<16xi32>
      %mul3A_1010 = arith.constant 16 : i32
      %mul3A_1011 = arith.muli %add3A_994, %mul3A_1010 : i32
      %add3A_1012 = arith.addi %sub3A_21, %mul3A_1011 : i32
      %add3A_1013 = arith.constant 0 : i32
      %add3A_1014 = arith.addi %add3A_1012, %add3A_1013 : i32
      %mul3A_1015 = arith.constant 2 : i32
      %mul3A_1016 = arith.muli %reduce_sum3A_1009, %mul3A_1015 : i32
      %dma_start3A_1017 = arith.constant 0 : i32
      %dma_start3A_1018 = tpu.memref_slice %arg4[%select_n3A, %add3A_1014, %dma_start3A_1017] : memref<4x8192x2048xf32, #tpu.memory_space<hbm>> -> memref<1x2x2048xf32, #tpu.memory_space<hbm>>
      %dma_start3A_1019 = tpu.memref_squeeze %dma_start3A_1018 : memref<1x2x2048xf32, #tpu.memory_space<hbm>> -> memref<2x2048xf32, #tpu.memory_space<hbm>>
      %dma_start3A_1020 = arith.constant 0 : i32
      %dma_start3A_1021 = tpu.memref_slice %arg7[%mul3A_1016, %dma_start3A_1020] : memref<8x2048xf32, #tpu.memory_space<vmem_shared>> -> memref<2x2048xf32, #tpu.memory_space<vmem_shared>>
      tpu.enqueue_dma source(%dma_start3A_1021 : memref<2x2048xf32, #tpu.memory_space<vmem_shared>>) target(%dma_start3A_1019 : memref<2x2048xf32, #tpu.memory_space<hbm>>) target_semaphore(%arg9 : memref<!tpu.dma_semaphore, #tpu.memory_space<semaphore_mem>>)
      %eq3A_1022 = arith.constant 1 : i32
      %eq3A_1023 = vector.broadcast %eq3A_1022 : i32 to vector<16xi32>
      %eq3A_1024 = arith.cmpi eq, %select_n3A_80, %eq3A_1023 : vector<16xi32>
      %jit3A_1025 = arith.constant 0 : i32
      %broadcast_in_dim3A_1026 = vector.broadcast %jit3A_1025 : i32 to vector<16xi32>
      %select_n3A_1027 = arith.select %eq3A_1024, %mul3A_999, %broadcast_in_dim3A_1026 : vector<16xi1>, vector<16xi32>
      %reduce_sum3A_1028 = arith.constant true
      %reduce_sum3A_1029 = vector.broadcast %reduce_sum3A_1028 : i1 to vector<16xi1>
      %reduce_sum3A_1030 = tpu.scan <sum>, %select_n3A_1027 masked %reduce_sum3A_1029 : vector<16xi32>, vector<16xi1> -> vector<16xi32>
      %reduce_sum3A_1031 = vector.extract %reduce_sum3A_1030[15] : i32 from vector<16xi32>
      %mul3A_1032 = arith.constant 16 : i32
      %mul3A_1033 = arith.muli %add3A_994, %mul3A_1032 : i32
      %add3A_1034 = arith.addi %sub3A_21, %mul3A_1033 : i32
      %add3A_1035 = arith.constant 2 : i32
      %add3A_1036 = arith.addi %add3A_1034, %add3A_1035 : i32
      %mul3A_1037 = arith.constant 2 : i32
      %mul3A_1038 = arith.muli %reduce_sum3A_1031, %mul3A_1037 : i32
      %dma_start3A_1039 = arith.constant 0 : i32
      %dma_start3A_1040 = tpu.memref_slice %arg4[%select_n3A, %add3A_1036, %dma_start3A_1039] : memref<4x8192x2048xf32, #tpu.memory_space<hbm>> -> memref<1x2x2048xf32, #tpu.memory_space<hbm>>
      %dma_start3A_1041 = tpu.memref_squeeze %dma_start3A_1040 : memref<1x2x2048xf32, #tpu.memory_space<hbm>> -> memref<2x2048xf32, #tpu.memory_space<hbm>>
      %dma_start3A_1042 = arith.constant 0 : i32
      %dma_start3A_1043 = tpu.memref_slice %arg7[%mul3A_1038, %dma_start3A_1042] : memref<8x2048xf32, #tpu.memory_space<vmem_shared>> -> memref<2x2048xf32, #tpu.memory_space<vmem_shared>>
      tpu.enqueue_dma source(%dma_start3A_1043 : memref<2x2048xf32, #tpu.memory_space<vmem_shared>>) target(%dma_start3A_1041 : memref<2x2048xf32, #tpu.memory_space<hbm>>) target_semaphore(%arg9 : memref<!tpu.dma_semaphore, #tpu.memory_space<semaphore_mem>>)
      %eq3A_1044 = arith.constant 2 : i32
      %eq3A_1045 = vector.broadcast %eq3A_1044 : i32 to vector<16xi32>
      %eq3A_1046 = arith.cmpi eq, %select_n3A_80, %eq3A_1045 : vector<16xi32>
      %jit3A_1047 = arith.constant 0 : i32
      %broadcast_in_dim3A_1048 = vector.broadcast %jit3A_1047 : i32 to vector<16xi32>
      %select_n3A_1049 = arith.select %eq3A_1046, %mul3A_999, %broadcast_in_dim3A_1048 : vector<16xi1>, vector<16xi32>
      %reduce_sum3A_1050 = arith.constant true
      %reduce_sum3A_1051 = vector.broadcast %reduce_sum3A_1050 : i1 to vector<16xi1>
      %reduce_sum3A_1052 = tpu.scan <sum>, %select_n3A_1049 masked %reduce_sum3A_1051 : vector<16xi32>, vector<16xi1> -> vector<16xi32>
      %reduce_sum3A_1053 = vector.extract %reduce_sum3A_1052[15] : i32 from vector<16xi32>
      %mul3A_1054 = arith.constant 16 : i32
      %mul3A_1055 = arith.muli %add3A_994, %mul3A_1054 : i32
      %add3A_1056 = arith.addi %sub3A_21, %mul3A_1055 : i32
      %add3A_1057 = arith.constant 4 : i32
      %add3A_1058 = arith.addi %add3A_1056, %add3A_1057 : i32
      %mul3A_1059 = arith.constant 2 : i32
      %mul3A_1060 = arith.muli %reduce_sum3A_1053, %mul3A_1059 : i32
      %dma_start3A_1061 = arith.constant 0 : i32
      %dma_start3A_1062 = tpu.memref_slice %arg4[%select_n3A, %add3A_1058, %dma_start3A_1061] : memref<4x8192x2048xf32, #tpu.memory_space<hbm>> -> memref<1x2x2048xf32, #tpu.memory_space<hbm>>
      %dma_start3A_1063 = tpu.memref_squeeze %dma_start3A_1062 : memref<1x2x2048xf32, #tpu.memory_space<hbm>> -> memref<2x2048xf32, #tpu.memory_space<hbm>>
      %dma_start3A_1064 = arith.constant 0 : i32
      %dma_start3A_1065 = tpu.memref_slice %arg7[%mul3A_1060, %dma_start3A_1064] : memref<8x2048xf32, #tpu.memory_space<vmem_shared>> -> memref<2x2048xf32, #tpu.memory_space<vmem_shared>>
      tpu.enqueue_dma source(%dma_start3A_1065 : memref<2x2048xf32, #tpu.memory_space<vmem_shared>>) target(%dma_start3A_1063 : memref<2x2048xf32, #tpu.memory_space<hbm>>) target_semaphore(%arg9 : memref<!tpu.dma_semaphore, #tpu.memory_space<semaphore_mem>>)
      %eq3A_1066 = arith.constant 3 : i32
      %eq3A_1067 = vector.broadcast %eq3A_1066 : i32 to vector<16xi32>
      %eq3A_1068 = arith.cmpi eq, %select_n3A_80, %eq3A_1067 : vector<16xi32>
      %jit3A_1069 = arith.constant 0 : i32
      %broadcast_in_dim3A_1070 = vector.broadcast %jit3A_1069 : i32 to vector<16xi32>
      %select_n3A_1071 = arith.select %eq3A_1068, %mul3A_999, %broadcast_in_dim3A_1070 : vector<16xi1>, vector<16xi32>
      %reduce_sum3A_1072 = arith.constant true
      %reduce_sum3A_1073 = vector.broadcast %reduce_sum3A_1072 : i1 to vector<16xi1>
      %reduce_sum3A_1074 = tpu.scan <sum>, %select_n3A_1071 masked %reduce_sum3A_1073 : vector<16xi32>, vector<16xi1> -> vector<16xi32>
      %reduce_sum3A_1075 = vector.extract %reduce_sum3A_1074[15] : i32 from vector<16xi32>
      %mul3A_1076 = arith.constant 16 : i32
      %mul3A_1077 = arith.muli %add3A_994, %mul3A_1076 : i32
      %add3A_1078 = arith.addi %sub3A_21, %mul3A_1077 : i32
      %add3A_1079 = arith.constant 6 : i32
      %add3A_1080 = arith.addi %add3A_1078, %add3A_1079 : i32
      %mul3A_1081 = arith.constant 2 : i32
      %mul3A_1082 = arith.muli %reduce_sum3A_1075, %mul3A_1081 : i32
      %dma_start3A_1083 = arith.constant 0 : i32
      %dma_start3A_1084 = tpu.memref_slice %arg4[%select_n3A, %add3A_1080, %dma_start3A_1083] : memref<4x8192x2048xf32, #tpu.memory_space<hbm>> -> memref<1x2x2048xf32, #tpu.memory_space<hbm>>
      %dma_start3A_1085 = tpu.memref_squeeze %dma_start3A_1084 : memref<1x2x2048xf32, #tpu.memory_space<hbm>> -> memref<2x2048xf32, #tpu.memory_space<hbm>>
      %dma_start3A_1086 = arith.constant 0 : i32
      %dma_start3A_1087 = tpu.memref_slice %arg7[%mul3A_1082, %dma_start3A_1086] : memref<8x2048xf32, #tpu.memory_space<vmem_shared>> -> memref<2x2048xf32, #tpu.memory_space<vmem_shared>>
      tpu.enqueue_dma source(%dma_start3A_1087 : memref<2x2048xf32, #tpu.memory_space<vmem_shared>>) target(%dma_start3A_1085 : memref<2x2048xf32, #tpu.memory_space<hbm>>) target_semaphore(%arg9 : memref<!tpu.dma_semaphore, #tpu.memory_space<semaphore_mem>>)
      %eq3A_1088 = arith.constant 4 : i32
      %eq3A_1089 = vector.broadcast %eq3A_1088 : i32 to vector<16xi32>
      %eq3A_1090 = arith.cmpi eq, %select_n3A_80, %eq3A_1089 : vector<16xi32>
      %jit3A_1091 = arith.constant 0 : i32
      %broadcast_in_dim3A_1092 = vector.broadcast %jit3A_1091 : i32 to vector<16xi32>
      %select_n3A_1093 = arith.select %eq3A_1090, %mul3A_999, %broadcast_in_dim3A_1092 : vector<16xi1>, vector<16xi32>
      %reduce_sum3A_1094 = arith.constant true
      %reduce_sum3A_1095 = vector.broadcast %reduce_sum3A_1094 : i1 to vector<16xi1>
      %reduce_sum3A_1096 = tpu.scan <sum>, %select_n3A_1093 masked %reduce_sum3A_1095 : vector<16xi32>, vector<16xi1> -> vector<16xi32>
      %reduce_sum3A_1097 = vector.extract %reduce_sum3A_1096[15] : i32 from vector<16xi32>
      %mul3A_1098 = arith.constant 16 : i32
      %mul3A_1099 = arith.muli %add3A_994, %mul3A_1098 : i32
      %add3A_1100 = arith.addi %sub3A_21, %mul3A_1099 : i32
      %add3A_1101 = arith.constant 8 : i32
      %add3A_1102 = arith.addi %add3A_1100, %add3A_1101 : i32
      %mul3A_1103 = arith.constant 2 : i32
      %mul3A_1104 = arith.muli %reduce_sum3A_1097, %mul3A_1103 : i32
      %dma_start3A_1105 = arith.constant 0 : i32
      %dma_start3A_1106 = tpu.memref_slice %arg4[%select_n3A, %add3A_1102, %dma_start3A_1105] : memref<4x8192x2048xf32, #tpu.memory_space<hbm>> -> memref<1x2x2048xf32, #tpu.memory_space<hbm>>
      %dma_start3A_1107 = tpu.memref_squeeze %dma_start3A_1106 : memref<1x2x2048xf32, #tpu.memory_space<hbm>> -> memref<2x2048xf32, #tpu.memory_space<hbm>>
      %dma_start3A_1108 = arith.constant 0 : i32
      %dma_start3A_1109 = tpu.memref_slice %arg7[%mul3A_1104, %dma_start3A_1108] : memref<8x2048xf32, #tpu.memory_space<vmem_shared>> -> memref<2x2048xf32, #tpu.memory_space<vmem_shared>>
      tpu.enqueue_dma source(%dma_start3A_1109 : memref<2x2048xf32, #tpu.memory_space<vmem_shared>>) target(%dma_start3A_1107 : memref<2x2048xf32, #tpu.memory_space<hbm>>) target_semaphore(%arg9 : memref<!tpu.dma_semaphore, #tpu.memory_space<semaphore_mem>>)
      %eq3A_1110 = arith.constant 5 : i32
      %eq3A_1111 = vector.broadcast %eq3A_1110 : i32 to vector<16xi32>
      %eq3A_1112 = arith.cmpi eq, %select_n3A_80, %eq3A_1111 : vector<16xi32>
      %jit3A_1113 = arith.constant 0 : i32
      %broadcast_in_dim3A_1114 = vector.broadcast %jit3A_1113 : i32 to vector<16xi32>
      %select_n3A_1115 = arith.select %eq3A_1112, %mul3A_999, %broadcast_in_dim3A_1114 : vector<16xi1>, vector<16xi32>
      %reduce_sum3A_1116 = arith.constant true
      %reduce_sum3A_1117 = vector.broadcast %reduce_sum3A_1116 : i1 to vector<16xi1>
      %reduce_sum3A_1118 = tpu.scan <sum>, %select_n3A_1115 masked %reduce_sum3A_1117 : vector<16xi32>, vector<16xi1> -> vector<16xi32>
      %reduce_sum3A_1119 = vector.extract %reduce_sum3A_1118[15] : i32 from vector<16xi32>
      %mul3A_1120 = arith.constant 16 : i32
      %mul3A_1121 = arith.muli %add3A_994, %mul3A_1120 : i32
      %add3A_1122 = arith.addi %sub3A_21, %mul3A_1121 : i32
      %add3A_1123 = arith.constant 10 : i32
      %add3A_1124 = arith.addi %add3A_1122, %add3A_1123 : i32
      %mul3A_1125 = arith.constant 2 : i32
      %mul3A_1126 = arith.muli %reduce_sum3A_1119, %mul3A_1125 : i32
      %dma_start3A_1127 = arith.constant 0 : i32
      %dma_start3A_1128 = tpu.memref_slice %arg4[%select_n3A, %add3A_1124, %dma_start3A_1127] : memref<4x8192x2048xf32, #tpu.memory_space<hbm>> -> memref<1x2x2048xf32, #tpu.memory_space<hbm>>
      %dma_start3A_1129 = tpu.memref_squeeze %dma_start3A_1128 : memref<1x2x2048xf32, #tpu.memory_space<hbm>> -> memref<2x2048xf32, #tpu.memory_space<hbm>>
      %dma_start3A_1130 = arith.constant 0 : i32
      %dma_start3A_1131 = tpu.memref_slice %arg7[%mul3A_1126, %dma_start3A_1130] : memref<8x2048xf32, #tpu.memory_space<vmem_shared>> -> memref<2x2048xf32, #tpu.memory_space<vmem_shared>>
      tpu.enqueue_dma source(%dma_start3A_1131 : memref<2x2048xf32, #tpu.memory_space<vmem_shared>>) target(%dma_start3A_1129 : memref<2x2048xf32, #tpu.memory_space<hbm>>) target_semaphore(%arg9 : memref<!tpu.dma_semaphore, #tpu.memory_space<semaphore_mem>>)
      %eq3A_1132 = arith.constant 6 : i32
      %eq3A_1133 = vector.broadcast %eq3A_1132 : i32 to vector<16xi32>
      %eq3A_1134 = arith.cmpi eq, %select_n3A_80, %eq3A_1133 : vector<16xi32>
      %jit3A_1135 = arith.constant 0 : i32
      %broadcast_in_dim3A_1136 = vector.broadcast %jit3A_1135 : i32 to vector<16xi32>
      %select_n3A_1137 = arith.select %eq3A_1134, %mul3A_999, %broadcast_in_dim3A_1136 : vector<16xi1>, vector<16xi32>
      %reduce_sum3A_1138 = arith.constant true
      %reduce_sum3A_1139 = vector.broadcast %reduce_sum3A_1138 : i1 to vector<16xi1>
      %reduce_sum3A_1140 = tpu.scan <sum>, %select_n3A_1137 masked %reduce_sum3A_1139 : vector<16xi32>, vector<16xi1> -> vector<16xi32>
      %reduce_sum3A_1141 = vector.extract %reduce_sum3A_1140[15] : i32 from vector<16xi32>
      %mul3A_1142 = arith.constant 16 : i32
      %mul3A_1143 = arith.muli %add3A_994, %mul3A_1142 : i32
      %add3A_1144 = arith.addi %sub3A_21, %mul3A_1143 : i32
      %add3A_1145 = arith.constant 12 : i32
      %add3A_1146 = arith.addi %add3A_1144, %add3A_1145 : i32
      %mul3A_1147 = arith.constant 2 : i32
      %mul3A_1148 = arith.muli %reduce_sum3A_1141, %mul3A_1147 : i32
      %dma_start3A_1149 = arith.constant 0 : i32
      %dma_start3A_1150 = tpu.memref_slice %arg4[%select_n3A, %add3A_1146, %dma_start3A_1149] : memref<4x8192x2048xf32, #tpu.memory_space<hbm>> -> memref<1x2x2048xf32, #tpu.memory_space<hbm>>
      %dma_start3A_1151 = tpu.memref_squeeze %dma_start3A_1150 : memref<1x2x2048xf32, #tpu.memory_space<hbm>> -> memref<2x2048xf32, #tpu.memory_space<hbm>>
      %dma_start3A_1152 = arith.constant 0 : i32
      %dma_start3A_1153 = tpu.memref_slice %arg7[%mul3A_1148, %dma_start3A_1152] : memref<8x2048xf32, #tpu.memory_space<vmem_shared>> -> memref<2x2048xf32, #tpu.memory_space<vmem_shared>>
      tpu.enqueue_dma source(%dma_start3A_1153 : memref<2x2048xf32, #tpu.memory_space<vmem_shared>>) target(%dma_start3A_1151 : memref<2x2048xf32, #tpu.memory_space<hbm>>) target_semaphore(%arg9 : memref<!tpu.dma_semaphore, #tpu.memory_space<semaphore_mem>>)
      %eq3A_1154 = arith.constant 7 : i32
      %eq3A_1155 = vector.broadcast %eq3A_1154 : i32 to vector<16xi32>
      %eq3A_1156 = arith.cmpi eq, %select_n3A_80, %eq3A_1155 : vector<16xi32>
      %jit3A_1157 = arith.constant 0 : i32
      %broadcast_in_dim3A_1158 = vector.broadcast %jit3A_1157 : i32 to vector<16xi32>
      %select_n3A_1159 = arith.select %eq3A_1156, %mul3A_999, %broadcast_in_dim3A_1158 : vector<16xi1>, vector<16xi32>
      %reduce_sum3A_1160 = arith.constant true
      %reduce_sum3A_1161 = vector.broadcast %reduce_sum3A_1160 : i1 to vector<16xi1>
      %reduce_sum3A_1162 = tpu.scan <sum>, %select_n3A_1159 masked %reduce_sum3A_1161 : vector<16xi32>, vector<16xi1> -> vector<16xi32>
      %reduce_sum3A_1163 = vector.extract %reduce_sum3A_1162[15] : i32 from vector<16xi32>
      %mul3A_1164 = arith.constant 16 : i32
      %mul3A_1165 = arith.muli %add3A_994, %mul3A_1164 : i32
      %add3A_1166 = arith.addi %sub3A_21, %mul3A_1165 : i32
      %add3A_1167 = arith.constant 14 : i32
      %add3A_1168 = arith.addi %add3A_1166, %add3A_1167 : i32
      %mul3A_1169 = arith.constant 2 : i32
      %mul3A_1170 = arith.muli %reduce_sum3A_1163, %mul3A_1169 : i32
      %dma_start3A_1171 = arith.constant 0 : i32
      %dma_start3A_1172 = tpu.memref_slice %arg4[%select_n3A, %add3A_1168, %dma_start3A_1171] : memref<4x8192x2048xf32, #tpu.memory_space<hbm>> -> memref<1x2x2048xf32, #tpu.memory_space<hbm>>
      %dma_start3A_1173 = tpu.memref_squeeze %dma_start3A_1172 : memref<1x2x2048xf32, #tpu.memory_space<hbm>> -> memref<2x2048xf32, #tpu.memory_space<hbm>>
      %dma_start3A_1174 = arith.constant 0 : i32
      %dma_start3A_1175 = tpu.memref_slice %arg7[%mul3A_1170, %dma_start3A_1174] : memref<8x2048xf32, #tpu.memory_space<vmem_shared>> -> memref<2x2048xf32, #tpu.memory_space<vmem_shared>>
      tpu.enqueue_dma source(%dma_start3A_1175 : memref<2x2048xf32, #tpu.memory_space<vmem_shared>>) target(%dma_start3A_1173 : memref<2x2048xf32, #tpu.memory_space<hbm>>) target_semaphore(%arg9 : memref<!tpu.dma_semaphore, #tpu.memory_space<semaphore_mem>>)
      %dma_wait3A_1176 = arith.constant 0 : i32
      %dma_wait3A_1177 = arith.constant 0 : i32
      %dma_wait3A_1178 = arith.constant 0 : i32
      %dma_wait3A_1179 = tpu.memref_slice %arg4[%dma_wait3A_1176, %dma_wait3A_1177, %dma_wait3A_1178] : memref<4x8192x2048xf32, #tpu.memory_space<hbm>> -> memref<1x2x2048xf32, #tpu.memory_space<hbm>>
      %dma_wait3A_1180 = tpu.memref_squeeze %dma_wait3A_1179 : memref<1x2x2048xf32, #tpu.memory_space<hbm>> -> memref<2x2048xf32, #tpu.memory_space<hbm>>
      %dma_wait3A_1181 = arith.constant 0 : i32
      %dma_wait3A_1182 = arith.constant 0 : i32
      %dma_wait3A_1183 = tpu.memref_slice %arg7[%dma_wait3A_1181, %dma_wait3A_1182] : memref<8x2048xf32, #tpu.memory_space<vmem_shared>> -> memref<2x2048xf32, #tpu.memory_space<vmem_shared>>
      tpu.wait_dma2 semaphore(%arg9 : memref<!tpu.dma_semaphore, #tpu.memory_space<semaphore_mem>>) src(%dma_wait3A_1183 : memref<2x2048xf32, #tpu.memory_space<vmem_shared>>) dst(%dma_wait3A_1180 : memref<2x2048xf32, #tpu.memory_space<hbm>>)
      %dma_wait3A_1184 = arith.constant 0 : i32
      %dma_wait3A_1185 = arith.constant 0 : i32
      %dma_wait3A_1186 = arith.constant 0 : i32
      %dma_wait3A_1187 = tpu.memref_slice %arg4[%dma_wait3A_1184, %dma_wait3A_1185, %dma_wait3A_1186] : memref<4x8192x2048xf32, #tpu.memory_space<hbm>> -> memref<1x2x2048xf32, #tpu.memory_space<hbm>>
      %dma_wait3A_1188 = tpu.memref_squeeze %dma_wait3A_1187 : memref<1x2x2048xf32, #tpu.memory_space<hbm>> -> memref<2x2048xf32, #tpu.memory_space<hbm>>
      %dma_wait3A_1189 = arith.constant 0 : i32
      %dma_wait3A_1190 = arith.constant 0 : i32
      %dma_wait3A_1191 = tpu.memref_slice %arg7[%dma_wait3A_1189, %dma_wait3A_1190] : memref<8x2048xf32, #tpu.memory_space<vmem_shared>> -> memref<2x2048xf32, #tpu.memory_space<vmem_shared>>
      tpu.wait_dma2 semaphore(%arg9 : memref<!tpu.dma_semaphore, #tpu.memory_space<semaphore_mem>>) src(%dma_wait3A_1191 : memref<2x2048xf32, #tpu.memory_space<vmem_shared>>) dst(%dma_wait3A_1188 : memref<2x2048xf32, #tpu.memory_space<hbm>>)
      %dma_wait3A_1192 = arith.constant 0 : i32
      %dma_wait3A_1193 = arith.constant 0 : i32
      %dma_wait3A_1194 = arith.constant 0 : i32
      %dma_wait3A_1195 = tpu.memref_slice %arg4[%dma_wait3A_1192, %dma_wait3A_1193, %dma_wait3A_1194] : memref<4x8192x2048xf32, #tpu.memory_space<hbm>> -> memref<1x2x2048xf32, #tpu.memory_space<hbm>>
      %dma_wait3A_1196 = tpu.memref_squeeze %dma_wait3A_1195 : memref<1x2x2048xf32, #tpu.memory_space<hbm>> -> memref<2x2048xf32, #tpu.memory_space<hbm>>
      %dma_wait3A_1197 = arith.constant 0 : i32
      %dma_wait3A_1198 = arith.constant 0 : i32
      %dma_wait3A_1199 = tpu.memref_slice %arg7[%dma_wait3A_1197, %dma_wait3A_1198] : memref<8x2048xf32, #tpu.memory_space<vmem_shared>> -> memref<2x2048xf32, #tpu.memory_space<vmem_shared>>
      tpu.wait_dma2 semaphore(%arg9 : memref<!tpu.dma_semaphore, #tpu.memory_space<semaphore_mem>>) src(%dma_wait3A_1199 : memref<2x2048xf32, #tpu.memory_space<vmem_shared>>) dst(%dma_wait3A_1196 : memref<2x2048xf32, #tpu.memory_space<hbm>>)
      %dma_wait3A_1200 = arith.constant 0 : i32
      %dma_wait3A_1201 = arith.constant 0 : i32
      %dma_wait3A_1202 = arith.constant 0 : i32
      %dma_wait3A_1203 = tpu.memref_slice %arg4[%dma_wait3A_1200, %dma_wait3A_1201, %dma_wait3A_1202] : memref<4x8192x2048xf32, #tpu.memory_space<hbm>> -> memref<1x2x2048xf32, #tpu.memory_space<hbm>>
      %dma_wait3A_1204 = tpu.memref_squeeze %dma_wait3A_1203 : memref<1x2x2048xf32, #tpu.memory_space<hbm>> -> memref<2x2048xf32, #tpu.memory_space<hbm>>
      %dma_wait3A_1205 = arith.constant 0 : i32
      %dma_wait3A_1206 = arith.constant 0 : i32
      %dma_wait3A_1207 = tpu.memref_slice %arg7[%dma_wait3A_1205, %dma_wait3A_1206] : memref<8x2048xf32, #tpu.memory_space<vmem_shared>> -> memref<2x2048xf32, #tpu.memory_space<vmem_shared>>
      tpu.wait_dma2 semaphore(%arg9 : memref<!tpu.dma_semaphore, #tpu.memory_space<semaphore_mem>>) src(%dma_wait3A_1207 : memref<2x2048xf32, #tpu.memory_space<vmem_shared>>) dst(%dma_wait3A_1204 : memref<2x2048xf32, #tpu.memory_space<hbm>>)
      %dma_wait3A_1208 = arith.constant 0 : i32
      %dma_wait3A_1209 = arith.constant 0 : i32
      %dma_wait3A_1210 = arith.constant 0 : i32
      %dma_wait3A_1211 = tpu.memref_slice %arg4[%dma_wait3A_1208, %dma_wait3A_1209, %dma_wait3A_1210] : memref<4x8192x2048xf32, #tpu.memory_space<hbm>> -> memref<1x2x2048xf32, #tpu.memory_space<hbm>>
      %dma_wait3A_1212 = tpu.memref_squeeze %dma_wait3A_1211 : memref<1x2x2048xf32, #tpu.memory_space<hbm>> -> memref<2x2048xf32, #tpu.memory_space<hbm>>
      %dma_wait3A_1213 = arith.constant 0 : i32
      %dma_wait3A_1214 = arith.constant 0 : i32
      %dma_wait3A_1215 = tpu.memref_slice %arg7[%dma_wait3A_1213, %dma_wait3A_1214] : memref<8x2048xf32, #tpu.memory_space<vmem_shared>> -> memref<2x2048xf32, #tpu.memory_space<vmem_shared>>
      tpu.wait_dma2 semaphore(%arg9 : memref<!tpu.dma_semaphore, #tpu.memory_space<semaphore_mem>>) src(%dma_wait3A_1215 : memref<2x2048xf32, #tpu.memory_space<vmem_shared>>) dst(%dma_wait3A_1212 : memref<2x2048xf32, #tpu.memory_space<hbm>>)
      %dma_wait3A_1216 = arith.constant 0 : i32
      %dma_wait3A_1217 = arith.constant 0 : i32
      %dma_wait3A_1218 = arith.constant 0 : i32
      %dma_wait3A_1219 = tpu.memref_slice %arg4[%dma_wait3A_1216, %dma_wait3A_1217, %dma_wait3A_1218] : memref<4x8192x2048xf32, #tpu.memory_space<hbm>> -> memref<1x2x2048xf32, #tpu.memory_space<hbm>>
      %dma_wait3A_1220 = tpu.memref_squeeze %dma_wait3A_1219 : memref<1x2x2048xf32, #tpu.memory_space<hbm>> -> memref<2x2048xf32, #tpu.memory_space<hbm>>
      %dma_wait3A_1221 = arith.constant 0 : i32
      %dma_wait3A_1222 = arith.constant 0 : i32
      %dma_wait3A_1223 = tpu.memref_slice %arg7[%dma_wait3A_1221, %dma_wait3A_1222] : memref<8x2048xf32, #tpu.memory_space<vmem_shared>> -> memref<2x2048xf32, #tpu.memory_space<vmem_shared>>
      tpu.wait_dma2 semaphore(%arg9 : memref<!tpu.dma_semaphore, #tpu.memory_space<semaphore_mem>>) src(%dma_wait3A_1223 : memref<2x2048xf32, #tpu.memory_space<vmem_shared>>) dst(%dma_wait3A_1220 : memref<2x2048xf32, #tpu.memory_space<hbm>>)
      %dma_wait3A_1224 = arith.constant 0 : i32
      %dma_wait3A_1225 = arith.constant 0 : i32
      %dma_wait3A_1226 = arith.constant 0 : i32
      %dma_wait3A_1227 = tpu.memref_slice %arg4[%dma_wait3A_1224, %dma_wait3A_1225, %dma_wait3A_1226] : memref<4x8192x2048xf32, #tpu.memory_space<hbm>> -> memref<1x2x2048xf32, #tpu.memory_space<hbm>>
      %dma_wait3A_1228 = tpu.memref_squeeze %dma_wait3A_1227 : memref<1x2x2048xf32, #tpu.memory_space<hbm>> -> memref<2x2048xf32, #tpu.memory_space<hbm>>
      %dma_wait3A_1229 = arith.constant 0 : i32
      %dma_wait3A_1230 = arith.constant 0 : i32
      %dma_wait3A_1231 = tpu.memref_slice %arg7[%dma_wait3A_1229, %dma_wait3A_1230] : memref<8x2048xf32, #tpu.memory_space<vmem_shared>> -> memref<2x2048xf32, #tpu.memory_space<vmem_shared>>
      tpu.wait_dma2 semaphore(%arg9 : memref<!tpu.dma_semaphore, #tpu.memory_space<semaphore_mem>>) src(%dma_wait3A_1231 : memref<2x2048xf32, #tpu.memory_space<vmem_shared>>) dst(%dma_wait3A_1228 : memref<2x2048xf32, #tpu.memory_space<hbm>>)
      %dma_wait3A_1232 = arith.constant 0 : i32
      %dma_wait3A_1233 = arith.constant 0 : i32
      %dma_wait3A_1234 = arith.constant 0 : i32
      %dma_wait3A_1235 = tpu.memref_slice %arg4[%dma_wait3A_1232, %dma_wait3A_1233, %dma_wait3A_1234] : memref<4x8192x2048xf32, #tpu.memory_space<hbm>> -> memref<1x2x2048xf32, #tpu.memory_space<hbm>>
      %dma_wait3A_1236 = tpu.memref_squeeze %dma_wait3A_1235 : memref<1x2x2048xf32, #tpu.memory_space<hbm>> -> memref<2x2048xf32, #tpu.memory_space<hbm>>
      %dma_wait3A_1237 = arith.constant 0 : i32
      %dma_wait3A_1238 = arith.constant 0 : i32
      %dma_wait3A_1239 = tpu.memref_slice %arg7[%dma_wait3A_1237, %dma_wait3A_1238] : memref<8x2048xf32, #tpu.memory_space<vmem_shared>> -> memref<2x2048xf32, #tpu.memory_space<vmem_shared>>
      tpu.wait_dma2 semaphore(%arg9 : memref<!tpu.dma_semaphore, #tpu.memory_space<semaphore_mem>>) src(%dma_wait3A_1239 : memref<2x2048xf32, #tpu.memory_space<vmem_shared>>) dst(%dma_wait3A_1236 : memref<2x2048xf32, #tpu.memory_space<hbm>>)
    }
    %scan3A_463 = arith.constant 31 : i32
    %dma_wait3A = arith.constant 0 : i32
    %dma_wait3A_464 = arith.constant 0 : i32
    %dma_wait3A_465 = arith.constant 0 : i32
    %dma_wait3A_466 = tpu.memref_slice %arg6[%dma_wait3A_464, %dma_wait3A_465] : memref<8x2048xf32, #tpu.memory_space<vmem>> -> memref<2x2048xf32, #tpu.memory_space<vmem>>
    %dma_wait3A_467 = arith.constant 0 : i32
    %dma_wait3A_468 = arith.constant 0 : i32
    %dma_wait3A_469 = tpu.memref_slice %arg4[%dma_wait3A, %dma_wait3A_467, %dma_wait3A_468] : memref<4x8192x2048xf32, #tpu.memory_space<hbm>> -> memref<1x2x2048xf32, #tpu.memory_space<hbm>>
    %dma_wait3A_470 = tpu.memref_squeeze %dma_wait3A_469 : memref<1x2x2048xf32, #tpu.memory_space<hbm>> -> memref<2x2048xf32, #tpu.memory_space<hbm>>
    %dma_wait3A_471 = arith.constant 0 : i32
    %dma_wait3A_472 = arith.constant 0 : i32
    %dma_wait3A_473 = tpu.memref_slice %arg4[%dma_wait3A, %dma_wait3A_471, %dma_wait3A_472] : memref<4x8192x2048xf32, #tpu.memory_space<hbm>> -> memref<1x2x2048xf32, #tpu.memory_space<hbm>>
    %dma_wait3A_474 = tpu.memref_squeeze %dma_wait3A_473 : memref<1x2x2048xf32, #tpu.memory_space<hbm>> -> memref<2x2048xf32, #tpu.memory_space<hbm>>
    %dma_wait3A_475 = arith.constant 0 : i32
    %dma_wait3A_476 = arith.constant 0 : i32
    %dma_wait3A_477 = tpu.memref_slice %arg6[%dma_wait3A_475, %dma_wait3A_476] : memref<8x2048xf32, #tpu.memory_space<vmem>> -> memref<2x2048xf32, #tpu.memory_space<vmem>>
    tpu.wait_dma2 semaphore(%arg8 : memref<!tpu.dma_semaphore, #tpu.memory_space<semaphore_mem>>) src(%dma_wait3A_477 : memref<2x2048xf32, #tpu.memory_space<vmem>>) dst(%dma_wait3A_474 : memref<2x2048xf32, #tpu.memory_space<hbm>>)
    %dma_wait3A_478 = arith.constant 0 : i32
    %dma_wait3A_479 = arith.constant 0 : i32
    %dma_wait3A_480 = arith.constant 0 : i32
    %dma_wait3A_481 = tpu.memref_slice %arg6[%dma_wait3A_479, %dma_wait3A_480] : memref<8x2048xf32, #tpu.memory_space<vmem>> -> memref<2x2048xf32, #tpu.memory_space<vmem>>
    %dma_wait3A_482 = arith.constant 0 : i32
    %dma_wait3A_483 = arith.constant 0 : i32
    %dma_wait3A_484 = tpu.memref_slice %arg4[%dma_wait3A_478, %dma_wait3A_482, %dma_wait3A_483] : memref<4x8192x2048xf32, #tpu.memory_space<hbm>> -> memref<1x2x2048xf32, #tpu.memory_space<hbm>>
    %dma_wait3A_485 = tpu.memref_squeeze %dma_wait3A_484 : memref<1x2x2048xf32, #tpu.memory_space<hbm>> -> memref<2x2048xf32, #tpu.memory_space<hbm>>
    %dma_wait3A_486 = arith.constant 0 : i32
    %dma_wait3A_487 = arith.constant 0 : i32
    %dma_wait3A_488 = tpu.memref_slice %arg4[%dma_wait3A_478, %dma_wait3A_486, %dma_wait3A_487] : memref<4x8192x2048xf32, #tpu.memory_space<hbm>> -> memref<1x2x2048xf32, #tpu.memory_space<hbm>>
    %dma_wait3A_489 = tpu.memref_squeeze %dma_wait3A_488 : memref<1x2x2048xf32, #tpu.memory_space<hbm>> -> memref<2x2048xf32, #tpu.memory_space<hbm>>
    %dma_wait3A_490 = arith.constant 0 : i32
    %dma_wait3A_491 = arith.constant 0 : i32
    %dma_wait3A_492 = tpu.memref_slice %arg6[%dma_wait3A_490, %dma_wait3A_491] : memref<8x2048xf32, #tpu.memory_space<vmem>> -> memref<2x2048xf32, #tpu.memory_space<vmem>>
    tpu.wait_dma2 semaphore(%arg8 : memref<!tpu.dma_semaphore, #tpu.memory_space<semaphore_mem>>) src(%dma_wait3A_492 : memref<2x2048xf32, #tpu.memory_space<vmem>>) dst(%dma_wait3A_489 : memref<2x2048xf32, #tpu.memory_space<hbm>>)
    %dma_wait3A_493 = arith.constant 0 : i32
    %dma_wait3A_494 = arith.constant 0 : i32
    %dma_wait3A_495 = arith.constant 0 : i32
    %dma_wait3A_496 = tpu.memref_slice %arg6[%dma_wait3A_494, %dma_wait3A_495] : memref<8x2048xf32, #tpu.memory_space<vmem>> -> memref<2x2048xf32, #tpu.memory_space<vmem>>
    %dma_wait3A_497 = arith.constant 0 : i32
    %dma_wait3A_498 = arith.constant 0 : i32
    %dma_wait3A_499 = tpu.memref_slice %arg4[%dma_wait3A_493, %dma_wait3A_497, %dma_wait3A_498] : memref<4x8192x2048xf32, #tpu.memory_space<hbm>> -> memref<1x2x2048xf32, #tpu.memory_space<hbm>>
    %dma_wait3A_500 = tpu.memref_squeeze %dma_wait3A_499 : memref<1x2x2048xf32, #tpu.memory_space<hbm>> -> memref<2x2048xf32, #tpu.memory_space<hbm>>
    %dma_wait3A_501 = arith.constant 0 : i32
    %dma_wait3A_502 = arith.constant 0 : i32
    %dma_wait3A_503 = tpu.memref_slice %arg4[%dma_wait3A_493, %dma_wait3A_501, %dma_wait3A_502] : memref<4x8192x2048xf32, #tpu.memory_space<hbm>> -> memref<1x2x2048xf32, #tpu.memory_space<hbm>>
    %dma_wait3A_504 = tpu.memref_squeeze %dma_wait3A_503 : memref<1x2x2048xf32, #tpu.memory_space<hbm>> -> memref<2x2048xf32, #tpu.memory_space<hbm>>
    %dma_wait3A_505 = arith.constant 0 : i32
    %dma_wait3A_506 = arith.constant 0 : i32
    %dma_wait3A_507 = tpu.memref_slice %arg6[%dma_wait3A_505, %dma_wait3A_506] : memref<8x2048xf32, #tpu.memory_space<vmem>> -> memref<2x2048xf32, #tpu.memory_space<vmem>>
    tpu.wait_dma2 semaphore(%arg8 : memref<!tpu.dma_semaphore, #tpu.memory_space<semaphore_mem>>) src(%dma_wait3A_507 : memref<2x2048xf32, #tpu.memory_space<vmem>>) dst(%dma_wait3A_504 : memref<2x2048xf32, #tpu.memory_space<hbm>>)
    %dma_wait3A_508 = arith.constant 0 : i32
    %dma_wait3A_509 = arith.constant 0 : i32
    %dma_wait3A_510 = arith.constant 0 : i32
    %dma_wait3A_511 = tpu.memref_slice %arg6[%dma_wait3A_509, %dma_wait3A_510] : memref<8x2048xf32, #tpu.memory_space<vmem>> -> memref<2x2048xf32, #tpu.memory_space<vmem>>
    %dma_wait3A_512 = arith.constant 0 : i32
    %dma_wait3A_513 = arith.constant 0 : i32
    %dma_wait3A_514 = tpu.memref_slice %arg4[%dma_wait3A_508, %dma_wait3A_512, %dma_wait3A_513] : memref<4x8192x2048xf32, #tpu.memory_space<hbm>> -> memref<1x2x2048xf32, #tpu.memory_space<hbm>>
    %dma_wait3A_515 = tpu.memref_squeeze %dma_wait3A_514 : memref<1x2x2048xf32, #tpu.memory_space<hbm>> -> memref<2x2048xf32, #tpu.memory_space<hbm>>
    %dma_wait3A_516 = arith.constant 0 : i32
    %dma_wait3A_517 = arith.constant 0 : i32
    %dma_wait3A_518 = tpu.memref_slice %arg4[%dma_wait3A_508, %dma_wait3A_516, %dma_wait3A_517] : memref<4x8192x2048xf32, #tpu.memory_space<hbm>> -> memref<1x2x2048xf32, #tpu.memory_space<hbm>>
    %dma_wait3A_519 = tpu.memref_squeeze %dma_wait3A_518 : memref<1x2x2048xf32, #tpu.memory_space<hbm>> -> memref<2x2048xf32, #tpu.memory_space<hbm>>
    %dma_wait3A_520 = arith.constant 0 : i32
    %dma_wait3A_521 = arith.constant 0 : i32
    %dma_wait3A_522 = tpu.memref_slice %arg6[%dma_wait3A_520, %dma_wait3A_521] : memref<8x2048xf32, #tpu.memory_space<vmem>> -> memref<2x2048xf32, #tpu.memory_space<vmem>>
    tpu.wait_dma2 semaphore(%arg8 : memref<!tpu.dma_semaphore, #tpu.memory_space<semaphore_mem>>) src(%dma_wait3A_522 : memref<2x2048xf32, #tpu.memory_space<vmem>>) dst(%dma_wait3A_519 : memref<2x2048xf32, #tpu.memory_space<hbm>>)
    %dma_wait3A_523 = arith.constant 0 : i32
    %dma_wait3A_524 = arith.constant 0 : i32
    %dma_wait3A_525 = arith.constant 0 : i32
    %dma_wait3A_526 = tpu.memref_slice %arg6[%dma_wait3A_524, %dma_wait3A_525] : memref<8x2048xf32, #tpu.memory_space<vmem>> -> memref<2x2048xf32, #tpu.memory_space<vmem>>
    %dma_wait3A_527 = arith.constant 0 : i32
    %dma_wait3A_528 = arith.constant 0 : i32
    %dma_wait3A_529 = tpu.memref_slice %arg4[%dma_wait3A_523, %dma_wait3A_527, %dma_wait3A_528] : memref<4x8192x2048xf32, #tpu.memory_space<hbm>> -> memref<1x2x2048xf32, #tpu.memory_space<hbm>>
    %dma_wait3A_530 = tpu.memref_squeeze %dma_wait3A_529 : memref<1x2x2048xf32, #tpu.memory_space<hbm>> -> memref<2x2048xf32, #tpu.memory_space<hbm>>
    %dma_wait3A_531 = arith.constant 0 : i32
    %dma_wait3A_532 = arith.constant 0 : i32
    %dma_wait3A_533 = tpu.memref_slice %arg4[%dma_wait3A_523, %dma_wait3A_531, %dma_wait3A_532] : memref<4x8192x2048xf32, #tpu.memory_space<hbm>> -> memref<1x2x2048xf32, #tpu.memory_space<hbm>>
    %dma_wait3A_534 = tpu.memref_squeeze %dma_wait3A_533 : memref<1x2x2048xf32, #tpu.memory_space<hbm>> -> memref<2x2048xf32, #tpu.memory_space<hbm>>
    %dma_wait3A_535 = arith.constant 0 : i32
    %dma_wait3A_536 = arith.constant 0 : i32
    %dma_wait3A_537 = tpu.memref_slice %arg6[%dma_wait3A_535, %dma_wait3A_536] : memref<8x2048xf32, #tpu.memory_space<vmem>> -> memref<2x2048xf32, #tpu.memory_space<vmem>>
    tpu.wait_dma2 semaphore(%arg8 : memref<!tpu.dma_semaphore, #tpu.memory_space<semaphore_mem>>) src(%dma_wait3A_537 : memref<2x2048xf32, #tpu.memory_space<vmem>>) dst(%dma_wait3A_534 : memref<2x2048xf32, #tpu.memory_space<hbm>>)
    %dma_wait3A_538 = arith.constant 0 : i32
    %dma_wait3A_539 = arith.constant 0 : i32
    %dma_wait3A_540 = arith.constant 0 : i32
    %dma_wait3A_541 = tpu.memref_slice %arg6[%dma_wait3A_539, %dma_wait3A_540] : memref<8x2048xf32, #tpu.memory_space<vmem>> -> memref<2x2048xf32, #tpu.memory_space<vmem>>
    %dma_wait3A_542 = arith.constant 0 : i32
    %dma_wait3A_543 = arith.constant 0 : i32
    %dma_wait3A_544 = tpu.memref_slice %arg4[%dma_wait3A_538, %dma_wait3A_542, %dma_wait3A_543] : memref<4x8192x2048xf32, #tpu.memory_space<hbm>> -> memref<1x2x2048xf32, #tpu.memory_space<hbm>>
    %dma_wait3A_545 = tpu.memref_squeeze %dma_wait3A_544 : memref<1x2x2048xf32, #tpu.memory_space<hbm>> -> memref<2x2048xf32, #tpu.memory_space<hbm>>
    %dma_wait3A_546 = arith.constant 0 : i32
    %dma_wait3A_547 = arith.constant 0 : i32
    %dma_wait3A_548 = tpu.memref_slice %arg4[%dma_wait3A_538, %dma_wait3A_546, %dma_wait3A_547] : memref<4x8192x2048xf32, #tpu.memory_space<hbm>> -> memref<1x2x2048xf32, #tpu.memory_space<hbm>>
    %dma_wait3A_549 = tpu.memref_squeeze %dma_wait3A_548 : memref<1x2x2048xf32, #tpu.memory_space<hbm>> -> memref<2x2048xf32, #tpu.memory_space<hbm>>
    %dma_wait3A_550 = arith.constant 0 : i32
    %dma_wait3A_551 = arith.constant 0 : i32
    %dma_wait3A_552 = tpu.memref_slice %arg6[%dma_wait3A_550, %dma_wait3A_551] : memref<8x2048xf32, #tpu.memory_space<vmem>> -> memref<2x2048xf32, #tpu.memory_space<vmem>>
    tpu.wait_dma2 semaphore(%arg8 : memref<!tpu.dma_semaphore, #tpu.memory_space<semaphore_mem>>) src(%dma_wait3A_552 : memref<2x2048xf32, #tpu.memory_space<vmem>>) dst(%dma_wait3A_549 : memref<2x2048xf32, #tpu.memory_space<hbm>>)
    %dma_wait3A_553 = arith.constant 0 : i32
    %dma_wait3A_554 = arith.constant 0 : i32
    %dma_wait3A_555 = arith.constant 0 : i32
    %dma_wait3A_556 = tpu.memref_slice %arg6[%dma_wait3A_554, %dma_wait3A_555] : memref<8x2048xf32, #tpu.memory_space<vmem>> -> memref<2x2048xf32, #tpu.memory_space<vmem>>
    %dma_wait3A_557 = arith.constant 0 : i32
    %dma_wait3A_558 = arith.constant 0 : i32
    %dma_wait3A_559 = tpu.memref_slice %arg4[%dma_wait3A_553, %dma_wait3A_557, %dma_wait3A_558] : memref<4x8192x2048xf32, #tpu.memory_space<hbm>> -> memref<1x2x2048xf32, #tpu.memory_space<hbm>>
    %dma_wait3A_560 = tpu.memref_squeeze %dma_wait3A_559 : memref<1x2x2048xf32, #tpu.memory_space<hbm>> -> memref<2x2048xf32, #tpu.memory_space<hbm>>
    %dma_wait3A_561 = arith.constant 0 : i32
    %dma_wait3A_562 = arith.constant 0 : i32
    %dma_wait3A_563 = tpu.memref_slice %arg4[%dma_wait3A_553, %dma_wait3A_561, %dma_wait3A_562] : memref<4x8192x2048xf32, #tpu.memory_space<hbm>> -> memref<1x2x2048xf32, #tpu.memory_space<hbm>>
    %dma_wait3A_564 = tpu.memref_squeeze %dma_wait3A_563 : memref<1x2x2048xf32, #tpu.memory_space<hbm>> -> memref<2x2048xf32, #tpu.memory_space<hbm>>
    %dma_wait3A_565 = arith.constant 0 : i32
    %dma_wait3A_566 = arith.constant 0 : i32
    %dma_wait3A_567 = tpu.memref_slice %arg6[%dma_wait3A_565, %dma_wait3A_566] : memref<8x2048xf32, #tpu.memory_space<vmem>> -> memref<2x2048xf32, #tpu.memory_space<vmem>>
    tpu.wait_dma2 semaphore(%arg8 : memref<!tpu.dma_semaphore, #tpu.memory_space<semaphore_mem>>) src(%dma_wait3A_567 : memref<2x2048xf32, #tpu.memory_space<vmem>>) dst(%dma_wait3A_564 : memref<2x2048xf32, #tpu.memory_space<hbm>>)
    %dma_wait3A_568 = arith.constant 0 : i32
    %dma_wait3A_569 = arith.constant 0 : i32
    %dma_wait3A_570 = arith.constant 0 : i32
    %dma_wait3A_571 = tpu.memref_slice %arg6[%dma_wait3A_569, %dma_wait3A_570] : memref<8x2048xf32, #tpu.memory_space<vmem>> -> memref<2x2048xf32, #tpu.memory_space<vmem>>
    %dma_wait3A_572 = arith.constant 0 : i32
    %dma_wait3A_573 = arith.constant 0 : i32
    %dma_wait3A_574 = tpu.memref_slice %arg4[%dma_wait3A_568, %dma_wait3A_572, %dma_wait3A_573] : memref<4x8192x2048xf32, #tpu.memory_space<hbm>> -> memref<1x2x2048xf32, #tpu.memory_space<hbm>>
    %dma_wait3A_575 = tpu.memref_squeeze %dma_wait3A_574 : memref<1x2x2048xf32, #tpu.memory_space<hbm>> -> memref<2x2048xf32, #tpu.memory_space<hbm>>
    %dma_wait3A_576 = arith.constant 0 : i32
    %dma_wait3A_577 = arith.constant 0 : i32
    %dma_wait3A_578 = tpu.memref_slice %arg4[%dma_wait3A_568, %dma_wait3A_576, %dma_wait3A_577] : memref<4x8192x2048xf32, #tpu.memory_space<hbm>> -> memref<1x2x2048xf32, #tpu.memory_space<hbm>>
    %dma_wait3A_579 = tpu.memref_squeeze %dma_wait3A_578 : memref<1x2x2048xf32, #tpu.memory_space<hbm>> -> memref<2x2048xf32, #tpu.memory_space<hbm>>
    %dma_wait3A_580 = arith.constant 0 : i32
    %dma_wait3A_581 = arith.constant 0 : i32
    %dma_wait3A_582 = tpu.memref_slice %arg6[%dma_wait3A_580, %dma_wait3A_581] : memref<8x2048xf32, #tpu.memory_space<vmem>> -> memref<2x2048xf32, #tpu.memory_space<vmem>>
    tpu.wait_dma2 semaphore(%arg8 : memref<!tpu.dma_semaphore, #tpu.memory_space<semaphore_mem>>) src(%dma_wait3A_582 : memref<2x2048xf32, #tpu.memory_space<vmem>>) dst(%dma_wait3A_579 : memref<2x2048xf32, #tpu.memory_space<hbm>>)
    %dma_wait3A_583 = arith.constant 0 : i32
    %dma_wait3A_584 = arith.constant 0 : i32
    %dma_wait3A_585 = arith.constant 0 : i32
    %dma_wait3A_586 = tpu.memref_slice %arg4[%dma_wait3A_583, %dma_wait3A_584, %dma_wait3A_585] : memref<4x8192x2048xf32, #tpu.memory_space<hbm>> -> memref<1x2x2048xf32, #tpu.memory_space<hbm>>
    %dma_wait3A_587 = tpu.memref_squeeze %dma_wait3A_586 : memref<1x2x2048xf32, #tpu.memory_space<hbm>> -> memref<2x2048xf32, #tpu.memory_space<hbm>>
    %dma_wait3A_588 = arith.constant 0 : i32
    %dma_wait3A_589 = arith.constant 0 : i32
    %dma_wait3A_590 = tpu.memref_slice %arg7[%dma_wait3A_588, %dma_wait3A_589] : memref<8x2048xf32, #tpu.memory_space<vmem_shared>> -> memref<2x2048xf32, #tpu.memory_space<vmem_shared>>
    tpu.wait_dma2 semaphore(%arg9 : memref<!tpu.dma_semaphore, #tpu.memory_space<semaphore_mem>>) src(%dma_wait3A_590 : memref<2x2048xf32, #tpu.memory_space<vmem_shared>>) dst(%dma_wait3A_587 : memref<2x2048xf32, #tpu.memory_space<hbm>>)
    %dma_wait3A_591 = arith.constant 0 : i32
    %dma_wait3A_592 = arith.constant 0 : i32
    %dma_wait3A_593 = arith.constant 0 : i32
    %dma_wait3A_594 = tpu.memref_slice %arg4[%dma_wait3A_591, %dma_wait3A_592, %dma_wait3A_593] : memref<4x8192x2048xf32, #tpu.memory_space<hbm>> -> memref<1x2x2048xf32, #tpu.memory_space<hbm>>
    %dma_wait3A_595 = tpu.memref_squeeze %dma_wait3A_594 : memref<1x2x2048xf32, #tpu.memory_space<hbm>> -> memref<2x2048xf32, #tpu.memory_space<hbm>>
    %dma_wait3A_596 = arith.constant 0 : i32
    %dma_wait3A_597 = arith.constant 0 : i32
    %dma_wait3A_598 = tpu.memref_slice %arg7[%dma_wait3A_596, %dma_wait3A_597] : memref<8x2048xf32, #tpu.memory_space<vmem_shared>> -> memref<2x2048xf32, #tpu.memory_space<vmem_shared>>
    tpu.wait_dma2 semaphore(%arg9 : memref<!tpu.dma_semaphore, #tpu.memory_space<semaphore_mem>>) src(%dma_wait3A_598 : memref<2x2048xf32, #tpu.memory_space<vmem_shared>>) dst(%dma_wait3A_595 : memref<2x2048xf32, #tpu.memory_space<hbm>>)
    %dma_wait3A_599 = arith.constant 0 : i32
    %dma_wait3A_600 = arith.constant 0 : i32
    %dma_wait3A_601 = arith.constant 0 : i32
    %dma_wait3A_602 = tpu.memref_slice %arg4[%dma_wait3A_599, %dma_wait3A_600, %dma_wait3A_601] : memref<4x8192x2048xf32, #tpu.memory_space<hbm>> -> memref<1x2x2048xf32, #tpu.memory_space<hbm>>
    %dma_wait3A_603 = tpu.memref_squeeze %dma_wait3A_602 : memref<1x2x2048xf32, #tpu.memory_space<hbm>> -> memref<2x2048xf32, #tpu.memory_space<hbm>>
    %dma_wait3A_604 = arith.constant 0 : i32
    %dma_wait3A_605 = arith.constant 0 : i32
    %dma_wait3A_606 = tpu.memref_slice %arg7[%dma_wait3A_604, %dma_wait3A_605] : memref<8x2048xf32, #tpu.memory_space<vmem_shared>> -> memref<2x2048xf32, #tpu.memory_space<vmem_shared>>
    tpu.wait_dma2 semaphore(%arg9 : memref<!tpu.dma_semaphore, #tpu.memory_space<semaphore_mem>>) src(%dma_wait3A_606 : memref<2x2048xf32, #tpu.memory_space<vmem_shared>>) dst(%dma_wait3A_603 : memref<2x2048xf32, #tpu.memory_space<hbm>>)
    %dma_wait3A_607 = arith.constant 0 : i32
    %dma_wait3A_608 = arith.constant 0 : i32
    %dma_wait3A_609 = arith.constant 0 : i32
    %dma_wait3A_610 = tpu.memref_slice %arg4[%dma_wait3A_607, %dma_wait3A_608, %dma_wait3A_609] : memref<4x8192x2048xf32, #tpu.memory_space<hbm>> -> memref<1x2x2048xf32, #tpu.memory_space<hbm>>
    %dma_wait3A_611 = tpu.memref_squeeze %dma_wait3A_610 : memref<1x2x2048xf32, #tpu.memory_space<hbm>> -> memref<2x2048xf32, #tpu.memory_space<hbm>>
    %dma_wait3A_612 = arith.constant 0 : i32
    %dma_wait3A_613 = arith.constant 0 : i32
    %dma_wait3A_614 = tpu.memref_slice %arg7[%dma_wait3A_612, %dma_wait3A_613] : memref<8x2048xf32, #tpu.memory_space<vmem_shared>> -> memref<2x2048xf32, #tpu.memory_space<vmem_shared>>
    tpu.wait_dma2 semaphore(%arg9 : memref<!tpu.dma_semaphore, #tpu.memory_space<semaphore_mem>>) src(%dma_wait3A_614 : memref<2x2048xf32, #tpu.memory_space<vmem_shared>>) dst(%dma_wait3A_611 : memref<2x2048xf32, #tpu.memory_space<hbm>>)
    %dma_wait3A_615 = arith.constant 0 : i32
    %dma_wait3A_616 = arith.constant 0 : i32
    %dma_wait3A_617 = arith.constant 0 : i32
    %dma_wait3A_618 = tpu.memref_slice %arg4[%dma_wait3A_615, %dma_wait3A_616, %dma_wait3A_617] : memref<4x8192x2048xf32, #tpu.memory_space<hbm>> -> memref<1x2x2048xf32, #tpu.memory_space<hbm>>
    %dma_wait3A_619 = tpu.memref_squeeze %dma_wait3A_618 : memref<1x2x2048xf32, #tpu.memory_space<hbm>> -> memref<2x2048xf32, #tpu.memory_space<hbm>>
    %dma_wait3A_620 = arith.constant 0 : i32
    %dma_wait3A_621 = arith.constant 0 : i32
    %dma_wait3A_622 = tpu.memref_slice %arg7[%dma_wait3A_620, %dma_wait3A_621] : memref<8x2048xf32, #tpu.memory_space<vmem_shared>> -> memref<2x2048xf32, #tpu.memory_space<vmem_shared>>
    tpu.wait_dma2 semaphore(%arg9 : memref<!tpu.dma_semaphore, #tpu.memory_space<semaphore_mem>>) src(%dma_wait3A_622 : memref<2x2048xf32, #tpu.memory_space<vmem_shared>>) dst(%dma_wait3A_619 : memref<2x2048xf32, #tpu.memory_space<hbm>>)
    %dma_wait3A_623 = arith.constant 0 : i32
    %dma_wait3A_624 = arith.constant 0 : i32
    %dma_wait3A_625 = arith.constant 0 : i32
    %dma_wait3A_626 = tpu.memref_slice %arg4[%dma_wait3A_623, %dma_wait3A_624, %dma_wait3A_625] : memref<4x8192x2048xf32, #tpu.memory_space<hbm>> -> memref<1x2x2048xf32, #tpu.memory_space<hbm>>
    %dma_wait3A_627 = tpu.memref_squeeze %dma_wait3A_626 : memref<1x2x2048xf32, #tpu.memory_space<hbm>> -> memref<2x2048xf32, #tpu.memory_space<hbm>>
    %dma_wait3A_628 = arith.constant 0 : i32
    %dma_wait3A_629 = arith.constant 0 : i32
    %dma_wait3A_630 = tpu.memref_slice %arg7[%dma_wait3A_628, %dma_wait3A_629] : memref<8x2048xf32, #tpu.memory_space<vmem_shared>> -> memref<2x2048xf32, #tpu.memory_space<vmem_shared>>
    tpu.wait_dma2 semaphore(%arg9 : memref<!tpu.dma_semaphore, #tpu.memory_space<semaphore_mem>>) src(%dma_wait3A_630 : memref<2x2048xf32, #tpu.memory_space<vmem_shared>>) dst(%dma_wait3A_627 : memref<2x2048xf32, #tpu.memory_space<hbm>>)
    %dma_wait3A_631 = arith.constant 0 : i32
    %dma_wait3A_632 = arith.constant 0 : i32
    %dma_wait3A_633 = arith.constant 0 : i32
    %dma_wait3A_634 = tpu.memref_slice %arg4[%dma_wait3A_631, %dma_wait3A_632, %dma_wait3A_633] : memref<4x8192x2048xf32, #tpu.memory_space<hbm>> -> memref<1x2x2048xf32, #tpu.memory_space<hbm>>
    %dma_wait3A_635 = tpu.memref_squeeze %dma_wait3A_634 : memref<1x2x2048xf32, #tpu.memory_space<hbm>> -> memref<2x2048xf32, #tpu.memory_space<hbm>>
    %dma_wait3A_636 = arith.constant 0 : i32
    %dma_wait3A_637 = arith.constant 0 : i32
    %dma_wait3A_638 = tpu.memref_slice %arg7[%dma_wait3A_636, %dma_wait3A_637] : memref<8x2048xf32, #tpu.memory_space<vmem_shared>> -> memref<2x2048xf32, #tpu.memory_space<vmem_shared>>
    tpu.wait_dma2 semaphore(%arg9 : memref<!tpu.dma_semaphore, #tpu.memory_space<semaphore_mem>>) src(%dma_wait3A_638 : memref<2x2048xf32, #tpu.memory_space<vmem_shared>>) dst(%dma_wait3A_635 : memref<2x2048xf32, #tpu.memory_space<hbm>>)
    %dma_wait3A_639 = arith.constant 0 : i32
    %dma_wait3A_640 = arith.constant 0 : i32
    %dma_wait3A_641 = arith.constant 0 : i32
    %dma_wait3A_642 = tpu.memref_slice %arg4[%dma_wait3A_639, %dma_wait3A_640, %dma_wait3A_641] : memref<4x8192x2048xf32, #tpu.memory_space<hbm>> -> memref<1x2x2048xf32, #tpu.memory_space<hbm>>
    %dma_wait3A_643 = tpu.memref_squeeze %dma_wait3A_642 : memref<1x2x2048xf32, #tpu.memory_space<hbm>> -> memref<2x2048xf32, #tpu.memory_space<hbm>>
    %dma_wait3A_644 = arith.constant 0 : i32
    %dma_wait3A_645 = arith.constant 0 : i32
    %dma_wait3A_646 = tpu.memref_slice %arg7[%dma_wait3A_644, %dma_wait3A_645] : memref<8x2048xf32, #tpu.memory_space<vmem_shared>> -> memref<2x2048xf32, #tpu.memory_space<vmem_shared>>
    tpu.wait_dma2 semaphore(%arg9 : memref<!tpu.dma_semaphore, #tpu.memory_space<semaphore_mem>>) src(%dma_wait3A_646 : memref<2x2048xf32, #tpu.memory_space<vmem_shared>>) dst(%dma_wait3A_643 : memref<2x2048xf32, #tpu.memory_space<hbm>>)
    return
  }
}

</mosaic_0001>

<sc_bundles>
// kernel: kernel.3.cloned.1.call-start
scs
__scs_entry_jumppad:
0x0: {  	(pc) =	sbr.rel $0x88, $3  }
0x1: {  	(tag) =	ssettag $0x0;
	lr =	simm.s32 $0x1  }
0x2: {  	[smem:$0x3F9F] =	sst lr;
	_ =	strace $0xD0000000  }
0x3: {  	_ = 	snop  }
0x4: {  	_ = 	snop  }
0x5: {  	_ = 	snop  }
0x6: {  	_ = 	snop  }
0x7: {  	_ = 	snop  }
__scs_overlays_trampoline_lowered:
0x8: {  	[smem:$0x3FAE] =	sst s0  }
0x9: {  	[smem:$0x3FAF] =	sst s1  }
0xa: {  	[smem:$0x3FB0] =	sst s2  }
0xb: {  	[smem:$0x3FB1] =	sst s3  }
0xc: {  	[smem:$0x3FB2] =	sst s4  }
0xd: {  	[smem:$0x3FB3] =	sst s5  }
0xe: {  	[smem:$0x3FB4] =	sst s6  }
0xf: {  	[smem:$0x3FB5] =	sst s7  }
0x10: {  	[smem:$0x3FB6] =	sst s8  }
0x11: {  	[smem:$0x3FB7] =	sst s9;
	s0 =	simm.s32 @!p0 $0x0  }
0x12: {  	s1 =	sld [smem:$0x3F9D];
	s0 =	simm.s32 @p0 $0x1  }
0x13: {  	[smem:$0x3FB8] =	sst s0;
	s0 =	simm.s32 @!p1 $0x0  }
0x14: {  	s2 =	sld [smem:$0x3F9C];
	s0 =	simm.s32 @p1 $0x1  }
0x15: {  	[smem:$0x3FB9] =	sst s0;
	s0 =	simm.s32 @!p2 $0x0  }
0x16: {  	s3 =	sld [smem:$0x3FDB];
	s0 =	simm.s32 @p2 $0x1  }
0x17: {  	s4 =	simm.s32 $0x1BF5;
	[smem:$0x3FBB] =	sst s0  }
0x18: {  	s0 =	sld [smem:$0x3F9E];
	_ =	swait.ge [sflag:s4], $0x0  }
0x19: {  	s7 =	sld [smem:$0x3F9F]  }
0x1a: {  	s8 =	sadd.s32 $0xFFFFE003, lr  }
0x1b: {  	s9 =	sadd.s32 $0xFFFFFEF7, lr;
	s5 =	simm.s32 $0xFFFFFFFF;
	p2 =	slt.u32 s8, $0xFFFFF086  }
0x1c: {  	p1 =	slt.u32 s9, $0xF7A;
	s5 =	simm.s32 @!p2 $0x0  }
0x1d: {  	s5 =	simm.s32 @p1 $0x1;
	p0 =	seq.s32 s7, s2  }
0x1e: {  	s7 =	smul.u32 @!p0 $0xF7A, s2;
	p2 =	seq.s32 @!p0 s5, $0x0  }
0x1f: {  	s9 =	smul.u32 $0xF7A, s1;
	s8 =	simm.s32 @!p0 $0x1BF5;
	p2 =	por !p2, p0  }
0x20: {  	[sflag:s8] =	ssyncset.s32 @!p0 $0xFFFFF086;
	s6 =	sadd.s32 @!p0 s3, s7;
	s7 =	simm.s32 @!p0 $0x108  }
0x21: {  	s3 =	sadd.s32 s3, s9;
	s6 =	sadd.s32 @!p0 $0x88, s6;
	s7 =	simm.s32 @p2 $0x1082  }
0x22: {  	[simem:s7], [sflag:s8] =	dma.local @!p0 [hbm:s6], $0xF7A  }
0x23: {  	s9 =	sor.u32 $0xD0000000, s2;
	s6 =	simm.s32 $0x108;
	_ =	swait.ge @!p0 [sflag:s8], $0x0  }
0x24: {  	s3 =	sadd.s32 $0x88, s3;
	s6 =	simm.s32 @!p1 $0x1082;
	[sflag:s4] =	ssyncset.s32 $0xFFFFF086  }
0x25: {  	[simem:s6], [sflag:s4] =	dma.local [hbm:s3], $0xF7A  }
0x26: {  	[smem:$0x3F9F] =	sst s1;
	(tag) =	ssettag s2;
	_ =	strace s9  }
0x27: {  	s1 =	sld [smem:$0x3FAF]  }
0x28: {  	s2 =	sld [smem:$0x3FB0]  }
0x29: {  	s4 =	sld [smem:$0x3FB2]  }
0x2a: {  	p0 =	seq.s32 s5, $0x0;
	s5 =	sld [smem:$0x3FB3]  }
0x2b: {  	s6 =	sld [smem:$0x3FB4]  }
0x2c: {  	s7 =	sld [smem:$0x3FB5]  }
0x2d: {  	s3 =	simm.s32 $0x108;
	s8 =	sld [smem:$0x3FB6]  }
0x2e: {  	s3 =	simm.s32 @!p0 $0x1082;
	s9 =	sld [smem:$0x3FB7]  }
0x2f: {  	lr =	sadd.s32 s0, s3;
	s0 =	sld [smem:$0x3FAE]  }
0x30: {  	s3 =	sld [smem:$0x3FB1]  }
0x31: {  	[smem:$0x3FBA] =	sst s10  }
0x32: {  	s10 =	sld [smem:$0x3FB8];
	_ =	sdelay $0x3  }
0x33: {  	p0 =	seq.s32 s10, $0x1;
	s10 =	sld [smem:$0x3FBA];
	_ =	sdelay $0x3  }
0x34: {  	[smem:$0x3FBA] =	sst s10  }
0x35: {  	s10 =	sld [smem:$0x3FB9];
	_ =	sdelay $0x3  }
0x36: {  	p1 =	seq.s32 s10, $0x1;
	s10 =	sld [smem:$0x3FBA];
	_ =	sdelay $0x3  }
0x37: {  	[smem:$0x3FBA] =	sst s10  }
0x38: {  	s10 =	sld [smem:$0x3FBB]  }
0x39: {  	_ = 	snop;
	(pc) =	sbr.ind lr, $3  }
0x3a: {  	_ = 	snop  }
0x3b: {  	_ = 	snop  }
0x3c: {  	p2 =	seq.s32 s10, $0x1;
	s10 =	sld [smem:$0x3FBA]  }
0x3d: {  	_ =	shalt  }
0x3e: {  	_ =	shalt  }
0x3f: {  	_ =	shalt  }
0x40: {  	_ =	shalt  }
0x41: {  	_ =	shalt  }
0x42: {  	_ =	shalt  }
0x43: {  	_ =	shalt  }
0x44: {  	_ =	shalt  }
0x45: {  	_ =	shalt  }
0x46: {  	_ =	shalt  }
0x47: {  	_ =	shalt  }
0x48: {  	_ =	shalt  }
0x49: {  	_ =	shalt  }
0x4a: {  	_ =	shalt  }
0x4b: {  	_ =	shalt  }
0x4c: {  	_ =	shalt  }
0x4d: {  	_ =	shalt  }
0x4e: {  	_ =	shalt  }
0x4f: {  	_ =	shalt  }
0x50: {  	_ =	shalt  }
0x51: {  	_ =	shalt  }
0x52: {  	_ =	shalt  }
0x53: {  	_ =	shalt  }
0x54: {  	_ =	shalt  }
0x55: {  	_ =	shalt  }
0x56: {  	_ =	shalt  }
0x57: {  	_ =	shalt  }
0x58: {  	_ =	shalt  }
0x59: {  	_ =	shalt  }
0x5a: {  	_ =	shalt  }
0x5b: {  	_ =	shalt  }
0x5c: {  	_ =	shalt  }
0x5d: {  	_ =	shalt  }
0x5e: {  	_ =	shalt  }
0x5f: {  	_ =	shalt  }
0x60: {  	_ =	shalt  }
0x61: {  	_ =	shalt  }
0x62: {  	_ =	shalt  }
0x63: {  	_ =	shalt  }
0x64: {  	_ =	shalt  }
0x65: {  	_ =	shalt  }
0x66: {  	_ =	shalt  }
0x67: {  	_ =	shalt  }
0x68: {  	_ =	shalt  }
0x69: {  	_ =	shalt  }
0x6a: {  	_ =	shalt  }
0x6b: {  	_ =	shalt  }
0x6c: {  	_ =	shalt  }
0x6d: {  	_ =	shalt  }
0x6e: {  	_ =	shalt  }
0x6f: {  	_ =	shalt  }
0x70: {  	_ =	shalt  }
0x71: {  	_ =	shalt  }
0x72: {  	_ =	shalt  }
0x73: {  	_ =	shalt  }
0x74: {  	_ =	shalt  }
0x75: {  	_ =	shalt  }
0x76: {  	_ =	shalt  }
0x77: {  	_ =	shalt  }
0x78: {  	_ =	shalt  }
0x79: {  	_ =	shalt  }
0x7a: {  	_ =	shalt  }
0x7b: {  	_ =	shalt  }
0x7c: {  	_ =	shalt  }
0x7d: {  	_ =	shalt  }
0x7e: {  	_ =	shalt  }
0x7f: {  	_ =	shalt  }
0x80: {  	_ =	shalt  }
0x81: {  	_ =	shalt  }
0x82: {  	_ =	shalt  }
0x83: {  	_ =	shalt  }
0x84: {  	_ =	shalt  }
0x85: {  	_ =	shalt  }
0x86: {  	_ =	shalt  }
0x87: {  	_ =	shalt  }
.Lfunc_end0:
.L_simem_size_0:
called_computation_lowered:
.L_overlay_start_0:
0x88: {  	s2 =	sld [smem:$0x3FD9]  }
0x89: {  	s3 =	sld [smem:$0x3FFE];
	_ =	sdelay $0x1  }
0x8a: {  	s1 =	srdreg.scid  }
0x8b: {  	s0 =	sand.u32 $0x1, s1  }
0x8c: {  	s18 =	sshll.u32 s0, $0xA;
	s2 =	sadd.s32 s3, s2  }
0x8d: {  	s2 =	sadd.s32 s2, s18  }
0x8e: {  	[smem:$0x3FC6] =	sst s2  }
0x8f: {  	_ = 	snop  }
0x90: {  	s2 =	sld [smem:$0x3FC9]  }
0x91: {  	s19 =	sld [smem:$0x3FC8]  }
0x92: {  	s4 =	sld [smem:$0x3FD0];
	(tm) =	ssettm $0x1  }
0x93: {  	s5 =	sld [smem:$0x3FFB];
	_ =	sdelay $0x3  }
0x94: {  	_ =	strace s5  }
0x95: {  	s5 =	sld [smem:$0x3FFC];
	_ =	sdelay $0x3  }
0x96: {  	_ =	strace s5  }
0x97: {  	s5 =	sld [smem:$0x3FFD];
	_ =	sdelay $0x3  }
0x98: {  	_ =	strace s5  }
0x99: {  	_ =	strace $0x8FFFFFFF  }
0x9a: {  	s20 =	sld [smem:$0x3FDB];
	_ =	sdelay $0x1  }
0x9b: {  	s6 =	simm.s32 $_scs_section_size  }
0x9c: {  	s7 =	simm.s32 $_size__tile_overlayer_lowered;
	s8 =	simm.s32 $_tile_overlayer_lowered  }
0x9d: {  	s23 =	simm.s32 $0x1BFF;
	s22 =	sshll.u32 s8, $0x1;
	s5 =	sadd.s32 s6, s20  }
0x9e: {  	s9 =	simm.s32 $0x0;
	s21 =	sshll.u32 s7, $0x1;
	s7 =	sadd.s32 s22, s5  }
0x9f: {  	[timem:s9], [sflag:s23] =	dma.local [hbm:s7], s21  }
0xa0: {  	_ =	swait.ge [sflag:s23], s21  }
0xa1: {  	s6 =	ssub.s32 $0x0, s21;
	[sflag:s23] =	ssyncset.done $0x0  }
0xa2: {  	[sflag:s23] =	ssyncadd.s32 s6;
	_ =	sdelay $0x1  }
0xa3: {  	s24 =	simm.s32 $0x1B8B  }
0xa4: {  	_ =	swait.ge [sflag:s24], $0x1  }
0xa5: {  	[sflag:s24] =	ssyncset.done $0x0  }
0xa6: {  	s25 =	simm.s32 $0x1B8E;
	[sflag:s24] =	ssyncadd.s32 $0xFFFFFFFF  }
0xa7: {  	s26 =	simm.s32 $execute0_lowered;
	[smem:$0x3FD2] =	sst s25  }
0xa8: {  	s6 =	sshll.u32 s26, $0x1;
	_ =	strace $0x80000046;
	[dreg:$0x1] =	wrdreg $0xFFFFFFFF  }
0xa9: {  	s28 =	simm.s32 $_size_execute0_lowered;
	s5 =	sadd.s32 s5, s6;
	[dreg:$0x0] =	wrdreg $0x0  }
0xaa: {  	s6 =	sshll.u32 s28, $0x1;
	[dreg:$0x2] =	wrdreg s5  }
0xab: {  	[dreg:$0x3] =	wrdreg s6  }
0xac: {  	[dreg:$0x4] =	wrdreg $0xC0  }
0xad: {  	_ =	task [dreg:s9], $0x5FFFF  }
0xae: {  	[dreg:$0x1] =	wrdreg $0xFFFFFFFF  }
0xaf: {  	[dreg:$0x0] =	wrdreg $0x60  }
0xb0: {  	[dreg:$0x2] =	wrdreg s2  }
0xb1: {  	[dreg:$0x3] =	wrdreg s19  }
0xb2: {  	[dreg:$0x4] =	wrdreg s4  }
0xb3: {  	[dreg:$0x5] =	wrdreg $0x44000  }
0xb4: {  	[dreg:$0x6] =	wrdreg $0x9  }
0xb5: {  	_ =	task.clear_ibuf [dreg:s9], $0x7FFFF;
	_ =	strace $0x90000046  }
0xb6: {  	s29 =	simm.s32 $0x9;
	_ =	strace $0x80000048  }
0xb7: {  	_ =	swait.ge [sflag:s29], $0x1  }
0xb8: {  	[sflag:s29] =	ssyncadd.s32 $0xFFFFFFFF  }
0xb9: {  	_ =	strace $0x90000048  }
0xba: {  	_ =	sfence  }
0xbb: {  	s30 =	sld [smem:$0x0];
	_ =	sdelay $0x2  }
0xbc: {  	s31 =	sshll.u32 s1, $0xD;
	s1 =	sshrl.u32 s1, $0x2  }
0xbd: {  	s3 =	sand.u32 $0x4000, s31;
	s1 =	sadd.s32 s1, s30  }
0xbe: {  	s0 =	sor.u32 s3, s0;
	s1 =	sshll.u32 s1, $0x11  }
0xbf: {  	s0 =	sor.u32 s1, s0  }
0xc0: {  	s0 =	sadd.s32 $0x8F2B, s0  }
0xc1: {  	[sflag:s0] =	ssyncadd.remote.s32 $0x1  }
0xc2: {  	_ =	sfence.sel $0xFFFF  }
0xc3: {  	[dreg:$0x0] =	wrdreg $0xFFFFFFFF;
	(pc) =	sbr.abs _section_cstart, $3  }
0xc4: {  	[dreg:$0x1] =	wrdreg $0xFFFFFFFF  }
0xc5: {  	_ =	task.clear_ibuf [dreg:s9], $0x2FFFF;
	_ =	strace $0x9FFFFFFF  }
0xc6: {  	(tm) =	ssettm $0x7FFFFFFF  }
0xc7: {  	_ =	shalt  }
tec
execute0_lowered:
.L_overlay_start_1:
0x0: {  	(tag) =	ssettag $0x1  }
0x1: {  	s3 =	rddreg [dreg:$0x0]  }
0x2: {  	s20 =	rddreg [dreg:$0x1]  }
0x3: {  	s0 =	rddreg [dreg:$0x2]  }
0x4: {  	s2 =	rddreg [dreg:$0x3];
	s4 =	simm.s32 $0x0;
	s1 =	srdreg.scid  }
0x5: {  	s21 =	stileid.u32;
	[smem:$0x7FF] =	sst s4;
	s5 =	sand.u32 $0x1, s1  }
0x6: {  	s26 =	sshll.u32 s21, $0xB;
	s7 =	sshrl.u32 s21, $0x2;
	s31 =	sshll.u32 s21, $0x3  }
0x7: {  	s12 =	sadd.s32 $0x20, s0;
	s13 =	sshll.u32 s21, $0x16;
	s6 =	sshll.u32 s5, $0xA  }
0x8: {  	s8 =	ssub.s32 $0x2, s5;
	s28 =	sshll.u32 s7, $0xD;
	_ =	strace $0x80000047  }
0x9: {  	s30 =	sshll.u32 s7, $0x7;
	s7 =	sshll.u32 s7, $0x18;
	s5 =	sshll.u32 s5, $0x15  }
0xa: {  	s1 =	sor.u32 s6, s26;
	s9 =	sshrl.u32 s8, $0x1;
	s5 =	sor.u32 s5, s13  }
0xb: {  	s6 =	ssub.s32 s1, s28;
	s1 =	ssub.s32 s8, s9;
	s26 =	sor.u32 $0x14000, s5  }
0xc: {  	s29 =	sshll.u32 s6, $0x2;
	s6 =	sshll.u32 s6, $0xB;
	s28 =	sshrl.u32 s26, $0x3  }
0xd: {  	s13 =	smax.u32 s1, $0x1;
	s26 =	sadd.s32 $0x160, s20;
	s8 =	sor.u32 s30, s29  }
0xe: {  	s6 =	sadd.s32 s7, s6;
	[dreg:$0x15] =	wrdreg s13;
	s8 =	sshrl.u32 s8, $0x3  }
0xf: {  	[smem:$0x7F9] =	sst s26;
	s10 =	sshrl.u32 s6, $0x3;
	s3 =	sadd.s32 s3, s8  }
0x10: {  	s15 =	sadd.s32 $0x40, s0;
	s11 =	sadd.s32 s0, s10;
	[dreg:$0x9] =	wrdreg s3  }
0x11: {  	s9 =	sand.u32 $0x10, s31;
	s16 =	sadd.s32 s10, s12;
	[dreg:$0x19] =	wrdreg s11  }
0x12: {  	s17 =	sadd.s32 s10, s15;
	s3 =	sadd.s32 s20, s9;
	[dreg:$0x1b] =	wrdreg s16  }
0x13: {  	s16 =	sadd.s32 $0x60, s0;
	[dreg:$0x1d] =	wrdreg s17;
	s11 =	sor.u32 $0x4000, s6  }
0x14: {  	[dreg:$0xa] =	wrdreg s3;
	s18 =	sadd.s32 s10, s16;
	s14 =	sshrl.u32 s11, $0x3  }
0x15: {  	[dreg:$0x1f] =	wrdreg s18;
	s19 =	sadd.s32 s0, s14  }
0x16: {  	s22 =	sadd.s32 s14, s12;
	[smem:$0x7EF] =	sst s19  }
0x17: {  	s17 =	sor.u32 $0x1C000, s5;
	s23 =	sadd.s32 s14, s15;
	[smem:$0x7F0] =	sst s22  }
0x18: {  	s17 =	sshrl.u32 s17, $0x3;
	s24 =	sadd.s32 s14, s16;
	[smem:$0x7F1] =	sst s23  }
0x19: {  	s17 =	sadd.s32 s17, s0;
	[smem:$0x7F2] =	sst s24  }
0x1a: {  	s14 =	sadd.s32 $0x10, s20;
	[dreg:$0x8] =	wrdreg s17  }
0x1b: {  	s17 =	sadd.s32 s28, s0;
	[smem:$0x7F3] =	sst s14  }
0x1c: {  	s23 =	sadd.s32 $0x100, s20;
	[dreg:$0x6] =	wrdreg s17  }
0x1d: {  	s18 =	sor.u32 $0x8000, s6;
	s24 =	sadd.s32 $0x120, s20;
	[smem:$0x7F6] =	sst s23  }
0x1e: {  	s18 =	sshrl.u32 s18, $0x3;
	s28 =	sadd.s32 $0x180, s20;
	[smem:$0x7F7] =	sst s24  }
0x1f: {  	s22 =	sadd.s32 s0, s18;
	[smem:$0x7FA] =	sst s28  }
0x20: {  	s29 =	sadd.s32 s18, s12;
	[dreg:$0xb] =	wrdreg s22  }
0x21: {  	s6 =	sor.u32 $0xC000, s6;
	s30 =	sadd.s32 s18, s15;
	[dreg:$0xc] =	wrdreg s29  }
0x22: {  	s6 =	sshrl.u32 s6, $0x3;
	s31 =	sadd.s32 s18, s16;
	[dreg:$0xd] =	wrdreg s30  }
0x23: {  	s3 =	sadd.s32 s6, s12;
	[dreg:$0xe] =	wrdreg s31  }
0x24: {  	s8 =	sadd.s32 s6, s15;
	[dreg:$0xf] =	wrdreg s3  }
0x25: {  	s9 =	sadd.s32 s6, s16;
	[dreg:$0x10] =	wrdreg s8  }
0x26: {  	s10 =	sadd.s32 s0, s6;
	[dreg:$0x11] =	wrdreg s9  }
0x27: {  	p0 =	sgt.u32 s21, $0x3;
	s15 =	sadd.s32 $0x20, s20;
	[dreg:$0x12] =	wrdreg s10  }
0x28: {  	s11 =	sshll.u32 s21, $0x8;
	s16 =	sadd.s32 $0x40, s20;
	[dreg:$0x17] =	wrdreg s15  }
0x29: {  	s19 =	sor.u32 $0x18000, s5;
	s17 =	sadd.s32 $0x60, s20;
	[dreg:$0x18] =	wrdreg s16  }
0x2a: {  	s19 =	sshrl.u32 s19, $0x3;
	s18 =	sadd.s32 $0x80, s20;
	[dreg:$0x1a] =	wrdreg s17  }
0x2b: {  	s12 =	sshll.u32 s21, $0x4;
	s21 =	sadd.s32 $0xC0, s20;
	[dreg:$0x1c] =	wrdreg s18  }
0x2c: {  	s25 =	sadd.s32 s19, s0;
	[smem:$0x7F4] =	sst s21  }
0x2d: {  	s19 =	sadd.s32 $0xA0, s20;
	[dreg:$0x7] =	wrdreg s25  }
0x2e: {  	s22 =	sadd.s32 $0xE0, s20;
	[dreg:$0x1e] =	wrdreg s19  }
0x2f: {  	s29 =	sadd.s32 $0x1A0, s20;
	[smem:$0x7F5] =	sst s22  }
0x30: {  	s7 =	sor.u32 $0x10000, s5;
	s30 =	sadd.s32 $0x1C0, s20;
	[smem:$0x7FB] =	sst s29  }
0x31: {  	s3 =	sshrl.u32 s7, $0x3;
	s31 =	sadd.s32 $0x1E0, s20;
	[smem:$0x7FC] =	sst s30  }
0x32: {  	s0 =	sadd.s32 s3, s0;
	[smem:$0x7FD] =	sst s31  }
0x33: {  	v0 =	vlaneseq.u32;
	s5 =	simm.s32 $0x0;
	s3 =	sadd.s32 s11, s2;
	[dreg:$0x5] =	wrdreg s0  }
0x34: {  	vm0 =	vmmov $0x3;
	v0 =	vand.u32 $0x1, v0;
	s25 =	sadd.s32 $0x140, s20;
	s0 =	sand.u32 $0x10, s12;
	[dreg:$0x13] =	wrdreg s3  }
0x35: {  	vm1 =	vcmask $0x710;
	vm2 =	vcmask $0xF18;
	v0 =	vmul.u32 $0xFFFFFFFF, v0;
	s3 =	sadd.s32 $0x80, s3;
	[smem:$0x7F8] =	sst s25;
	s0 =	sadd.s32 s20, s0  }
0x36: {  	vm3 =	vcmask $0x1720;
	vm4 =	vcmask $0x1F28;
	vm5 =	vcmask $0x2730;
	s23 =	simm.s32 $0x2;
	[dreg:$0x14] =	wrdreg s0;
	s0 =	sshrl.u32 @!p0 s3, $0x3  }
0x37: {  	vm6 =	vcmask $0x2F38;
	vm7 =	vmmov $0x3fff;
	v0 =	vadd.s32 $0x1, v0;
	s25 =	simm.s32 $0x80;
	s3 =	simm.s32 $0x1;
	[dreg:$0x16] =	wrdreg s0  }
.LBB2_1:
0x38: {  	[smem:$0x7EE] =	sst s5  }
0x39: {  	s0 =	rddreg [dreg:$0x9];
	s1 =	simm.s32 $0x200;
	s5 =	simm.s32 $0x3  }
0x3a: {  	[tilespmem:s4], [sflag:$0x3] =	stream.strided.gather [hbm4b:s0+s25], $0x400, s1, s25, $0x38;
	[tilespmem:$0x4800] =	vst v63  }
0x3b: {  	_ =	swait.ge [sflag:s5], $0x400  }
0x3c: {  	[sflag:s5] =	ssyncset.done $0x0  }
0x3d: {  	s26 =	rddreg [dreg:$0x17];
	[sflag:s5] =	ssyncadd.s32 $0xFFFFFC00  }
0x3e: {  	s7 =	simm.s32 $0x400;
	s6 =	rddreg [dreg:$0x1]  }
0x3f: {  	[tilespmem:s7], [sflag:$0x3] =	stream.linear.gather [hbm4b:s6+s4], $0x80, $0x38;
	[tilespmem:$0x4800] =	vst v63  }
0x40: {  	s8 =	simm.s32 $0x800;
	s9 =	rddreg [dreg:$0x18]  }
0x41: {  	[tilespmem:s8], [sflag:$0x3] =	stream.linear.gather [hbm4b:s26+s4], $0x80, $0x38;
	[tilespmem:$0x4800] =	vst v63  }
0x42: {  	s10 =	simm.s32 $0xC00;
	s11 =	rddreg [dreg:$0x1a]  }
0x43: {  	[tilespmem:s10], [sflag:$0x3] =	stream.linear.gather [hbm4b:s9+s4], $0x80, $0x38;
	[tilespmem:$0x4800] =	vst v63  }
0x44: {  	s12 =	simm.s32 $0x1000;
	s13 =	rddreg [dreg:$0x1c]  }
0x45: {  	[tilespmem:s12], [sflag:$0x3] =	stream.linear.gather [hbm4b:s11+s4], $0x80, $0x38;
	[tilespmem:$0x4800] =	vst v63  }
0x46: {  	s14 =	simm.s32 $0x1400;
	s10 =	rddreg [dreg:$0x1e]  }
0x47: {  	[tilespmem:s14], [sflag:$0x3] =	stream.linear.gather [hbm4b:s13+s4], $0x80, $0x38;
	[tilespmem:$0x4800] =	vst v63  }
0x48: {  	s15 =	simm.s32 $0x1800;
	s8 =	smov.u32 s11;
	s11 =	sld [smem:$0x7F4]  }
0x49: {  	[tilespmem:s15], [sflag:$0x3] =	stream.linear.gather [hbm4b:s10+s4], $0x80, $0x38;
	[tilespmem:$0x4800] =	vst v63  }
0x4a: {  	s16 =	simm.s32 $0x1C00;
	s17 =	simm.s32 $0x2000;
	s12 =	sld [smem:$0x7F5]  }
0x4b: {  	[tilespmem:s16], [sflag:$0x3] =	stream.linear.gather [hbm4b:s11+s4], $0x80, $0x38;
	[tilespmem:$0x4800] =	vst v63  }
0x4c: {  	s7 =	smov.u32 s9;
	s9 =	smov.u32 s13;
	s13 =	sld [smem:$0x7F6]  }
0x4d: {  	[tilespmem:s17], [sflag:$0x3] =	stream.linear.gather [hbm4b:s12+s4], $0x80, $0x38;
	[tilespmem:$0x4800] =	vst v63  }
0x4e: {  	s18 =	simm.s32 $0x2400;
	s14 =	sld [smem:$0x7F7]  }
0x4f: {  	[tilespmem:s18], [sflag:$0x3] =	stream.linear.gather [hbm4b:s13+s4], $0x80, $0x38;
	[tilespmem:$0x4800] =	vst v63  }
0x50: {  	s19 =	simm.s32 $0x2800;
	s28 =	sld [smem:$0x7F8]  }
0x51: {  	[tilespmem:s19], [sflag:$0x3] =	stream.linear.gather [hbm4b:s14+s4], $0x80, $0x38;
	[tilespmem:$0x4800] =	vst v63  }
0x52: {  	s20 =	simm.s32 $0x2C00;
	s15 =	sld [smem:$0x7F9]  }
0x53: {  	[tilespmem:s20], [sflag:$0x3] =	stream.linear.gather [hbm4b:s28+s4], $0x80, $0x38;
	[tilespmem:$0x4800] =	vst v63  }
0x54: {  	s21 =	simm.s32 $0x3000;
	s16 =	sld [smem:$0x7FA]  }
0x55: {  	[tilespmem:s21], [sflag:$0x3] =	stream.linear.gather [hbm4b:s15+s4], $0x80, $0x38;
	[tilespmem:$0x4800] =	vst v63  }
0x56: {  	s22 =	simm.s32 $0x3400;
	s17 =	sld [smem:$0x7FB]  }
0x57: {  	[tilespmem:s22], [sflag:$0x3] =	stream.linear.gather [hbm4b:s16+s4], $0x80, $0x38;
	[tilespmem:$0x4800] =	vst v63  }
0x58: {  	s24 =	simm.s32 $0x3800;
	s18 =	sld [smem:$0x7FC]  }
0x59: {  	[tilespmem:s24], [sflag:$0x3] =	stream.linear.gather [hbm4b:s17+s4], $0x80, $0x38;
	[tilespmem:$0x4800] =	vst v63  }
0x5a: {  	s1 =	simm.s32 $0x3C00  }
0x5b: {  	[tilespmem:s1], [sflag:$0x3] =	stream.linear.gather [hbm4b:s18+s4], $0x80, $0x38;
	[tilespmem:$0x4800] =	vst v63  }
0x5c: {  	s1 =	sld [smem:$0x7FD];
	_ =	sdelay $0x1  }
0x5d: {  	s19 =	simm.s32 $0x4000  }
0x5e: {  	[tilespmem:s19], [sflag:$0x3] =	stream.linear.gather [hbm4b:s1+s4], $0x80, $0x38;
	[tilespmem:$0x4800] =	vst v63  }
0x5f: {  	_ =	swait.ge [sflag:s5], $0x800  }
0x60: {  	[sflag:s5] =	ssyncset.done $0x0  }
0x61: {  	s20 =	simm.s32 $0x480;
	[sflag:s5] =	ssyncadd.s32 $0xFFFFF800  }
0x62: {  	[tilespmem:s20], [sflag:$0x3] =	stream.linear.gather [hbm4b:s6+s4], $0x80, $0x38;
	[tilespmem:$0x4800] =	vst v63  }
0x63: {  	s21 =	simm.s32 $0x880  }
0x64: {  	[tilespmem:s21], [sflag:$0x3] =	stream.linear.gather [hbm4b:s26+s4], $0x80, $0x38;
	[tilespmem:$0x4800] =	vst v63  }
0x65: {  	s22 =	simm.s32 $0xC80  }
0x66: {  	[tilespmem:s22], [sflag:$0x3] =	stream.linear.gather [hbm4b:s7+s4], $0x80, $0x38;
	[tilespmem:$0x4800] =	vst v63  }
0x67: {  	s24 =	simm.s32 $0x1080  }
0x68: {  	[tilespmem:s24], [sflag:$0x3] =	stream.linear.gather [hbm4b:s8+s4], $0x80, $0x38;
	[tilespmem:$0x4800] =	vst v63  }
0x69: {  	s19 =	simm.s32 $0x1480  }
0x6a: {  	[tilespmem:s19], [sflag:$0x3] =	stream.linear.gather [hbm4b:s9+s4], $0x80, $0x38;
	[tilespmem:$0x4800] =	vst v63  }
0x6b: {  	s20 =	simm.s32 $0x1880  }
0x6c: {  	[tilespmem:s20], [sflag:$0x3] =	stream.linear.gather [hbm4b:s10+s4], $0x80, $0x38;
	[tilespmem:$0x4800] =	vst v63  }
0x6d: {  	s21 =	simm.s32 $0x1C80  }
0x6e: {  	[tilespmem:s21], [sflag:$0x3] =	stream.linear.gather [hbm4b:s11+s4], $0x80, $0x38;
	[tilespmem:$0x4800] =	vst v63  }
0x6f: {  	s22 =	simm.s32 $0x2080  }
0x70: {  	[tilespmem:s22], [sflag:$0x3] =	stream.linear.gather [hbm4b:s12+s4], $0x80, $0x38;
	[tilespmem:$0x4800] =	vst v63  }
0x71: {  	s24 =	simm.s32 $0x2480  }
0x72: {  	[tilespmem:s24], [sflag:$0x3] =	stream.linear.gather [hbm4b:s13+s4], $0x80, $0x38;
	[tilespmem:$0x4800] =	vst v63  }
0x73: {  	s19 =	simm.s32 $0x2880  }
0x74: {  	[tilespmem:s19], [sflag:$0x3] =	stream.linear.gather [hbm4b:s14+s4], $0x80, $0x38;
	[tilespmem:$0x4800] =	vst v63  }
0x75: {  	s20 =	simm.s32 $0x2C80  }
0x76: {  	[tilespmem:s20], [sflag:$0x3] =	stream.linear.gather [hbm4b:s28+s4], $0x80, $0x38;
	[tilespmem:$0x4800] =	vst v63  }
0x77: {  	s21 =	simm.s32 $0x3080  }
0x78: {  	[tilespmem:s21], [sflag:$0x3] =	stream.linear.gather [hbm4b:s15+s4], $0x80, $0x38;
	[tilespmem:$0x4800] =	vst v63  }
0x79: {  	s22 =	simm.s32 $0x3480  }
0x7a: {  	[tilespmem:s22], [sflag:$0x3] =	stream.linear.gather [hbm4b:s16+s4], $0x80, $0x38;
	[tilespmem:$0x4800] =	vst v63  }
0x7b: {  	s24 =	simm.s32 $0x3880  }
0x7c: {  	[tilespmem:s24], [sflag:$0x3] =	stream.linear.gather [hbm4b:s17+s4], $0x80, $0x38;
	[tilespmem:$0x4800] =	vst v63  }
0x7d: {  	s19 =	simm.s32 $0x3C80  }
0x7e: {  	[tilespmem:s19], [sflag:$0x3] =	stream.linear.gather [hbm4b:s18+s4], $0x80, $0x38;
	[tilespmem:$0x4800] =	vst v63  }
0x7f: {  	s20 =	simm.s32 $0x4080  }
0x80: {  	[tilespmem:s20], [sflag:$0x3] =	stream.linear.gather [hbm4b:s1+s4], $0x80, $0x38;
	[tilespmem:$0x4800] =	vst v63  }
0x81: {  	_ =	swait.ge [sflag:s5], $0x800  }
0x82: {  	[sflag:s5] =	ssyncset.done $0x0  }
0x83: {  	s21 =	simm.s32 $0x500;
	[sflag:s5] =	ssyncadd.s32 $0xFFFFF800  }
0x84: {  	[tilespmem:s21], [sflag:$0x3] =	stream.linear.gather [hbm4b:s6+s4], $0x80, $0x38;
	[tilespmem:$0x4800] =	vst v63  }
0x85: {  	s22 =	simm.s32 $0x900  }
0x86: {  	[tilespmem:s22], [sflag:$0x3] =	stream.linear.gather [hbm4b:s26+s4], $0x80, $0x38;
	[tilespmem:$0x4800] =	vst v63  }
0x87: {  	s24 =	simm.s32 $0xD00  }
0x88: {  	[tilespmem:s24], [sflag:$0x3] =	stream.linear.gather [hbm4b:s7+s4], $0x80, $0x38;
	[tilespmem:$0x4800] =	vst v63  }
0x89: {  	s6 =	simm.s32 $0x1100  }
0x8a: {  	[tilespmem:s6], [sflag:$0x3] =	stream.linear.gather [hbm4b:s8+s4], $0x80, $0x38;
	[tilespmem:$0x4800] =	vst v63  }
0x8b: {  	s7 =	simm.s32 $0x1500  }
0x8c: {  	[tilespmem:s7], [sflag:$0x3] =	stream.linear.gather [hbm4b:s9+s4], $0x80, $0x38;
	[tilespmem:$0x4800] =	vst v63  }
0x8d: {  	s8 =	simm.s32 $0x1900  }
0x8e: {  	[tilespmem:s8], [sflag:$0x3] =	stream.linear.gather [hbm4b:s10+s4], $0x80, $0x38;
	[tilespmem:$0x4800] =	vst v63  }
0x8f: {  	s9 =	simm.s32 $0x1D00  }
0x90: {  	[tilespmem:s9], [sflag:$0x3] =	stream.linear.gather [hbm4b:s11+s4], $0x80, $0x38;
	[tilespmem:$0x4800] =	vst v63  }
0x91: {  	s19 =	simm.s32 $0x2100  }
0x92: {  	[tilespmem:s19], [sflag:$0x3] =	stream.linear.gather [hbm4b:s12+s4], $0x80, $0x38;
	[tilespmem:$0x4800] =	vst v63  }
0x93: {  	s20 =	simm.s32 $0x2500  }
0x94: {  	[tilespmem:s20], [sflag:$0x3] =	stream.linear.gather [hbm4b:s13+s4], $0x80, $0x38;
	[tilespmem:$0x4800] =	vst v63  }
0x95: {  	s21 =	simm.s32 $0x2900  }
0x96: {  	[tilespmem:s21], [sflag:$0x3] =	stream.linear.gather [hbm4b:s14+s4], $0x80, $0x38;
	[tilespmem:$0x4800] =	vst v63  }
0x97: {  	s22 =	simm.s32 $0x2D00  }
0x98: {  	[tilespmem:s22], [sflag:$0x3] =	stream.linear.gather [hbm4b:s28+s4], $0x80, $0x38;
	[tilespmem:$0x4800] =	vst v63  }
0x99: {  	s24 =	simm.s32 $0x3100  }
0x9a: {  	[tilespmem:s24], [sflag:$0x3] =	stream.linear.gather [hbm4b:s15+s4], $0x80, $0x38;
	[tilespmem:$0x4800] =	vst v63  }
0x9b: {  	s6 =	simm.s32 $0x3500  }
0x9c: {  	[tilespmem:s6], [sflag:$0x3] =	stream.linear.gather [hbm4b:s16+s4], $0x80, $0x38;
	[tilespmem:$0x4800] =	vst v63  }
0x9d: {  	s7 =	simm.s32 $0x3900  }
0x9e: {  	[tilespmem:s7], [sflag:$0x3] =	stream.linear.gather [hbm4b:s17+s4], $0x80, $0x38;
	[tilespmem:$0x4800] =	vst v63  }
0x9f: {  	s8 =	simm.s32 $0x3D00  }
0xa0: {  	[tilespmem:s8], [sflag:$0x3] =	stream.linear.gather [hbm4b:s18+s4], $0x80, $0x38;
	[tilespmem:$0x4800] =	vst v63  }
0xa1: {  	s9 =	simm.s32 $0x4100  }
0xa2: {  	[tilespmem:s9], [sflag:$0x3] =	stream.linear.gather [hbm4b:s1+s4], $0x80, $0x38;
	[tilespmem:$0x4800] =	vst v63  }
0xa3: {  	_ =	swait.ge [sflag:s5], $0x800  }
0xa4: {  	s0 =	sld [smem:$0x7F3]  }
0xa5: {  	[sflag:s5] =	ssyncset.done $0x0  }
0xa6: {  	s15 =	simm.s32 $0x580;
	[sflag:s5] =	ssyncadd.s32 $0xFFFFF800  }
0xa7: {  	[tilespmem:s15], [sflag:$0x3] =	stream.linear.gather [hbm4b:s0+s4], $0x80, $0x38;
	[tilespmem:$0x4800] =	vst v63  }
0xa8: {  	s16 =	simm.s32 $0x980;
	s7 =	sadd.s32 $0x20, s0  }
0xa9: {  	[tilespmem:s16], [sflag:$0x3] =	stream.linear.gather [hbm4b:s7+s4], $0x80, $0x38;
	[tilespmem:$0x4800] =	vst v63  }
0xaa: {  	s17 =	simm.s32 $0xD80;
	s29 =	sadd.s32 $0x40, s0  }
0xab: {  	[tilespmem:s17], [sflag:$0x3] =	stream.linear.gather [hbm4b:s29+s4], $0x80, $0x38;
	[tilespmem:$0x4800] =	vst v63  }
0xac: {  	s18 =	simm.s32 $0x1180;
	s30 =	sadd.s32 $0x60, s0  }
0xad: {  	[tilespmem:s18], [sflag:$0x3] =	stream.linear.gather [hbm4b:s30+s4], $0x80, $0x38;
	[tilespmem:$0x4800] =	vst v63  }
0xae: {  	s19 =	simm.s32 $0x1580;
	s31 =	sadd.s32 $0x80, s0  }
0xaf: {  	[tilespmem:s19], [sflag:$0x3] =	stream.linear.gather [hbm4b:s31+s4], $0x80, $0x38;
	[tilespmem:$0x4800] =	vst v63  }
0xb0: {  	s20 =	simm.s32 $0x1980;
	s1 =	sadd.s32 $0xA0, s0  }
0xb1: {  	[tilespmem:s20], [sflag:$0x3] =	stream.linear.gather [hbm4b:s1+s4], $0x80, $0x38;
	[tilespmem:$0x4800] =	vst v63  }
0xb2: {  	s21 =	simm.s32 $0x1D80;
	s6 =	sadd.s32 $0xC0, s0  }
0xb3: {  	[tilespmem:s21], [sflag:$0x3] =	stream.linear.gather [hbm4b:s6+s4], $0x80, $0x38;
	[tilespmem:$0x4800] =	vst v63  }
0xb4: {  	s22 =	simm.s32 $0x2180;
	s15 =	sadd.s32 $0xE0, s0  }
0xb5: {  	[tilespmem:s22], [sflag:$0x3] =	stream.linear.gather [hbm4b:s15+s4], $0x80, $0x38;
	[tilespmem:$0x4800] =	vst v63  }
0xb6: {  	s24 =	simm.s32 $0x2580;
	s16 =	sadd.s32 $0x100, s0  }
0xb7: {  	[tilespmem:s24], [sflag:$0x3] =	stream.linear.gather [hbm4b:s16+s4], $0x80, $0x38;
	[tilespmem:$0x4800] =	vst v63  }
0xb8: {  	s8 =	simm.s32 $0x2980;
	s17 =	sadd.s32 $0x120, s0  }
0xb9: {  	[tilespmem:s8], [sflag:$0x3] =	stream.linear.gather [hbm4b:s17+s4], $0x80, $0x38;
	[tilespmem:$0x4800] =	vst v63  }
0xba: {  	s18 =	sadd.s32 $0x140, s0;
	s19 =	simm.s32 $0x2D80  }
0xbb: {  	[tilespmem:s19], [sflag:$0x3] =	stream.linear.gather [hbm4b:s18+s4], $0x80, $0x38;
	[tilespmem:$0x4800] =	vst v63  }
0xbc: {  	s20 =	simm.s32 $0x3180;
	s19 =	sadd.s32 $0x160, s0  }
0xbd: {  	[tilespmem:s20], [sflag:$0x3] =	stream.linear.gather [hbm4b:s19+s4], $0x80, $0x38;
	[tilespmem:$0x4800] =	vst v63  }
0xbe: {  	s21 =	simm.s32 $0x3580;
	s20 =	sadd.s32 $0x180, s0  }
0xbf: {  	[tilespmem:s21], [sflag:$0x3] =	stream.linear.gather [hbm4b:s20+s4], $0x80, $0x38;
	[tilespmem:$0x4800] =	vst v63  }
0xc0: {  	s22 =	simm.s32 $0x3980;
	s21 =	sadd.s32 $0x1A0, s0  }
0xc1: {  	[tilespmem:s22], [sflag:$0x3] =	stream.linear.gather [hbm4b:s21+s4], $0x80, $0x38;
	[tilespmem:$0x4800] =	vst v63  }
0xc2: {  	s24 =	simm.s32 $0x3D80;
	s22 =	sadd.s32 $0x1C0, s0  }
0xc3: {  	[tilespmem:s24], [sflag:$0x3] =	stream.linear.gather [hbm4b:s22+s4], $0x80, $0x38;
	[tilespmem:$0x4800] =	vst v63  }
0xc4: {  	s9 =	simm.s32 $0x4180;
	s24 =	sadd.s32 $0x1E0, s0  }
0xc5: {  	[tilespmem:s9], [sflag:$0x3] =	stream.linear.gather [hbm4b:s24+s4], $0x80, $0x38;
	[tilespmem:$0x4800] =	vst v63  }
0xc6: {  	_ =	swait.ge [sflag:s5], $0x800  }
0xc7: {  	[sflag:s5] =	ssyncset.done $0x0  }
0xc8: {  	s9 =	simm.s32 $0x600;
	[sflag:s5] =	ssyncadd.s32 $0xFFFFF800  }
0xc9: {  	[tilespmem:s9], [sflag:$0x3] =	stream.linear.gather [hbm4b:s0+s4], $0x80, $0x38;
	[tilespmem:$0x4800] =	vst v63  }
0xca: {  	s9 =	simm.s32 $0xA00  }
0xcb: {  	[tilespmem:s9], [sflag:$0x3] =	stream.linear.gather [hbm4b:s7+s4], $0x80, $0x38;
	[tilespmem:$0x4800] =	vst v63  }
0xcc: {  	s9 =	simm.s32 $0xE00  }
0xcd: {  	[tilespmem:s9], [sflag:$0x3] =	stream.linear.gather [hbm4b:s29+s4], $0x80, $0x38;
	[tilespmem:$0x4800] =	vst v63  }
0xce: {  	s9 =	simm.s32 $0x1200  }
0xcf: {  	[tilespmem:s9], [sflag:$0x3] =	stream.linear.gather [hbm4b:s30+s4], $0x80, $0x38;
	[tilespmem:$0x4800] =	vst v63  }
0xd0: {  	s9 =	simm.s32 $0x1600  }
0xd1: {  	[tilespmem:s9], [sflag:$0x3] =	stream.linear.gather [hbm4b:s31+s4], $0x80, $0x38;
	[tilespmem:$0x4800] =	vst v63  }
0xd2: {  	s9 =	simm.s32 $0x1A00  }
0xd3: {  	[tilespmem:s9], [sflag:$0x3] =	stream.linear.gather [hbm4b:s1+s4], $0x80, $0x38;
	[tilespmem:$0x4800] =	vst v63  }
0xd4: {  	s9 =	simm.s32 $0x1E00  }
0xd5: {  	[tilespmem:s9], [sflag:$0x3] =	stream.linear.gather [hbm4b:s6+s4], $0x80, $0x38;
	[tilespmem:$0x4800] =	vst v63  }
0xd6: {  	s9 =	simm.s32 $0x2200  }
0xd7: {  	[tilespmem:s9], [sflag:$0x3] =	stream.linear.gather [hbm4b:s15+s4], $0x80, $0x38;
	[tilespmem:$0x4800] =	vst v63  }
0xd8: {  	s9 =	simm.s32 $0x2600  }
0xd9: {  	[tilespmem:s9], [sflag:$0x3] =	stream.linear.gather [hbm4b:s16+s4], $0x80, $0x38;
	[tilespmem:$0x4800] =	vst v63  }
0xda: {  	s9 =	simm.s32 $0x2A00  }
0xdb: {  	[tilespmem:s9], [sflag:$0x3] =	stream.linear.gather [hbm4b:s17+s4], $0x80, $0x38;
	[tilespmem:$0x4800] =	vst v63  }
0xdc: {  	s9 =	simm.s32 $0x2E00  }
0xdd: {  	[tilespmem:s9], [sflag:$0x3] =	stream.linear.gather [hbm4b:s18+s4], $0x80, $0x38;
	[tilespmem:$0x4800] =	vst v63  }
0xde: {  	s9 =	simm.s32 $0x3200  }
0xdf: {  	[tilespmem:s9], [sflag:$0x3] =	stream.linear.gather [hbm4b:s19+s4], $0x80, $0x38;
	[tilespmem:$0x4800] =	vst v63  }
0xe0: {  	s9 =	simm.s32 $0x3600  }
0xe1: {  	[tilespmem:s9], [sflag:$0x3] =	stream.linear.gather [hbm4b:s20+s4], $0x80, $0x38;
	[tilespmem:$0x4800] =	vst v63  }
0xe2: {  	s9 =	simm.s32 $0x3A00  }
0xe3: {  	[tilespmem:s9], [sflag:$0x3] =	stream.linear.gather [hbm4b:s21+s4], $0x80, $0x38;
	[tilespmem:$0x4800] =	vst v63  }
0xe4: {  	s9 =	simm.s32 $0x3E00  }
0xe5: {  	[tilespmem:s9], [sflag:$0x3] =	stream.linear.gather [hbm4b:s22+s4], $0x80, $0x38;
	[tilespmem:$0x4800] =	vst v63  }
0xe6: {  	s9 =	simm.s32 $0x4200  }
0xe7: {  	[tilespmem:s9], [sflag:$0x3] =	stream.linear.gather [hbm4b:s24+s4], $0x80, $0x38;
	[tilespmem:$0x4800] =	vst v63  }
0xe8: {  	_ =	swait.ge [sflag:s5], $0x800  }
0xe9: {  	[sflag:s5] =	ssyncset.done $0x0  }
0xea: {  	[sflag:s5] =	ssyncadd.s32 $0xFFFFF800  }
0xeb: {  	s8 =	simm.s32 $0x680;
	s9 =	rddreg [dreg:$0x1]  }
0xec: {  	[tilespmem:s8], [sflag:$0x3] =	stream.linear.gather [hbm4b:s9+s4], $0x80, $0x38;
	[tilespmem:$0x4800] =	vst v63  }
0xed: {  	s9 =	simm.s32 $0xA80  }
0xee: {  	[tilespmem:s9], [sflag:$0x3] =	stream.linear.gather [hbm4b:s26+s4], $0x80, $0x38;
	[tilespmem:$0x4800] =	vst v63  }
0xef: {  	s9 =	simm.s32 $0xE80;
	s26 =	rddreg [dreg:$0x18]  }
0xf0: {  	[tilespmem:s9], [sflag:$0x3] =	stream.linear.gather [hbm4b:s26+s4], $0x80, $0x38;
	[tilespmem:$0x4800] =	vst v63  }
0xf1: {  	s9 =	simm.s32 $0x1280;
	s26 =	rddreg [dreg:$0x1a]  }
0xf2: {  	[tilespmem:s9], [sflag:$0x3] =	stream.linear.gather [hbm4b:s26+s4], $0x80, $0x38;
	[tilespmem:$0x4800] =	vst v63  }
0xf3: {  	s9 =	simm.s32 $0x1680;
	s26 =	rddreg [dreg:$0x1c]  }
0xf4: {  	[tilespmem:s9], [sflag:$0x3] =	stream.linear.gather [hbm4b:s26+s4], $0x80, $0x38;
	[tilespmem:$0x4800] =	vst v63  }
0xf5: {  	s9 =	simm.s32 $0x1A80  }
0xf6: {  	[tilespmem:s9], [sflag:$0x3] =	stream.linear.gather [hbm4b:s10+s4], $0x80, $0x38;
	[tilespmem:$0x4800] =	vst v63  }
0xf7: {  	s10 =	simm.s32 $0x1E80  }
0xf8: {  	[tilespmem:s10], [sflag:$0x3] =	stream.linear.gather [hbm4b:s11+s4], $0x80, $0x38;
	[tilespmem:$0x4800] =	vst v63  }
0xf9: {  	s11 =	simm.s32 $0x2280  }
0xfa: {  	[tilespmem:s11], [sflag:$0x3] =	stream.linear.gather [hbm4b:s12+s4], $0x80, $0x38;
	[tilespmem:$0x4800] =	vst v63  }
0xfb: {  	s26 =	simm.s32 $0x2680  }
0xfc: {  	[tilespmem:s26], [sflag:$0x3] =	stream.linear.gather [hbm4b:s13+s4], $0x80, $0x38;
	[tilespmem:$0x4800] =	vst v63  }
0xfd: {  	s9 =	simm.s32 $0x2A80  }
0xfe: {  	[tilespmem:s9], [sflag:$0x3] =	stream.linear.gather [hbm4b:s14+s4], $0x80, $0x38;
	[tilespmem:$0x4800] =	vst v63  }
0xff: {  	s10 =	simm.s32 $0x2E80;
	s12 =	sld [smem:$0x7F9]  }
0x100: {  	[tilespmem:s10], [sflag:$0x3] =	stream.linear.gather [hbm4b:s28+s4], $0x80, $0x38;
	[tilespmem:$0x4800] =	vst v63  }
0x101: {  	s11 =	simm.s32 $0x3280;
	s14 =	sld [smem:$0x7FA]  }
0x102: {  	[tilespmem:s11], [sflag:$0x3] =	stream.linear.gather [hbm4b:s12+s4], $0x80, $0x38;
	[tilespmem:$0x4800] =	vst v63  }
0x103: {  	s13 =	simm.s32 $0x3680;
	s28 =	sld [smem:$0x7FB]  }
0x104: {  	[tilespmem:s13], [sflag:$0x3] =	stream.linear.gather [hbm4b:s14+s4], $0x80, $0x38;
	[tilespmem:$0x4800] =	vst v63  }
0x105: {  	s26 =	simm.s32 $0x3A80;
	s11 =	sld [smem:$0x7FC]  }
0x106: {  	[tilespmem:s26], [sflag:$0x3] =	stream.linear.gather [hbm4b:s28+s4], $0x80, $0x38;
	[tilespmem:$0x4800] =	vst v63  }
0x107: {  	s10 =	simm.s32 $0x3E80;
	s13 =	sld [smem:$0x7FD]  }
0x108: {  	[tilespmem:s10], [sflag:$0x3] =	stream.linear.gather [hbm4b:s11+s4], $0x80, $0x38;
	[tilespmem:$0x4800] =	vst v63  }
0x109: {  	s12 =	simm.s32 $0x4280  }
0x10a: {  	[tilespmem:s12], [sflag:$0x3] =	stream.linear.gather [hbm4b:s13+s4], $0x80, $0x38;
	[tilespmem:$0x4800] =	vst v63  }
0x10b: {  	_ =	swait.ge [sflag:s5], $0x800  }
0x10c: {  	[sflag:s5] =	ssyncset.done $0x0  }
0x10d: {  	s14 =	simm.s32 $0x700;
	[sflag:s5] =	ssyncadd.s32 $0xFFFFF800  }
0x10e: {  	[tilespmem:s14], [sflag:$0x3] =	stream.linear.gather [hbm4b:s0+s4], $0x80, $0x38;
	[tilespmem:$0x4800] =	vst v63  }
0x10f: {  	s26 =	simm.s32 $0xB00  }
0x110: {  	[tilespmem:s26], [sflag:$0x3] =	stream.linear.gather [hbm4b:s7+s4], $0x80, $0x38;
	[tilespmem:$0x4800] =	vst v63  }
0x111: {  	s28 =	simm.s32 $0xF00  }
0x112: {  	[tilespmem:s28], [sflag:$0x3] =	stream.linear.gather [hbm4b:s29+s4], $0x80, $0x38;
	[tilespmem:$0x4800] =	vst v63  }
0x113: {  	s9 =	simm.s32 $0x1300  }
0x114: {  	[tilespmem:s9], [sflag:$0x3] =	stream.linear.gather [hbm4b:s30+s4], $0x80, $0x38;
	[tilespmem:$0x4800] =	vst v63  }
0x115: {  	s10 =	simm.s32 $0x1700  }
0x116: {  	[tilespmem:s10], [sflag:$0x3] =	stream.linear.gather [hbm4b:s31+s4], $0x80, $0x38;
	[tilespmem:$0x4800] =	vst v63  }
0x117: {  	s11 =	simm.s32 $0x1B00  }
0x118: {  	[tilespmem:s11], [sflag:$0x3] =	stream.linear.gather [hbm4b:s1+s4], $0x80, $0x38;
	[tilespmem:$0x4800] =	vst v63  }
0x119: {  	s12 =	simm.s32 $0x1F00  }
0x11a: {  	[tilespmem:s12], [sflag:$0x3] =	stream.linear.gather [hbm4b:s6+s4], $0x80, $0x38;
	[tilespmem:$0x4800] =	vst v63  }
0x11b: {  	s13 =	simm.s32 $0x2300  }
0x11c: {  	[tilespmem:s13], [sflag:$0x3] =	stream.linear.gather [hbm4b:s15+s4], $0x80, $0x38;
	[tilespmem:$0x4800] =	vst v63  }
0x11d: {  	s14 =	simm.s32 $0x2700  }
0x11e: {  	[tilespmem:s14], [sflag:$0x3] =	stream.linear.gather [hbm4b:s16+s4], $0x80, $0x38;
	[tilespmem:$0x4800] =	vst v63  }
0x11f: {  	s26 =	simm.s32 $0x2B00  }
0x120: {  	[tilespmem:s26], [sflag:$0x3] =	stream.linear.gather [hbm4b:s17+s4], $0x80, $0x38;
	[tilespmem:$0x4800] =	vst v63  }
0x121: {  	s28 =	simm.s32 $0x2F00  }
0x122: {  	[tilespmem:s28], [sflag:$0x3] =	stream.linear.gather [hbm4b:s18+s4], $0x80, $0x38;
	[tilespmem:$0x4800] =	vst v63  }
0x123: {  	s9 =	simm.s32 $0x3300  }
0x124: {  	[tilespmem:s9], [sflag:$0x3] =	stream.linear.gather [hbm4b:s19+s4], $0x80, $0x38;
	[tilespmem:$0x4800] =	vst v63  }
0x125: {  	s10 =	simm.s32 $0x3700  }
0x126: {  	[tilespmem:s10], [sflag:$0x3] =	stream.linear.gather [hbm4b:s20+s4], $0x80, $0x38;
	[tilespmem:$0x4800] =	vst v63  }
0x127: {  	s11 =	simm.s32 $0x3B00  }
0x128: {  	[tilespmem:s11], [sflag:$0x3] =	stream.linear.gather [hbm4b:s21+s4], $0x80, $0x38;
	[tilespmem:$0x4800] =	vst v63  }
0x129: {  	s12 =	simm.s32 $0x3F00  }
0x12a: {  	[tilespmem:s12], [sflag:$0x3] =	stream.linear.gather [hbm4b:s22+s4], $0x80, $0x38;
	[tilespmem:$0x4800] =	vst v63  }
0x12b: {  	s13 =	simm.s32 $0x4300  }
0x12c: {  	[tilespmem:s13], [sflag:$0x3] =	stream.linear.gather [hbm4b:s24+s4], $0x80, $0x38;
	[tilespmem:$0x4800] =	vst v63  }
0x12d: {  	_ =	swait.ge [sflag:s5], $0x800  }
0x12e: {  	[sflag:s5] =	ssyncset.done $0x0  }
0x12f: {  	s14 =	simm.s32 $0x780;
	[sflag:s5] =	ssyncadd.s32 $0xFFFFF800  }
0x130: {  	[tilespmem:s14], [sflag:$0x3] =	stream.linear.gather [hbm4b:s0+s4], $0x80, $0x38;
	[tilespmem:$0x4800] =	vst v63  }
0x131: {  	s26 =	simm.s32 $0xB80  }
0x132: {  	[tilespmem:s26], [sflag:$0x3] =	stream.linear.gather [hbm4b:s7+s4], $0x80, $0x38;
	[tilespmem:$0x4800] =	vst v63  }
0x133: {  	s28 =	simm.s32 $0xF80  }
0x134: {  	[tilespmem:s28], [sflag:$0x3] =	stream.linear.gather [hbm4b:s29+s4], $0x80, $0x38;
	[tilespmem:$0x4800] =	vst v63  }
0x135: {  	s7 =	simm.s32 $0x1380  }
0x136: {  	[tilespmem:s7], [sflag:$0x3] =	stream.linear.gather [hbm4b:s30+s4], $0x80, $0x38;
	[tilespmem:$0x4800] =	vst v63  }
0x137: {  	s8 =	simm.s32 $0x1780  }
0x138: {  	[tilespmem:s8], [sflag:$0x3] =	stream.linear.gather [hbm4b:s31+s4], $0x80, $0x38;
	[tilespmem:$0x4800] =	vst v63  }
0x139: {  	s9 =	simm.s32 $0x1B80  }
0x13a: {  	[tilespmem:s9], [sflag:$0x3] =	stream.linear.gather [hbm4b:s1+s4], $0x80, $0x38;
	[tilespmem:$0x4800] =	vst v63  }
0x13b: {  	s10 =	simm.s32 $0x1F80  }
0x13c: {  	[tilespmem:s10], [sflag:$0x3] =	stream.linear.gather [hbm4b:s6+s4], $0x80, $0x38;
	[tilespmem:$0x4800] =	vst v63  }
0x13d: {  	s11 =	simm.s32 $0x2380  }
0x13e: {  	[tilespmem:s11], [sflag:$0x3] =	stream.linear.gather [hbm4b:s15+s4], $0x80, $0x38;
	[tilespmem:$0x4800] =	vst v63  }
0x13f: {  	s12 =	simm.s32 $0x2780  }
0x140: {  	[tilespmem:s12], [sflag:$0x3] =	stream.linear.gather [hbm4b:s16+s4], $0x80, $0x38;
	[tilespmem:$0x4800] =	vst v63  }
0x141: {  	s13 =	simm.s32 $0x2B80  }
0x142: {  	[tilespmem:s13], [sflag:$0x3] =	stream.linear.gather [hbm4b:s17+s4], $0x80, $0x38;
	[tilespmem:$0x4800] =	vst v63  }
0x143: {  	s14 =	simm.s32 $0x2F80  }
0x144: {  	[tilespmem:s14], [sflag:$0x3] =	stream.linear.gather [hbm4b:s18+s4], $0x80, $0x38;
	[tilespmem:$0x4800] =	vst v63  }
0x145: {  	s15 =	simm.s32 $0x3380  }
0x146: {  	[tilespmem:s15], [sflag:$0x3] =	stream.linear.gather [hbm4b:s19+s4], $0x80, $0x38;
	[tilespmem:$0x4800] =	vst v63  }
0x147: {  	s16 =	simm.s32 $0x3780  }
0x148: {  	[tilespmem:s16], [sflag:$0x3] =	stream.linear.gather [hbm4b:s20+s4], $0x80, $0x38;
	[tilespmem:$0x4800] =	vst v63  }
0x149: {  	s17 =	simm.s32 $0x3B80  }
0x14a: {  	[tilespmem:s17], [sflag:$0x3] =	stream.linear.gather [hbm4b:s21+s4], $0x80, $0x38;
	[tilespmem:$0x4800] =	vst v63  }
0x14b: {  	s6 =	simm.s32 @!p0 $0x1;
	s18 =	simm.s32 $0x3F80  }
0x14c: {  	[tilespmem:s18], [sflag:$0x3] =	stream.linear.gather [hbm4b:s22+s4], $0x80, $0x38;
	[tilespmem:$0x4800] =	vst v63  }
0x14d: {  	s19 =	simm.s32 $0x4380;
	s15 =	simm.s32 @!p0 $0x80;
	s17 =	stileid.u32  }
0x14e: {  	[tilespmem:s19], [sflag:$0x3] =	stream.linear.gather [hbm4b:s24+s4], $0x80, $0x38;
	[tilespmem:$0x4800] =	vst v63  }
0x14f: {  	s16 =	simm.s32 @!p0 $0x20;
	s0 =	sshll.u32 @!p0 s17, $0x6;
	_ =	swait.ge [sflag:s5], $0x800  }
0x150: {  	s0 =	sor.u32 @!p0 $0x1C03, s0;
	[sflag:s5] =	ssyncset.done $0x0;
	s1 =	rddreg [dreg:$0x13]  }
0x151: {  	[sflag:s5] =	ssyncadd.s32 $0xFFFFF800;
	s5 =	sshrl.u32 @!p0 s1, $0x3;
	s1 =	rddreg [dreg:$0xa]  }
0x152: {  	[spmem:s5@s15], [sflag:s0] =	dma.strided @!p0 [hbm:s1@s16], $0x100, s6, $0x10   }
0x153: {  	s5 =	simm.s32 @!p0 $0x3  }
0x154: {  	_ =	swait.ge @!p0 [sflag:s5], $0x100  }
0x155: {  	[sflag:s5] =	ssyncset.done @!p0 $0x0;
	s1 =	rddreg [dreg:$0x14]  }
0x156: {  	s18 =	rddreg [dreg:$0x16];
	[sflag:s5] =	ssyncadd.s32 @!p0 $0xFFFFFF00  }
0x157: {  	[spmem:s18@s15], [sflag:s0] =	dma.strided @!p0 [hbm:s1@s16], $0x100, s6, $0x10   }
0x158: {  	_ =	swait.ge @!p0 [sflag:s5], $0x100  }
0x159: {  	[sflag:s5] =	ssyncset.done @!p0 $0x0  }
0x15a: {  	[sflag:s5] =	ssyncadd.s32 @!p0 $0xFFFFFF00  }
0x15b: {  	[bflag:$0x0] =	sbarrier.arrive $0xFFFF  }
0x15c: {  	v1 =	vld [tilespmem:$0x0];
	_ =	sdelay $0x4  }
0x15d: {  	v1 =	vshll.u32 v1, v0  }
0x15e: {  	v2 =	vnsel vm0, $0x0, v1  }
0x15f: {  	(xrf0) =	vadd.scan.msk.s32 $0xffff, v2;
	_ =	sdelay $0x5  }
0x160: {  	v2, _, _ =	vpop (xrf0)  }
0x161: {  	(v2sf) =	vpush v2, $0xF;
	_ =	sdelay $0xe  }
0x162: {  	s20 =	spop (v2sf)  }
0x163: {  	s21 =	sshll.u32 s20, $0x8;
	s0 =	sshll.u32 s20, $0xC  }
0x164: {  	s5 =	sand.u32 $0x300, s21;
	s0 =	sand.u32 $0xFFFFC000, s0  }
0x165: {  	s0 =	sor.u32 s5, s0  }
0x166: {  	s1 =	rddreg [dreg:$0x19];
	s5 =	sor.u32 $0x400, s0  }
0x167: {  	[hbm4b:s1+s4] =	stream.linear.scatter [tilespmem:s5], [sflag:$0x1], $0x100, $0x38;
	[tilespmem:$0x4800] =	vst v63  }
0x168: {  	s24 =	sadd.s32 $0x80, s1;
	s22 =	sor.u32 $0x800, s0  }
0x169: {  	[hbm4b:s24+s4] =	stream.linear.scatter [tilespmem:s22], [sflag:$0x1], $0x100, $0x38;
	[tilespmem:$0x4800] =	vst v63  }
0x16a: {  	s28 =	sadd.s32 $0x100, s1;
	s26 =	sor.u32 $0xC00, s0  }
0x16b: {  	[hbm4b:s28+s4] =	stream.linear.scatter [tilespmem:s26], [sflag:$0x1], $0x100, $0x38;
	[tilespmem:$0x4800] =	vst v63  }
0x16c: {  	s8 =	sadd.s32 $0x180, s1;
	s7 =	sor.u32 $0x1000, s0  }
0x16d: {  	v2 =	vsel vm1, $0x0, v1;
	[hbm4b:s8+s4] =	stream.linear.scatter [tilespmem:s7], [sflag:$0x1], $0x100, $0x38;
	[tilespmem:$0x4800] =	vst v63  }
0x16e: {  	s10 =	sadd.s32 $0x200, s1;
	(xrf0) =	vadd.scan.msk.s32 $0xffff, v2;
	s9 =	sor.u32 $0x1400, s0  }
0x16f: {  	[hbm4b:s10+s4] =	stream.linear.scatter [tilespmem:s9], [sflag:$0x1], $0x100, $0x38;
	[tilespmem:$0x4800] =	vst v63  }
0x170: {  	s12 =	sadd.s32 $0x280, s1;
	s11 =	sor.u32 $0x1800, s0  }
0x171: {  	[hbm4b:s12+s4] =	stream.linear.scatter [tilespmem:s11], [sflag:$0x1], $0x100, $0x38;
	[tilespmem:$0x4800] =	vst v63  }
0x172: {  	s14 =	sadd.s32 $0x300, s1;
	s13 =	sor.u32 $0x1C00, s0  }
0x173: {  	[hbm4b:s14+s4] =	stream.linear.scatter [tilespmem:s13], [sflag:$0x1], $0x100, $0x38;
	[tilespmem:$0x4800] =	vst v63  }
0x174: {  	s16 =	sadd.s32 $0x380, s1;
	v2, _, _ =	vpop (xrf0);
	s15 =	sor.u32 $0x2000, s0  }
0x175: {  	(v2sf) =	vpush v2, $0xF;
	[hbm4b:s16+s4] =	stream.linear.scatter [tilespmem:s15], [sflag:$0x1], $0x100, $0x38;
	[tilespmem:$0x4800] =	vst v63  }
0x176: {  	s19 =	sadd.s32 $0x400, s1;
	s18 =	sor.u32 $0x2400, s0  }
0x177: {  	[hbm4b:s19+s4] =	stream.linear.scatter [tilespmem:s18], [sflag:$0x1], $0x100, $0x38;
	[tilespmem:$0x4800] =	vst v63  }
0x178: {  	s21 =	sadd.s32 $0x480, s1;
	s20 =	sor.u32 $0x2800, s0  }
0x179: {  	[hbm4b:s21+s4] =	stream.linear.scatter [tilespmem:s20], [sflag:$0x1], $0x100, $0x38;
	[tilespmem:$0x4800] =	vst v63  }
0x17a: {  	s22 =	sor.u32 $0x2C00, s0;
	s24 =	sadd.s32 $0x500, s1  }
0x17b: {  	[hbm4b:s24+s4] =	stream.linear.scatter [tilespmem:s22], [sflag:$0x1], $0x100, $0x38;
	[tilespmem:$0x4800] =	vst v63  }
0x17c: {  	s26 =	sor.u32 $0x3000, s0;
	s28 =	sadd.s32 $0x580, s1  }
0x17d: {  	[hbm4b:s28+s4] =	stream.linear.scatter [tilespmem:s26], [sflag:$0x1], $0x100, $0x38;
	[tilespmem:$0x4800] =	vst v63  }
0x17e: {  	s6 =	sor.u32 $0x3400, s0;
	s7 =	sadd.s32 $0x600, s1  }
0x17f: {  	[hbm4b:s7+s4] =	stream.linear.scatter [tilespmem:s6], [sflag:$0x1], $0x100, $0x38;
	[tilespmem:$0x4800] =	vst v63  }
0x180: {  	s8 =	sor.u32 $0x3800, s0;
	s9 =	sadd.s32 $0x680, s1  }
0x181: {  	[hbm4b:s9+s4] =	stream.linear.scatter [tilespmem:s8], [sflag:$0x1], $0x100, $0x38;
	[tilespmem:$0x4800] =	vst v63  }
0x182: {  	s10 =	sor.u32 $0x3C00, s0;
	s11 =	sadd.s32 $0x700, s1  }
0x183: {  	[hbm4b:s11+s4] =	stream.linear.scatter [tilespmem:s10], [sflag:$0x1], $0x100, $0x38;
	[tilespmem:$0x4800] =	vst v63  }
0x184: {  	s0 =	sadd.s32 $0x4000, s0;
	s12 =	sadd.s32 $0x780, s1;
	s13 =	spop (v2sf)  }
0x185: {  	[hbm4b:s12+s4] =	stream.linear.scatter [tilespmem:s0], [sflag:$0x1], $0x100, $0x38;
	[tilespmem:$0x4800] =	vst v63  }
0x186: {  	s14 =	sshll.u32 s13, $0x8;
	s0 =	sshll.u32 s13, $0xC  }
0x187: {  	s5 =	sand.u32 $0x300, s14;
	s0 =	sand.u32 $0xFFFFC000, s0  }
0x188: {  	s0 =	sor.u32 s5, s0  }
0x189: {  	s1 =	rddreg [dreg:$0x1b];
	s5 =	sor.u32 $0x400, s0  }
0x18a: {  	[hbm4b:s1+s4] =	stream.linear.scatter [tilespmem:s5], [sflag:$0x1], $0x100, $0x38;
	[tilespmem:$0x4800] =	vst v63  }
0x18b: {  	s16 =	sadd.s32 $0x80, s1;
	s15 =	sor.u32 $0x800, s0  }
0x18c: {  	[hbm4b:s16+s4] =	stream.linear.scatter [tilespmem:s15], [sflag:$0x1], $0x100, $0x38;
	[tilespmem:$0x4800] =	vst v63  }
0x18d: {  	s19 =	sadd.s32 $0x100, s1;
	s18 =	sor.u32 $0xC00, s0  }
0x18e: {  	[hbm4b:s19+s4] =	stream.linear.scatter [tilespmem:s18], [sflag:$0x1], $0x100, $0x38;
	[tilespmem:$0x4800] =	vst v63  }
0x18f: {  	s21 =	sadd.s32 $0x180, s1;
	s20 =	sor.u32 $0x1000, s0  }
0x190: {  	v2 =	vsel vm2, $0x0, v1;
	[hbm4b:s21+s4] =	stream.linear.scatter [tilespmem:s20], [sflag:$0x1], $0x100, $0x38;
	[tilespmem:$0x4800] =	vst v63  }
0x191: {  	(xrf0) =	vadd.scan.msk.s32 $0xffff, v2;
	s24 =	sadd.s32 $0x200, s1;
	s22 =	sor.u32 $0x1400, s0  }
0x192: {  	[hbm4b:s24+s4] =	stream.linear.scatter [tilespmem:s22], [sflag:$0x1], $0x100, $0x38;
	[tilespmem:$0x4800] =	vst v63  }
0x193: {  	s28 =	sadd.s32 $0x280, s1;
	s26 =	sor.u32 $0x1800, s0  }
0x194: {  	[hbm4b:s28+s4] =	stream.linear.scatter [tilespmem:s26], [sflag:$0x1], $0x100, $0x38;
	[tilespmem:$0x4800] =	vst v63  }
0x195: {  	s8 =	sadd.s32 $0x300, s1;
	s7 =	sor.u32 $0x1C00, s0  }
0x196: {  	[hbm4b:s8+s4] =	stream.linear.scatter [tilespmem:s7], [sflag:$0x1], $0x100, $0x38;
	[tilespmem:$0x4800] =	vst v63  }
0x197: {  	v2, _, _ =	vpop (xrf0);
	s10 =	sadd.s32 $0x380, s1;
	s9 =	sor.u32 $0x2000, s0  }
0x198: {  	(v2sf) =	vpush v2, $0xF;
	[hbm4b:s10+s4] =	stream.linear.scatter [tilespmem:s9], [sflag:$0x1], $0x100, $0x38;
	[tilespmem:$0x4800] =	vst v63  }
0x199: {  	s12 =	sadd.s32 $0x400, s1;
	s11 =	sor.u32 $0x2400, s0  }
0x19a: {  	[hbm4b:s12+s4] =	stream.linear.scatter [tilespmem:s11], [sflag:$0x1], $0x100, $0x38;
	[tilespmem:$0x4800] =	vst v63  }
0x19b: {  	s14 =	sadd.s32 $0x480, s1;
	s13 =	sor.u32 $0x2800, s0  }
0x19c: {  	[hbm4b:s14+s4] =	stream.linear.scatter [tilespmem:s13], [sflag:$0x1], $0x100, $0x38;
	[tilespmem:$0x4800] =	vst v63  }
0x19d: {  	s15 =	sor.u32 $0x2C00, s0;
	s16 =	sadd.s32 $0x500, s1  }
0x19e: {  	[hbm4b:s16+s4] =	stream.linear.scatter [tilespmem:s15], [sflag:$0x1], $0x100, $0x38;
	[tilespmem:$0x4800] =	vst v63  }
0x19f: {  	s18 =	sor.u32 $0x3000, s0;
	s19 =	sadd.s32 $0x580, s1  }
0x1a0: {  	[hbm4b:s19+s4] =	stream.linear.scatter [tilespmem:s18], [sflag:$0x1], $0x100, $0x38;
	[tilespmem:$0x4800] =	vst v63  }
0x1a1: {  	s20 =	sor.u32 $0x3400, s0;
	s21 =	sadd.s32 $0x600, s1  }
0x1a2: {  	[hbm4b:s21+s4] =	stream.linear.scatter [tilespmem:s20], [sflag:$0x1], $0x100, $0x38;
	[tilespmem:$0x4800] =	vst v63  }
0x1a3: {  	s22 =	sor.u32 $0x3800, s0;
	s24 =	sadd.s32 $0x680, s1  }
0x1a4: {  	[hbm4b:s24+s4] =	stream.linear.scatter [tilespmem:s22], [sflag:$0x1], $0x100, $0x38;
	[tilespmem:$0x4800] =	vst v63  }
0x1a5: {  	s26 =	sor.u32 $0x3C00, s0;
	s28 =	sadd.s32 $0x700, s1  }
0x1a6: {  	[hbm4b:s28+s4] =	stream.linear.scatter [tilespmem:s26], [sflag:$0x1], $0x100, $0x38;
	[tilespmem:$0x4800] =	vst v63  }
0x1a7: {  	s6 =	sadd.s32 $0x780, s1;
	s0 =	sadd.s32 $0x4000, s0;
	s7 =	spop (v2sf)  }
0x1a8: {  	[hbm4b:s6+s4] =	stream.linear.scatter [tilespmem:s0], [sflag:$0x1], $0x100, $0x38;
	[tilespmem:$0x4800] =	vst v63  }
0x1a9: {  	s8 =	sshll.u32 s7, $0x8;
	s0 =	sshll.u32 s7, $0xC  }
0x1aa: {  	s5 =	sand.u32 $0x300, s8;
	s0 =	sand.u32 $0xFFFFC000, s0  }
0x1ab: {  	s0 =	sor.u32 s5, s0  }
0x1ac: {  	s1 =	rddreg [dreg:$0x1d];
	s5 =	sor.u32 $0x400, s0  }
0x1ad: {  	[hbm4b:s1+s4] =	stream.linear.scatter [tilespmem:s5], [sflag:$0x1], $0x100, $0x38;
	[tilespmem:$0x4800] =	vst v63  }
0x1ae: {  	s10 =	sadd.s32 $0x80, s1;
	s9 =	sor.u32 $0x800, s0  }
0x1af: {  	[hbm4b:s10+s4] =	stream.linear.scatter [tilespmem:s9], [sflag:$0x1], $0x100, $0x38;
	[tilespmem:$0x4800] =	vst v63  }
0x1b0: {  	s12 =	sadd.s32 $0x100, s1;
	s11 =	sor.u32 $0xC00, s0  }
0x1b1: {  	[hbm4b:s12+s4] =	stream.linear.scatter [tilespmem:s11], [sflag:$0x1], $0x100, $0x38;
	[tilespmem:$0x4800] =	vst v63  }
0x1b2: {  	s14 =	sadd.s32 $0x180, s1;
	s13 =	sor.u32 $0x1000, s0  }
0x1b3: {  	v2 =	vsel vm3, $0x0, v1;
	[hbm4b:s14+s4] =	stream.linear.scatter [tilespmem:s13], [sflag:$0x1], $0x100, $0x38;
	[tilespmem:$0x4800] =	vst v63  }
0x1b4: {  	(xrf0) =	vadd.scan.msk.s32 $0xffff, v2;
	s16 =	sadd.s32 $0x200, s1;
	s15 =	sor.u32 $0x1400, s0  }
0x1b5: {  	[hbm4b:s16+s4] =	stream.linear.scatter [tilespmem:s15], [sflag:$0x1], $0x100, $0x38;
	[tilespmem:$0x4800] =	vst v63  }
0x1b6: {  	s19 =	sadd.s32 $0x280, s1;
	s18 =	sor.u32 $0x1800, s0  }
0x1b7: {  	[hbm4b:s19+s4] =	stream.linear.scatter [tilespmem:s18], [sflag:$0x1], $0x100, $0x38;
	[tilespmem:$0x4800] =	vst v63  }
0x1b8: {  	s21 =	sadd.s32 $0x300, s1;
	s20 =	sor.u32 $0x1C00, s0  }
0x1b9: {  	[hbm4b:s21+s4] =	stream.linear.scatter [tilespmem:s20], [sflag:$0x1], $0x100, $0x38;
	[tilespmem:$0x4800] =	vst v63  }
0x1ba: {  	v2, _, _ =	vpop (xrf0);
	s24 =	sadd.s32 $0x380, s1;
	s22 =	sor.u32 $0x2000, s0  }
0x1bb: {  	(v2sf) =	vpush v2, $0xF;
	[hbm4b:s24+s4] =	stream.linear.scatter [tilespmem:s22], [sflag:$0x1], $0x100, $0x38;
	[tilespmem:$0x4800] =	vst v63  }
0x1bc: {  	s28 =	sadd.s32 $0x400, s1;
	s26 =	sor.u32 $0x2400, s0  }
0x1bd: {  	[hbm4b:s28+s4] =	stream.linear.scatter [tilespmem:s26], [sflag:$0x1], $0x100, $0x38;
	[tilespmem:$0x4800] =	vst v63  }
0x1be: {  	s7 =	sadd.s32 $0x480, s1;
	s6 =	sor.u32 $0x2800, s0  }
0x1bf: {  	[hbm4b:s7+s4] =	stream.linear.scatter [tilespmem:s6], [sflag:$0x1], $0x100, $0x38;
	[tilespmem:$0x4800] =	vst v63  }
0x1c0: {  	s8 =	sor.u32 $0x2C00, s0;
	s9 =	sadd.s32 $0x500, s1  }
0x1c1: {  	[hbm4b:s9+s4] =	stream.linear.scatter [tilespmem:s8], [sflag:$0x1], $0x100, $0x38;
	[tilespmem:$0x4800] =	vst v63  }
0x1c2: {  	s10 =	sor.u32 $0x3000, s0;
	s11 =	sadd.s32 $0x580, s1  }
0x1c3: {  	[hbm4b:s11+s4] =	stream.linear.scatter [tilespmem:s10], [sflag:$0x1], $0x100, $0x38;
	[tilespmem:$0x4800] =	vst v63  }
0x1c4: {  	s12 =	sor.u32 $0x3400, s0;
	s13 =	sadd.s32 $0x600, s1  }
0x1c5: {  	[hbm4b:s13+s4] =	stream.linear.scatter [tilespmem:s12], [sflag:$0x1], $0x100, $0x38;
	[tilespmem:$0x4800] =	vst v63  }
0x1c6: {  	s14 =	sor.u32 $0x3800, s0;
	s15 =	sadd.s32 $0x680, s1  }
0x1c7: {  	[hbm4b:s15+s4] =	stream.linear.scatter [tilespmem:s14], [sflag:$0x1], $0x100, $0x38;
	[tilespmem:$0x4800] =	vst v63  }
0x1c8: {  	s16 =	sor.u32 $0x3C00, s0;
	s18 =	sadd.s32 $0x700, s1  }
0x1c9: {  	[hbm4b:s18+s4] =	stream.linear.scatter [tilespmem:s16], [sflag:$0x1], $0x100, $0x38;
	[tilespmem:$0x4800] =	vst v63  }
0x1ca: {  	s0 =	sadd.s32 $0x4000, s0;
	s19 =	sadd.s32 $0x780, s1;
	s20 =	spop (v2sf)  }
0x1cb: {  	[hbm4b:s19+s4] =	stream.linear.scatter [tilespmem:s0], [sflag:$0x1], $0x100, $0x38;
	[tilespmem:$0x4800] =	vst v63  }
0x1cc: {  	s21 =	sshll.u32 s20, $0x8;
	s0 =	sshll.u32 s20, $0xC  }
0x1cd: {  	s5 =	sand.u32 $0x300, s21;
	s0 =	sand.u32 $0xFFFFC000, s0  }
0x1ce: {  	s0 =	sor.u32 s5, s0  }
0x1cf: {  	s1 =	rddreg [dreg:$0x1f];
	s5 =	sor.u32 $0x400, s0  }
0x1d0: {  	[hbm4b:s1+s4] =	stream.linear.scatter [tilespmem:s5], [sflag:$0x1], $0x100, $0x38;
	[tilespmem:$0x4800] =	vst v63  }
0x1d1: {  	s24 =	sadd.s32 $0x80, s1;
	s22 =	sor.u32 $0x800, s0  }
0x1d2: {  	[hbm4b:s24+s4] =	stream.linear.scatter [tilespmem:s22], [sflag:$0x1], $0x100, $0x38;
	[tilespmem:$0x4800] =	vst v63  }
0x1d3: {  	s28 =	sadd.s32 $0x100, s1;
	s26 =	sor.u32 $0xC00, s0  }
0x1d4: {  	[hbm4b:s28+s4] =	stream.linear.scatter [tilespmem:s26], [sflag:$0x1], $0x100, $0x38;
	[tilespmem:$0x4800] =	vst v63  }
0x1d5: {  	s8 =	sadd.s32 $0x180, s1;
	s7 =	sor.u32 $0x1000, s0  }
0x1d6: {  	v2 =	vsel vm4, $0x0, v1;
	[hbm4b:s8+s4] =	stream.linear.scatter [tilespmem:s7], [sflag:$0x1], $0x100, $0x38;
	[tilespmem:$0x4800] =	vst v63  }
0x1d7: {  	(xrf0) =	vadd.scan.msk.s32 $0xffff, v2;
	s10 =	sadd.s32 $0x200, s1;
	s9 =	sor.u32 $0x1400, s0  }
0x1d8: {  	[hbm4b:s10+s4] =	stream.linear.scatter [tilespmem:s9], [sflag:$0x1], $0x100, $0x38;
	[tilespmem:$0x4800] =	vst v63  }
0x1d9: {  	s12 =	sadd.s32 $0x280, s1;
	s11 =	sor.u32 $0x1800, s0  }
0x1da: {  	[hbm4b:s12+s4] =	stream.linear.scatter [tilespmem:s11], [sflag:$0x1], $0x100, $0x38;
	[tilespmem:$0x4800] =	vst v63  }
0x1db: {  	s14 =	sadd.s32 $0x300, s1;
	s13 =	sor.u32 $0x1C00, s0  }
0x1dc: {  	[hbm4b:s14+s4] =	stream.linear.scatter [tilespmem:s13], [sflag:$0x1], $0x100, $0x38;
	[tilespmem:$0x4800] =	vst v63  }
0x1dd: {  	v2, _, _ =	vpop (xrf0);
	s16 =	sadd.s32 $0x380, s1;
	s15 =	sor.u32 $0x2000, s0  }
0x1de: {  	(v2sf) =	vpush v2, $0xF;
	[hbm4b:s16+s4] =	stream.linear.scatter [tilespmem:s15], [sflag:$0x1], $0x100, $0x38;
	[tilespmem:$0x4800] =	vst v63  }
0x1df: {  	s19 =	sadd.s32 $0x400, s1;
	s18 =	sor.u32 $0x2400, s0  }
0x1e0: {  	[hbm4b:s19+s4] =	stream.linear.scatter [tilespmem:s18], [sflag:$0x1], $0x100, $0x38;
	[tilespmem:$0x4800] =	vst v63  }
0x1e1: {  	s21 =	sadd.s32 $0x480, s1;
	s20 =	sor.u32 $0x2800, s0  }
0x1e2: {  	[hbm4b:s21+s4] =	stream.linear.scatter [tilespmem:s20], [sflag:$0x1], $0x100, $0x38;
	[tilespmem:$0x4800] =	vst v63  }
0x1e3: {  	s22 =	sor.u32 $0x2C00, s0;
	s24 =	sadd.s32 $0x500, s1  }
0x1e4: {  	[hbm4b:s24+s4] =	stream.linear.scatter [tilespmem:s22], [sflag:$0x1], $0x100, $0x38;
	[tilespmem:$0x4800] =	vst v63  }
0x1e5: {  	s26 =	sor.u32 $0x3000, s0;
	s28 =	sadd.s32 $0x580, s1  }
0x1e6: {  	[hbm4b:s28+s4] =	stream.linear.scatter [tilespmem:s26], [sflag:$0x1], $0x100, $0x38;
	[tilespmem:$0x4800] =	vst v63  }
0x1e7: {  	s6 =	sor.u32 $0x3400, s0;
	s7 =	sadd.s32 $0x600, s1  }
0x1e8: {  	[hbm4b:s7+s4] =	stream.linear.scatter [tilespmem:s6], [sflag:$0x1], $0x100, $0x38;
	[tilespmem:$0x4800] =	vst v63  }
0x1e9: {  	s8 =	sor.u32 $0x3800, s0;
	s9 =	sadd.s32 $0x680, s1  }
0x1ea: {  	[hbm4b:s9+s4] =	stream.linear.scatter [tilespmem:s8], [sflag:$0x1], $0x100, $0x38;
	[tilespmem:$0x4800] =	vst v63  }
0x1eb: {  	s10 =	sor.u32 $0x3C00, s0;
	s11 =	sadd.s32 $0x700, s1  }
0x1ec: {  	[hbm4b:s11+s4] =	stream.linear.scatter [tilespmem:s10], [sflag:$0x1], $0x100, $0x38;
	[tilespmem:$0x4800] =	vst v63  }
0x1ed: {  	s0 =	sadd.s32 $0x4000, s0;
	s12 =	sadd.s32 $0x780, s1;
	s13 =	spop (v2sf)  }
0x1ee: {  	[hbm4b:s12+s4] =	stream.linear.scatter [tilespmem:s0], [sflag:$0x1], $0x100, $0x38;
	[tilespmem:$0x4800] =	vst v63  }
0x1ef: {  	s14 =	sshll.u32 s13, $0x8;
	s0 =	sshll.u32 s13, $0xC  }
0x1f0: {  	s1 =	sld [smem:$0x7EF];
	s5 =	sand.u32 $0x300, s14;
	s0 =	sand.u32 $0xFFFFC000, s0  }
0x1f1: {  	s0 =	sor.u32 s5, s0  }
0x1f2: {  	s5 =	sor.u32 $0x400, s0  }
0x1f3: {  	[hbm4b:s1+s4] =	stream.linear.scatter [tilespmem:s5], [sflag:$0x1], $0x100, $0x38;
	[tilespmem:$0x4800] =	vst v63  }
0x1f4: {  	s16 =	sadd.s32 $0x80, s1;
	s15 =	sor.u32 $0x800, s0  }
0x1f5: {  	[hbm4b:s16+s4] =	stream.linear.scatter [tilespmem:s15], [sflag:$0x1], $0x100, $0x38;
	[tilespmem:$0x4800] =	vst v63  }
0x1f6: {  	s19 =	sadd.s32 $0x100, s1;
	s18 =	sor.u32 $0xC00, s0  }
0x1f7: {  	[hbm4b:s19+s4] =	stream.linear.scatter [tilespmem:s18], [sflag:$0x1], $0x100, $0x38;
	[tilespmem:$0x4800] =	vst v63  }
0x1f8: {  	s21 =	sadd.s32 $0x180, s1;
	s20 =	sor.u32 $0x1000, s0  }
0x1f9: {  	v2 =	vsel vm5, $0x0, v1;
	[hbm4b:s21+s4] =	stream.linear.scatter [tilespmem:s20], [sflag:$0x1], $0x100, $0x38;
	[tilespmem:$0x4800] =	vst v63  }
0x1fa: {  	(xrf0) =	vadd.scan.msk.s32 $0xffff, v2;
	s24 =	sadd.s32 $0x200, s1;
	s22 =	sor.u32 $0x1400, s0  }
0x1fb: {  	[hbm4b:s24+s4] =	stream.linear.scatter [tilespmem:s22], [sflag:$0x1], $0x100, $0x38;
	[tilespmem:$0x4800] =	vst v63  }
0x1fc: {  	s28 =	sadd.s32 $0x280, s1;
	s26 =	sor.u32 $0x1800, s0  }
0x1fd: {  	[hbm4b:s28+s4] =	stream.linear.scatter [tilespmem:s26], [sflag:$0x1], $0x100, $0x38;
	[tilespmem:$0x4800] =	vst v63  }
0x1fe: {  	s8 =	sadd.s32 $0x300, s1;
	s7 =	sor.u32 $0x1C00, s0  }
0x1ff: {  	[hbm4b:s8+s4] =	stream.linear.scatter [tilespmem:s7], [sflag:$0x1], $0x100, $0x38;
	[tilespmem:$0x4800] =	vst v63  }
0x200: {  	v2, _, _ =	vpop (xrf0);
	s10 =	sadd.s32 $0x380, s1;
	s9 =	sor.u32 $0x2000, s0  }
0x201: {  	(v2sf) =	vpush v2, $0xF;
	[hbm4b:s10+s4] =	stream.linear.scatter [tilespmem:s9], [sflag:$0x1], $0x100, $0x38;
	[tilespmem:$0x4800] =	vst v63  }
0x202: {  	s12 =	sadd.s32 $0x400, s1;
	s11 =	sor.u32 $0x2400, s0  }
0x203: {  	[hbm4b:s12+s4] =	stream.linear.scatter [tilespmem:s11], [sflag:$0x1], $0x100, $0x38;
	[tilespmem:$0x4800] =	vst v63  }
0x204: {  	s14 =	sadd.s32 $0x480, s1;
	s13 =	sor.u32 $0x2800, s0  }
0x205: {  	[hbm4b:s14+s4] =	stream.linear.scatter [tilespmem:s13], [sflag:$0x1], $0x100, $0x38;
	[tilespmem:$0x4800] =	vst v63  }
0x206: {  	s15 =	sor.u32 $0x2C00, s0;
	s16 =	sadd.s32 $0x500, s1  }
0x207: {  	[hbm4b:s16+s4] =	stream.linear.scatter [tilespmem:s15], [sflag:$0x1], $0x100, $0x38;
	[tilespmem:$0x4800] =	vst v63  }
0x208: {  	s18 =	sor.u32 $0x3000, s0;
	s19 =	sadd.s32 $0x580, s1  }
0x209: {  	[hbm4b:s19+s4] =	stream.linear.scatter [tilespmem:s18], [sflag:$0x1], $0x100, $0x38;
	[tilespmem:$0x4800] =	vst v63  }
0x20a: {  	s20 =	sor.u32 $0x3400, s0;
	s21 =	sadd.s32 $0x600, s1  }
0x20b: {  	[hbm4b:s21+s4] =	stream.linear.scatter [tilespmem:s20], [sflag:$0x1], $0x100, $0x38;
	[tilespmem:$0x4800] =	vst v63  }
0x20c: {  	s22 =	sor.u32 $0x3800, s0;
	s24 =	sadd.s32 $0x680, s1  }
0x20d: {  	[hbm4b:s24+s4] =	stream.linear.scatter [tilespmem:s22], [sflag:$0x1], $0x100, $0x38;
	[tilespmem:$0x4800] =	vst v63  }
0x20e: {  	s26 =	sor.u32 $0x3C00, s0;
	s28 =	sadd.s32 $0x700, s1  }
0x20f: {  	[hbm4b:s28+s4] =	stream.linear.scatter [tilespmem:s26], [sflag:$0x1], $0x100, $0x38;
	[tilespmem:$0x4800] =	vst v63  }
0x210: {  	s6 =	sadd.s32 $0x780, s1;
	s0 =	sadd.s32 $0x4000, s0;
	s7 =	spop (v2sf)  }
0x211: {  	[hbm4b:s6+s4] =	stream.linear.scatter [tilespmem:s0], [sflag:$0x1], $0x100, $0x38;
	[tilespmem:$0x4800] =	vst v63  }
0x212: {  	s8 =	sshll.u32 s7, $0x8;
	s0 =	sshll.u32 s7, $0xC  }
0x213: {  	s1 =	sld [smem:$0x7F0];
	s5 =	sand.u32 $0x300, s8;
	s0 =	sand.u32 $0xFFFFC000, s0  }
0x214: {  	s0 =	sor.u32 s5, s0  }
0x215: {  	s5 =	sor.u32 $0x400, s0  }
0x216: {  	[hbm4b:s1+s4] =	stream.linear.scatter [tilespmem:s5], [sflag:$0x1], $0x100, $0x38;
	[tilespmem:$0x4800] =	vst v63  }
0x217: {  	s10 =	sadd.s32 $0x80, s1;
	s9 =	sor.u32 $0x800, s0  }
0x218: {  	[hbm4b:s10+s4] =	stream.linear.scatter [tilespmem:s9], [sflag:$0x1], $0x100, $0x38;
	[tilespmem:$0x4800] =	vst v63  }
0x219: {  	s12 =	sadd.s32 $0x100, s1;
	s11 =	sor.u32 $0xC00, s0  }
0x21a: {  	[hbm4b:s12+s4] =	stream.linear.scatter [tilespmem:s11], [sflag:$0x1], $0x100, $0x38;
	[tilespmem:$0x4800] =	vst v63  }
0x21b: {  	s14 =	sadd.s32 $0x180, s1;
	s13 =	sor.u32 $0x1000, s0  }
0x21c: {  	v2 =	vsel vm6, $0x0, v1;
	[hbm4b:s14+s4] =	stream.linear.scatter [tilespmem:s13], [sflag:$0x1], $0x100, $0x38;
	[tilespmem:$0x4800] =	vst v63  }
0x21d: {  	(xrf0) =	vadd.scan.msk.s32 $0xffff, v2;
	s16 =	sadd.s32 $0x200, s1;
	s15 =	sor.u32 $0x1400, s0  }
0x21e: {  	[hbm4b:s16+s4] =	stream.linear.scatter [tilespmem:s15], [sflag:$0x1], $0x100, $0x38;
	[tilespmem:$0x4800] =	vst v63  }
0x21f: {  	s19 =	sadd.s32 $0x280, s1;
	s18 =	sor.u32 $0x1800, s0  }
0x220: {  	[hbm4b:s19+s4] =	stream.linear.scatter [tilespmem:s18], [sflag:$0x1], $0x100, $0x38;
	[tilespmem:$0x4800] =	vst v63  }
0x221: {  	s21 =	sadd.s32 $0x300, s1;
	s20 =	sor.u32 $0x1C00, s0  }
0x222: {  	[hbm4b:s21+s4] =	stream.linear.scatter [tilespmem:s20], [sflag:$0x1], $0x100, $0x38;
	[tilespmem:$0x4800] =	vst v63  }
0x223: {  	v2, _, _ =	vpop (xrf0);
	s24 =	sadd.s32 $0x380, s1;
	s22 =	sor.u32 $0x2000, s0  }
0x224: {  	(v2sf) =	vpush v2, $0xF;
	[hbm4b:s24+s4] =	stream.linear.scatter [tilespmem:s22], [sflag:$0x1], $0x100, $0x38;
	[tilespmem:$0x4800] =	vst v63  }
0x225: {  	s28 =	sadd.s32 $0x400, s1;
	s26 =	sor.u32 $0x2400, s0  }
0x226: {  	[hbm4b:s28+s4] =	stream.linear.scatter [tilespmem:s26], [sflag:$0x1], $0x100, $0x38;
	[tilespmem:$0x4800] =	vst v63  }
0x227: {  	s7 =	sadd.s32 $0x480, s1;
	s6 =	sor.u32 $0x2800, s0  }
0x228: {  	[hbm4b:s7+s4] =	stream.linear.scatter [tilespmem:s6], [sflag:$0x1], $0x100, $0x38;
	[tilespmem:$0x4800] =	vst v63  }
0x229: {  	s8 =	sor.u32 $0x2C00, s0;
	s9 =	sadd.s32 $0x500, s1  }
0x22a: {  	[hbm4b:s9+s4] =	stream.linear.scatter [tilespmem:s8], [sflag:$0x1], $0x100, $0x38;
	[tilespmem:$0x4800] =	vst v63  }
0x22b: {  	s10 =	sor.u32 $0x3000, s0;
	s11 =	sadd.s32 $0x580, s1  }
0x22c: {  	[hbm4b:s11+s4] =	stream.linear.scatter [tilespmem:s10], [sflag:$0x1], $0x100, $0x38;
	[tilespmem:$0x4800] =	vst v63  }
0x22d: {  	s12 =	sor.u32 $0x3400, s0;
	s13 =	sadd.s32 $0x600, s1  }
0x22e: {  	[hbm4b:s13+s4] =	stream.linear.scatter [tilespmem:s12], [sflag:$0x1], $0x100, $0x38;
	[tilespmem:$0x4800] =	vst v63  }
0x22f: {  	s14 =	sor.u32 $0x3800, s0;
	s15 =	sadd.s32 $0x680, s1  }
0x230: {  	[hbm4b:s15+s4] =	stream.linear.scatter [tilespmem:s14], [sflag:$0x1], $0x100, $0x38;
	[tilespmem:$0x4800] =	vst v63  }
0x231: {  	s16 =	sor.u32 $0x3C00, s0;
	s18 =	sadd.s32 $0x700, s1  }
0x232: {  	[hbm4b:s18+s4] =	stream.linear.scatter [tilespmem:s16], [sflag:$0x1], $0x100, $0x38;
	[tilespmem:$0x4800] =	vst v63  }
0x233: {  	s0 =	sadd.s32 $0x4000, s0;
	s19 =	sadd.s32 $0x780, s1;
	s20 =	spop (v2sf)  }
0x234: {  	[hbm4b:s19+s4] =	stream.linear.scatter [tilespmem:s0], [sflag:$0x1], $0x100, $0x38;
	[tilespmem:$0x4800] =	vst v63  }
0x235: {  	s21 =	sshll.u32 s20, $0x8;
	s0 =	sshll.u32 s20, $0xC  }
0x236: {  	s1 =	sld [smem:$0x7F1];
	s5 =	sand.u32 $0x300, s21;
	s0 =	sand.u32 $0xFFFFC000, s0  }
0x237: {  	s0 =	sor.u32 s5, s0  }
0x238: {  	s5 =	sor.u32 $0x400, s0  }
0x239: {  	[hbm4b:s1+s4] =	stream.linear.scatter [tilespmem:s5], [sflag:$0x1], $0x100, $0x38;
	[tilespmem:$0x4800] =	vst v63  }
0x23a: {  	s24 =	sadd.s32 $0x80, s1;
	s22 =	sor.u32 $0x800, s0  }
0x23b: {  	[hbm4b:s24+s4] =	stream.linear.scatter [tilespmem:s22], [sflag:$0x1], $0x100, $0x38;
	[tilespmem:$0x4800] =	vst v63  }
0x23c: {  	s28 =	sadd.s32 $0x100, s1;
	s26 =	sor.u32 $0xC00, s0  }
0x23d: {  	[hbm4b:s28+s4] =	stream.linear.scatter [tilespmem:s26], [sflag:$0x1], $0x100, $0x38;
	[tilespmem:$0x4800] =	vst v63  }
0x23e: {  	s8 =	sadd.s32 $0x180, s1;
	s7 =	sor.u32 $0x1000, s0  }
0x23f: {  	v1 =	vsel vm7, $0x0, v1;
	[hbm4b:s8+s4] =	stream.linear.scatter [tilespmem:s7], [sflag:$0x1], $0x100, $0x38;
	[tilespmem:$0x4800] =	vst v63  }
0x240: {  	(xrf0) =	vadd.scan.msk.s32 $0xffff, v1;
	s10 =	sadd.s32 $0x200, s1;
	s9 =	sor.u32 $0x1400, s0  }
0x241: {  	[hbm4b:s10+s4] =	stream.linear.scatter [tilespmem:s9], [sflag:$0x1], $0x100, $0x38;
	[tilespmem:$0x4800] =	vst v63  }
0x242: {  	s12 =	sadd.s32 $0x280, s1;
	s11 =	sor.u32 $0x1800, s0  }
0x243: {  	[hbm4b:s12+s4] =	stream.linear.scatter [tilespmem:s11], [sflag:$0x1], $0x100, $0x38;
	[tilespmem:$0x4800] =	vst v63  }
0x244: {  	s14 =	sadd.s32 $0x300, s1;
	s13 =	sor.u32 $0x1C00, s0  }
0x245: {  	[hbm4b:s14+s4] =	stream.linear.scatter [tilespmem:s13], [sflag:$0x1], $0x100, $0x38;
	[tilespmem:$0x4800] =	vst v63  }
0x246: {  	v1, _, _ =	vpop (xrf0);
	s16 =	sadd.s32 $0x380, s1;
	s15 =	sor.u32 $0x2000, s0  }
0x247: {  	(v2sf) =	vpush v1, $0xF;
	[hbm4b:s16+s4] =	stream.linear.scatter [tilespmem:s15], [sflag:$0x1], $0x100, $0x38;
	[tilespmem:$0x4800] =	vst v63  }
0x248: {  	s19 =	sadd.s32 $0x400, s1;
	s18 =	sor.u32 $0x2400, s0  }
0x249: {  	[hbm4b:s19+s4] =	stream.linear.scatter [tilespmem:s18], [sflag:$0x1], $0x100, $0x38;
	[tilespmem:$0x4800] =	vst v63  }
0x24a: {  	s21 =	sadd.s32 $0x480, s1;
	s20 =	sor.u32 $0x2800, s0  }
0x24b: {  	[hbm4b:s21+s4] =	stream.linear.scatter [tilespmem:s20], [sflag:$0x1], $0x100, $0x38;
	[tilespmem:$0x4800] =	vst v63  }
0x24c: {  	s22 =	sor.u32 $0x2C00, s0;
	s24 =	sadd.s32 $0x500, s1  }
0x24d: {  	[hbm4b:s24+s4] =	stream.linear.scatter [tilespmem:s22], [sflag:$0x1], $0x100, $0x38;
	[tilespmem:$0x4800] =	vst v63  }
0x24e: {  	s26 =	sor.u32 $0x3000, s0;
	s28 =	sadd.s32 $0x580, s1  }
0x24f: {  	[hbm4b:s28+s4] =	stream.linear.scatter [tilespmem:s26], [sflag:$0x1], $0x100, $0x38;
	[tilespmem:$0x4800] =	vst v63  }
0x250: {  	s6 =	sor.u32 $0x3400, s0;
	s7 =	sadd.s32 $0x600, s1  }
0x251: {  	[hbm4b:s7+s4] =	stream.linear.scatter [tilespmem:s6], [sflag:$0x1], $0x100, $0x38;
	[tilespmem:$0x4800] =	vst v63  }
0x252: {  	s8 =	sor.u32 $0x3800, s0;
	s9 =	sadd.s32 $0x680, s1  }
0x253: {  	[hbm4b:s9+s4] =	stream.linear.scatter [tilespmem:s8], [sflag:$0x1], $0x100, $0x38;
	[tilespmem:$0x4800] =	vst v63  }
0x254: {  	s10 =	sor.u32 $0x3C00, s0;
	s11 =	sadd.s32 $0x700, s1  }
0x255: {  	[hbm4b:s11+s4] =	stream.linear.scatter [tilespmem:s10], [sflag:$0x1], $0x100, $0x38;
	[tilespmem:$0x4800] =	vst v63  }
0x256: {  	s0 =	sadd.s32 $0x4000, s0;
	s12 =	sadd.s32 $0x780, s1;
	s13 =	spop (v2sf)  }
0x257: {  	[hbm4b:s12+s4] =	stream.linear.scatter [tilespmem:s0], [sflag:$0x1], $0x100, $0x38;
	[tilespmem:$0x4800] =	vst v63  }
0x258: {  	s14 =	sshll.u32 s13, $0x8;
	s0 =	sshll.u32 s13, $0xC  }
0x259: {  	s1 =	sld [smem:$0x7F2];
	s5 =	sand.u32 $0x300, s14;
	s0 =	sand.u32 $0xFFFFC000, s0  }
0x25a: {  	s0 =	sor.u32 s5, s0  }
0x25b: {  	s5 =	sor.u32 $0x400, s0  }
0x25c: {  	[hbm4b:s1+s4] =	stream.linear.scatter [tilespmem:s5], [sflag:$0x1], $0x100, $0x38;
	[tilespmem:$0x4800] =	vst v63  }
0x25d: {  	s16 =	sadd.s32 $0x80, s1;
	s15 =	sor.u32 $0x800, s0  }
0x25e: {  	[hbm4b:s16+s4] =	stream.linear.scatter [tilespmem:s15], [sflag:$0x1], $0x100, $0x38;
	[tilespmem:$0x4800] =	vst v63  }
0x25f: {  	s19 =	sadd.s32 $0x100, s1;
	s18 =	sor.u32 $0xC00, s0  }
0x260: {  	[hbm4b:s19+s4] =	stream.linear.scatter [tilespmem:s18], [sflag:$0x1], $0x100, $0x38;
	[tilespmem:$0x4800] =	vst v63  }
0x261: {  	s21 =	sadd.s32 $0x180, s1;
	s20 =	sor.u32 $0x1000, s0  }
0x262: {  	[hbm4b:s21+s4] =	stream.linear.scatter [tilespmem:s20], [sflag:$0x1], $0x100, $0x38;
	[tilespmem:$0x4800] =	vst v63  }
0x263: {  	s24 =	sadd.s32 $0x200, s1;
	s22 =	sor.u32 $0x1400, s0  }
0x264: {  	[hbm4b:s24+s4] =	stream.linear.scatter [tilespmem:s22], [sflag:$0x1], $0x100, $0x38;
	[tilespmem:$0x4800] =	vst v63  }
0x265: {  	s28 =	sadd.s32 $0x280, s1;
	s26 =	sor.u32 $0x1800, s0  }
0x266: {  	[hbm4b:s28+s4] =	stream.linear.scatter [tilespmem:s26], [sflag:$0x1], $0x100, $0x38;
	[tilespmem:$0x4800] =	vst v63  }
0x267: {  	s8 =	sadd.s32 $0x300, s1;
	s7 =	sor.u32 $0x1C00, s0  }
0x268: {  	[hbm4b:s8+s4] =	stream.linear.scatter [tilespmem:s7], [sflag:$0x1], $0x100, $0x38;
	[tilespmem:$0x4800] =	vst v63  }
0x269: {  	s10 =	sadd.s32 $0x380, s1;
	s9 =	sor.u32 $0x2000, s0  }
0x26a: {  	[hbm4b:s10+s4] =	stream.linear.scatter [tilespmem:s9], [sflag:$0x1], $0x100, $0x38;
	[tilespmem:$0x4800] =	vst v63  }
0x26b: {  	s12 =	sadd.s32 $0x400, s1;
	s11 =	sor.u32 $0x2400, s0  }
0x26c: {  	[hbm4b:s12+s4] =	stream.linear.scatter [tilespmem:s11], [sflag:$0x1], $0x100, $0x38;
	[tilespmem:$0x4800] =	vst v63  }
0x26d: {  	s14 =	sadd.s32 $0x480, s1;
	s13 =	sor.u32 $0x2800, s0  }
0x26e: {  	[hbm4b:s14+s4] =	stream.linear.scatter [tilespmem:s13], [sflag:$0x1], $0x100, $0x38;
	[tilespmem:$0x4800] =	vst v63  }
0x26f: {  	s15 =	sor.u32 $0x2C00, s0;
	s16 =	sadd.s32 $0x500, s1  }
0x270: {  	[hbm4b:s16+s4] =	stream.linear.scatter [tilespmem:s15], [sflag:$0x1], $0x100, $0x38;
	[tilespmem:$0x4800] =	vst v63  }
0x271: {  	s18 =	sor.u32 $0x3000, s0;
	s19 =	sadd.s32 $0x580, s1  }
0x272: {  	[hbm4b:s19+s4] =	stream.linear.scatter [tilespmem:s18], [sflag:$0x1], $0x100, $0x38;
	[tilespmem:$0x4800] =	vst v63  }
0x273: {  	s20 =	sor.u32 $0x3400, s0;
	s21 =	sadd.s32 $0x600, s1  }
0x274: {  	[hbm4b:s21+s4] =	stream.linear.scatter [tilespmem:s20], [sflag:$0x1], $0x100, $0x38;
	[tilespmem:$0x4800] =	vst v63  }
0x275: {  	s22 =	sor.u32 $0x3800, s0;
	s24 =	sadd.s32 $0x680, s1  }
0x276: {  	[hbm4b:s24+s4] =	stream.linear.scatter [tilespmem:s22], [sflag:$0x1], $0x100, $0x38;
	[tilespmem:$0x4800] =	vst v63  }
0x277: {  	s26 =	sor.u32 $0x3C00, s0;
	s28 =	sadd.s32 $0x700, s1  }
0x278: {  	[hbm4b:s28+s4] =	stream.linear.scatter [tilespmem:s26], [sflag:$0x1], $0x100, $0x38;
	[tilespmem:$0x4800] =	vst v63  }
0x279: {  	s0 =	sadd.s32 $0x4000, s0;
	s7 =	sadd.s32 $0x780, s1  }
0x27a: {  	[hbm4b:s7+s4] =	stream.linear.scatter [tilespmem:s0], [sflag:$0x1], $0x100, $0x38;
	[tilespmem:$0x4800] =	vst v63  }
0x27b: {  	v1 =	vld [tilespmem:$0x10];
	_ =	sdelay $0x4  }
0x27c: {  	v1 =	vshll.u32 v1, v0  }
0x27d: {  	v2 =	vnsel vm0, $0x0, v1  }
0x27e: {  	(xrf0) =	vadd.scan.msk.s32 $0xffff, v2;
	_ =	sdelay $0x5  }
0x27f: {  	v2, _, _ =	vpop (xrf0)  }
0x280: {  	(v2sf) =	vpush v2, $0xF;
	_ =	sdelay $0xe  }
0x281: {  	s8 =	spop (v2sf)  }
0x282: {  	s9 =	sshll.u32 s8, $0xC  }
0x283: {  	s0 =	sshll.u32 s8, $0x8;
	s5 =	sand.u32 $0xFFFFC000, s9  }
0x284: {  	s0 =	sand.u32 $0x300, s0;
	s5 =	sadd.s32 s5, s2  }
0x285: {  	s10 =	sshll.u32 s17, $0x6;
	s0 =	sadd.s32 s0, s5  }
0x286: {  	s29 =	sor.u32 $0x1C02, s10;
	s11 =	rddreg [dreg:$0xb];
	s0 =	sshrl.u32 s0, $0x3  }
0x287: {  	v2 =	vsel vm1, $0x0, v1;
	[hbm:s11@s25], [sflag:s29] =	dma.strided [spmem:s0@s25], $0x200, s23, $0x10   }
0x288: {  	(xrf0) =	vadd.scan.msk.s32 $0xffff, v2;
	_ =	sdelay $0x5  }
0x289: {  	v2, _, _ =	vpop (xrf0)  }
0x28a: {  	(v2sf) =	vpush v2, $0xF;
	_ =	sdelay $0xe  }
0x28b: {  	s0 =	spop (v2sf)  }
0x28c: {  	s12 =	sshll.u32 s0, $0xC  }
0x28d: {  	s0 =	sshll.u32 s0, $0x8;
	s5 =	sand.u32 $0xFFFFC000, s12  }
0x28e: {  	s0 =	sand.u32 $0x300, s0;
	s5 =	sadd.s32 s5, s2  }
0x28f: {  	s0 =	sadd.s32 s0, s5  }
0x290: {  	s13 =	rddreg [dreg:$0xc];
	s0 =	sshrl.u32 s0, $0x3  }
0x291: {  	v2 =	vsel vm2, $0x0, v1;
	[hbm:s13@s25], [sflag:s29] =	dma.strided [spmem:s0@s25], $0x200, s23, $0x10   }
0x292: {  	(xrf0) =	vadd.scan.msk.s32 $0xffff, v2;
	_ =	sdelay $0x5  }
0x293: {  	v2, _, _ =	vpop (xrf0)  }
0x294: {  	(v2sf) =	vpush v2, $0xF;
	_ =	sdelay $0xe  }
0x295: {  	s0 =	spop (v2sf)  }
0x296: {  	s14 =	sshll.u32 s0, $0xC  }
0x297: {  	s0 =	sshll.u32 s0, $0x8;
	s5 =	sand.u32 $0xFFFFC000, s14  }
0x298: {  	s0 =	sand.u32 $0x300, s0;
	s5 =	sadd.s32 s5, s2  }
0x299: {  	s0 =	sadd.s32 s0, s5  }
0x29a: {  	s15 =	rddreg [dreg:$0xd];
	s0 =	sshrl.u32 s0, $0x3  }
0x29b: {  	v2 =	vsel vm3, $0x0, v1;
	[hbm:s15@s25], [sflag:s29] =	dma.strided [spmem:s0@s25], $0x200, s23, $0x10   }
0x29c: {  	(xrf0) =	vadd.scan.msk.s32 $0xffff, v2;
	_ =	sdelay $0x5  }
0x29d: {  	v2, _, _ =	vpop (xrf0)  }
0x29e: {  	(v2sf) =	vpush v2, $0xF;
	_ =	sdelay $0xe  }
0x29f: {  	s0 =	spop (v2sf)  }
0x2a0: {  	s16 =	sshll.u32 s0, $0xC  }
0x2a1: {  	s0 =	sshll.u32 s0, $0x8;
	s5 =	sand.u32 $0xFFFFC000, s16  }
0x2a2: {  	s0 =	sand.u32 $0x300, s0;
	s5 =	sadd.s32 s5, s2  }
0x2a3: {  	s0 =	sadd.s32 s0, s5  }
0x2a4: {  	s17 =	rddreg [dreg:$0xe];
	s0 =	sshrl.u32 s0, $0x3  }
0x2a5: {  	v2 =	vsel vm4, $0x0, v1;
	[hbm:s17@s25], [sflag:s29] =	dma.strided [spmem:s0@s25], $0x200, s23, $0x10   }
0x2a6: {  	(xrf0) =	vadd.scan.msk.s32 $0xffff, v2;
	_ =	sdelay $0x5  }
0x2a7: {  	v2, _, _ =	vpop (xrf0)  }
0x2a8: {  	(v2sf) =	vpush v2, $0xF;
	_ =	sdelay $0xe  }
0x2a9: {  	s0 =	spop (v2sf)  }
0x2aa: {  	s18 =	sshll.u32 s0, $0xC  }
0x2ab: {  	s0 =	sshll.u32 s0, $0x8;
	s5 =	sand.u32 $0xFFFFC000, s18  }
0x2ac: {  	s0 =	sand.u32 $0x300, s0;
	s5 =	sadd.s32 s5, s2  }
0x2ad: {  	s0 =	sadd.s32 s0, s5  }
0x2ae: {  	s19 =	rddreg [dreg:$0x12];
	s0 =	sshrl.u32 s0, $0x3  }
0x2af: {  	v2 =	vsel vm5, $0x0, v1;
	[hbm:s19@s25], [sflag:s29] =	dma.strided [spmem:s0@s25], $0x200, s23, $0x10   }
0x2b0: {  	(xrf0) =	vadd.scan.msk.s32 $0xffff, v2;
	_ =	sdelay $0x5  }
0x2b1: {  	v2, _, _ =	vpop (xrf0)  }
0x2b2: {  	(v2sf) =	vpush v2, $0xF;
	_ =	sdelay $0xe  }
0x2b3: {  	s0 =	spop (v2sf)  }
0x2b4: {  	s20 =	sshll.u32 s0, $0xC  }
0x2b5: {  	s0 =	sshll.u32 s0, $0x8;
	s5 =	sand.u32 $0xFFFFC000, s20  }
0x2b6: {  	s0 =	sand.u32 $0x300, s0;
	s5 =	sadd.s32 s5, s2  }
0x2b7: {  	s0 =	sadd.s32 s0, s5  }
0x2b8: {  	s21 =	rddreg [dreg:$0xf];
	s0 =	sshrl.u32 s0, $0x3  }
0x2b9: {  	v2 =	vsel vm6, $0x0, v1;
	[hbm:s21@s25], [sflag:s29] =	dma.strided [spmem:s0@s25], $0x200, s23, $0x10   }
0x2ba: {  	(xrf0) =	vadd.scan.msk.s32 $0xffff, v2;
	_ =	sdelay $0x5  }
0x2bb: {  	v2, _, _ =	vpop (xrf0)  }
0x2bc: {  	(v2sf) =	vpush v2, $0xF;
	_ =	sdelay $0xe  }
0x2bd: {  	s0 =	spop (v2sf)  }
0x2be: {  	s22 =	sshll.u32 s0, $0xC  }
0x2bf: {  	s0 =	sshll.u32 s0, $0x8;
	s5 =	sand.u32 $0xFFFFC000, s22  }
0x2c0: {  	s0 =	sand.u32 $0x300, s0;
	s5 =	sadd.s32 s5, s2  }
0x2c1: {  	s0 =	sadd.s32 s0, s5  }
0x2c2: {  	s24 =	rddreg [dreg:$0x10];
	s0 =	sshrl.u32 s0, $0x3  }
0x2c3: {  	v1 =	vsel vm7, $0x0, v1;
	[hbm:s24@s25], [sflag:s29] =	dma.strided [spmem:s0@s25], $0x200, s23, $0x10   }
0x2c4: {  	(xrf0) =	vadd.scan.msk.s32 $0xffff, v1;
	_ =	sdelay $0x5  }
0x2c5: {  	v1, _, _ =	vpop (xrf0)  }
0x2c6: {  	(v2sf) =	vpush v1, $0xF;
	_ =	sdelay $0xe  }
0x2c7: {  	s0 =	spop (v2sf)  }
0x2c8: {  	s26 =	sshll.u32 s0, $0xC  }
0x2c9: {  	s0 =	sshll.u32 s0, $0x8;
	s5 =	sand.u32 $0xFFFFC000, s26  }
0x2ca: {  	s0 =	sand.u32 $0x300, s0;
	s5 =	sadd.s32 s5, s2  }
0x2cb: {  	s30 =	simm.s32 $0x30;
	s31 =	simm.s32 $0x0;
	s0 =	sadd.s32 s0, s5  }
0x2cc: {  	s1 =	stileid.u32;
	s28 =	rddreg [dreg:$0x11];
	s0 =	sshrl.u32 s0, $0x3  }
0x2cd: {  	[hbm:s28@s25], [sflag:s29] =	dma.strided [spmem:s0@s25], $0x200, s23, $0x10   }
.LBB2_2:
0x2ce: {  	v1 =	vld [tilespmem:s30+$0xFFFFFFF0];
	_ =	sdelay $0x4  }
0x2cf: {  	v1 =	vshll.u32 v1, v0  }
0x2d0: {  	v2 =	vnsel vm0, $0x0, v1  }
0x2d1: {  	(xrf0) =	vadd.scan.msk.s32 $0xffff, v2;
	_ =	sdelay $0x5  }
0x2d2: {  	v2, _, _ =	vpop (xrf0)  }
0x2d3: {  	(v2sf) =	vpush v2, $0xF;
	_ =	sdelay $0xe  }
0x2d4: {  	s0 =	spop (v2sf)  }
0x2d5: {  	s5 =	sshll.u32 s0, $0x8;
	s0 =	sshll.u32 s0, $0xC  }
0x2d6: {  	s5 =	sand.u32 $0x300, s5;
	s0 =	sand.u32 $0xFFFFC000, s0  }
0x2d7: {  	s6 =	rddreg [dreg:$0x5];
	s5 =	sor.u32 s5, s0  }
0x2d8: {  	s0 =	sadd.s32 s31, s6;
	s9 =	sor.u32 $0x400, s5  }
0x2d9: {  	[hbm4b:s0+s4] =	stream.linear.scatter [tilespmem:s9], [sflag:$0x1], $0x100, $0x38;
	[tilespmem:$0x4800] =	vst v63  }
0x2da: {  	s10 =	sor.u32 $0x800, s5;
	s15 =	sadd.s32 $0x80, s0  }
0x2db: {  	[hbm4b:s15+s4] =	stream.linear.scatter [tilespmem:s10], [sflag:$0x1], $0x100, $0x38;
	[tilespmem:$0x4800] =	vst v63  }
0x2dc: {  	s11 =	sor.u32 $0xC00, s5;
	s12 =	sadd.s32 $0x100, s0  }
0x2dd: {  	[hbm4b:s12+s4] =	stream.linear.scatter [tilespmem:s11], [sflag:$0x1], $0x100, $0x38;
	[tilespmem:$0x4800] =	vst v63  }
0x2de: {  	s13 =	sor.u32 $0x1000, s5;
	s14 =	sadd.s32 $0x180, s0  }
0x2df: {  	v2 =	vsel vm1, $0x0, v1;
	[hbm4b:s14+s4] =	stream.linear.scatter [tilespmem:s13], [sflag:$0x1], $0x100, $0x38;
	[tilespmem:$0x4800] =	vst v63  }
0x2e0: {  	(xrf0) =	vadd.scan.msk.s32 $0xffff, v2;
	s16 =	sor.u32 $0x1400, s5;
	s17 =	sadd.s32 $0x200, s0  }
0x2e1: {  	[hbm4b:s17+s4] =	stream.linear.scatter [tilespmem:s16], [sflag:$0x1], $0x100, $0x38;
	[tilespmem:$0x4800] =	vst v63  }
0x2e2: {  	s18 =	sor.u32 $0x1800, s5;
	s19 =	sadd.s32 $0x280, s0  }
0x2e3: {  	[hbm4b:s19+s4] =	stream.linear.scatter [tilespmem:s18], [sflag:$0x1], $0x100, $0x38;
	[tilespmem:$0x4800] =	vst v63  }
0x2e4: {  	s20 =	sor.u32 $0x1C00, s5;
	s21 =	sadd.s32 $0x300, s0  }
0x2e5: {  	[hbm4b:s21+s4] =	stream.linear.scatter [tilespmem:s20], [sflag:$0x1], $0x100, $0x38;
	[tilespmem:$0x4800] =	vst v63  }
0x2e6: {  	v2, _, _ =	vpop (xrf0);
	s22 =	sor.u32 $0x2000, s5;
	s24 =	sadd.s32 $0x380, s0  }
0x2e7: {  	(v2sf) =	vpush v2, $0xF;
	[hbm4b:s24+s4] =	stream.linear.scatter [tilespmem:s22], [sflag:$0x1], $0x100, $0x38;
	[tilespmem:$0x4800] =	vst v63  }
0x2e8: {  	s26 =	sor.u32 $0x2400, s5;
	s28 =	sadd.s32 $0x400, s0  }
0x2e9: {  	[hbm4b:s28+s4] =	stream.linear.scatter [tilespmem:s26], [sflag:$0x1], $0x100, $0x38;
	[tilespmem:$0x4800] =	vst v63  }
0x2ea: {  	s7 =	sor.u32 $0x2800, s5;
	s8 =	sadd.s32 $0x480, s0  }
0x2eb: {  	[hbm4b:s8+s4] =	stream.linear.scatter [tilespmem:s7], [sflag:$0x1], $0x100, $0x38;
	[tilespmem:$0x4800] =	vst v63  }
0x2ec: {  	s9 =	sor.u32 $0x2C00, s5;
	s10 =	sadd.s32 $0x500, s0  }
0x2ed: {  	[hbm4b:s10+s4] =	stream.linear.scatter [tilespmem:s9], [sflag:$0x1], $0x100, $0x38;
	[tilespmem:$0x4800] =	vst v63  }
0x2ee: {  	s11 =	sor.u32 $0x3000, s5;
	s12 =	sadd.s32 $0x580, s0  }
0x2ef: {  	[hbm4b:s12+s4] =	stream.linear.scatter [tilespmem:s11], [sflag:$0x1], $0x100, $0x38;
	[tilespmem:$0x4800] =	vst v63  }
0x2f0: {  	s13 =	sor.u32 $0x3400, s5;
	s14 =	sadd.s32 $0x600, s0  }
0x2f1: {  	[hbm4b:s14+s4] =	stream.linear.scatter [tilespmem:s13], [sflag:$0x1], $0x100, $0x38;
	[tilespmem:$0x4800] =	vst v63  }
0x2f2: {  	s15 =	sor.u32 $0x3800, s5;
	s16 =	sadd.s32 $0x680, s0  }
0x2f3: {  	[hbm4b:s16+s4] =	stream.linear.scatter [tilespmem:s15], [sflag:$0x1], $0x100, $0x38;
	[tilespmem:$0x4800] =	vst v63  }
0x2f4: {  	s17 =	sor.u32 $0x3C00, s5;
	s18 =	sadd.s32 $0x700, s0  }
0x2f5: {  	[hbm4b:s18+s4] =	stream.linear.scatter [tilespmem:s17], [sflag:$0x1], $0x100, $0x38;
	[tilespmem:$0x4800] =	vst v63  }
0x2f6: {  	s5 =	sadd.s32 $0x4000, s5;
	s19 =	sadd.s32 $0x780, s0;
	s20 =	spop (v2sf)  }
0x2f7: {  	[hbm4b:s19+s4] =	stream.linear.scatter [tilespmem:s5], [sflag:$0x1], $0x100, $0x38;
	[tilespmem:$0x4800] =	vst v63  }
0x2f8: {  	s21 =	sshll.u32 s20, $0x8;
	s5 =	sshll.u32 s20, $0xC  }
0x2f9: {  	s6 =	sand.u32 $0x300, s21;
	s5 =	sand.u32 $0xFFFFC000, s5  }
0x2fa: {  	s5 =	sor.u32 s6, s5  }
0x2fb: {  	s22 =	sadd.s32 $0x20, s0;
	s24 =	sor.u32 $0x400, s5  }
0x2fc: {  	[hbm4b:s22+s4] =	stream.linear.scatter [tilespmem:s24], [sflag:$0x1], $0x100, $0x38;
	[tilespmem:$0x4800] =	vst v63  }
0x2fd: {  	s28 =	sadd.s32 $0xA0, s0;
	s26 =	sor.u32 $0x800, s5  }
0x2fe: {  	[hbm4b:s28+s4] =	stream.linear.scatter [tilespmem:s26], [sflag:$0x1], $0x100, $0x38;
	[tilespmem:$0x4800] =	vst v63  }
0x2ff: {  	s8 =	sadd.s32 $0x120, s0;
	s7 =	sor.u32 $0xC00, s5  }
0x300: {  	[hbm4b:s8+s4] =	stream.linear.scatter [tilespmem:s7], [sflag:$0x1], $0x100, $0x38;
	[tilespmem:$0x4800] =	vst v63  }
0x301: {  	s10 =	sadd.s32 $0x1A0, s0;
	s9 =	sor.u32 $0x1000, s5  }
0x302: {  	v2 =	vsel vm2, $0x0, v1;
	[hbm4b:s10+s4] =	stream.linear.scatter [tilespmem:s9], [sflag:$0x1], $0x100, $0x38;
	[tilespmem:$0x4800] =	vst v63  }
0x303: {  	(xrf0) =	vadd.scan.msk.s32 $0xffff, v2;
	s12 =	sadd.s32 $0x220, s0;
	s11 =	sor.u32 $0x1400, s5  }
0x304: {  	[hbm4b:s12+s4] =	stream.linear.scatter [tilespmem:s11], [sflag:$0x1], $0x100, $0x38;
	[tilespmem:$0x4800] =	vst v63  }
0x305: {  	s14 =	sadd.s32 $0x2A0, s0;
	s13 =	sor.u32 $0x1800, s5  }
0x306: {  	[hbm4b:s14+s4] =	stream.linear.scatter [tilespmem:s13], [sflag:$0x1], $0x100, $0x38;
	[tilespmem:$0x4800] =	vst v63  }
0x307: {  	s17 =	sadd.s32 $0x320, s0;
	s16 =	sor.u32 $0x1C00, s5  }
0x308: {  	[hbm4b:s17+s4] =	stream.linear.scatter [tilespmem:s16], [sflag:$0x1], $0x100, $0x38;
	[tilespmem:$0x4800] =	vst v63  }
0x309: {  	v2, _, _ =	vpop (xrf0);
	s19 =	sadd.s32 $0x3A0, s0;
	s18 =	sor.u32 $0x2000, s5  }
0x30a: {  	(v2sf) =	vpush v2, $0xF;
	[hbm4b:s19+s4] =	stream.linear.scatter [tilespmem:s18], [sflag:$0x1], $0x100, $0x38;
	[tilespmem:$0x4800] =	vst v63  }
0x30b: {  	s21 =	sadd.s32 $0x420, s0;
	s20 =	sor.u32 $0x2400, s5  }
0x30c: {  	[hbm4b:s21+s4] =	stream.linear.scatter [tilespmem:s20], [sflag:$0x1], $0x100, $0x38;
	[tilespmem:$0x4800] =	vst v63  }
0x30d: {  	s22 =	sor.u32 $0x2800, s5;
	s24 =	sadd.s32 $0x4A0, s0  }
0x30e: {  	[hbm4b:s24+s4] =	stream.linear.scatter [tilespmem:s22], [sflag:$0x1], $0x100, $0x38;
	[tilespmem:$0x4800] =	vst v63  }
0x30f: {  	s26 =	sor.u32 $0x2C00, s5;
	s28 =	sadd.s32 $0x520, s0  }
0x310: {  	[hbm4b:s28+s4] =	stream.linear.scatter [tilespmem:s26], [sflag:$0x1], $0x100, $0x38;
	[tilespmem:$0x4800] =	vst v63  }
0x311: {  	s7 =	sor.u32 $0x3000, s5;
	s8 =	sadd.s32 $0x5A0, s0  }
0x312: {  	[hbm4b:s8+s4] =	stream.linear.scatter [tilespmem:s7], [sflag:$0x1], $0x100, $0x38;
	[tilespmem:$0x4800] =	vst v63  }
0x313: {  	s9 =	sor.u32 $0x3400, s5;
	s10 =	sadd.s32 $0x620, s0  }
0x314: {  	[hbm4b:s10+s4] =	stream.linear.scatter [tilespmem:s9], [sflag:$0x1], $0x100, $0x38;
	[tilespmem:$0x4800] =	vst v63  }
0x315: {  	s11 =	sor.u32 $0x3800, s5;
	s12 =	sadd.s32 $0x6A0, s0  }
0x316: {  	[hbm4b:s12+s4] =	stream.linear.scatter [tilespmem:s11], [sflag:$0x1], $0x100, $0x38;
	[tilespmem:$0x4800] =	vst v63  }
0x317: {  	s13 =	sor.u32 $0x3C00, s5;
	s14 =	sadd.s32 $0x720, s0  }
0x318: {  	[hbm4b:s14+s4] =	stream.linear.scatter [tilespmem:s13], [sflag:$0x1], $0x100, $0x38;
	[tilespmem:$0x4800] =	vst v63  }
0x319: {  	s15 =	sadd.s32 $0x7A0, s0;
	s5 =	sadd.s32 $0x4000, s5;
	s16 =	spop (v2sf)  }
0x31a: {  	[hbm4b:s15+s4] =	stream.linear.scatter [tilespmem:s5], [sflag:$0x1], $0x100, $0x38;
	[tilespmem:$0x4800] =	vst v63  }
0x31b: {  	s17 =	sshll.u32 s16, $0x8;
	s5 =	sshll.u32 s16, $0xC  }
0x31c: {  	s6 =	sand.u32 $0x300, s17;
	s5 =	sand.u32 $0xFFFFC000, s5  }
0x31d: {  	s5 =	sor.u32 s6, s5  }
0x31e: {  	s18 =	sadd.s32 $0x40, s0;
	s19 =	sor.u32 $0x400, s5  }
0x31f: {  	[hbm4b:s18+s4] =	stream.linear.scatter [tilespmem:s19], [sflag:$0x1], $0x100, $0x38;
	[tilespmem:$0x4800] =	vst v63  }
0x320: {  	s21 =	sadd.s32 $0xC0, s0;
	s20 =	sor.u32 $0x800, s5  }
0x321: {  	[hbm4b:s21+s4] =	stream.linear.scatter [tilespmem:s20], [sflag:$0x1], $0x100, $0x38;
	[tilespmem:$0x4800] =	vst v63  }
0x322: {  	s24 =	sadd.s32 $0x140, s0;
	s22 =	sor.u32 $0xC00, s5  }
0x323: {  	[hbm4b:s24+s4] =	stream.linear.scatter [tilespmem:s22], [sflag:$0x1], $0x100, $0x38;
	[tilespmem:$0x4800] =	vst v63  }
0x324: {  	s28 =	sadd.s32 $0x1C0, s0;
	s26 =	sor.u32 $0x1000, s5  }
0x325: {  	v2 =	vsel vm3, $0x0, v1;
	[hbm4b:s28+s4] =	stream.linear.scatter [tilespmem:s26], [sflag:$0x1], $0x100, $0x38;
	[tilespmem:$0x4800] =	vst v63  }
0x326: {  	(xrf0) =	vadd.scan.msk.s32 $0xffff, v2;
	s8 =	sadd.s32 $0x240, s0;
	s7 =	sor.u32 $0x1400, s5  }
0x327: {  	[hbm4b:s8+s4] =	stream.linear.scatter [tilespmem:s7], [sflag:$0x1], $0x100, $0x38;
	[tilespmem:$0x4800] =	vst v63  }
0x328: {  	s10 =	sadd.s32 $0x2C0, s0;
	s9 =	sor.u32 $0x1800, s5  }
0x329: {  	[hbm4b:s10+s4] =	stream.linear.scatter [tilespmem:s9], [sflag:$0x1], $0x100, $0x38;
	[tilespmem:$0x4800] =	vst v63  }
0x32a: {  	s12 =	sadd.s32 $0x340, s0;
	s11 =	sor.u32 $0x1C00, s5  }
0x32b: {  	[hbm4b:s12+s4] =	stream.linear.scatter [tilespmem:s11], [sflag:$0x1], $0x100, $0x38;
	[tilespmem:$0x4800] =	vst v63  }
0x32c: {  	v2, _, _ =	vpop (xrf0);
	s14 =	sadd.s32 $0x3C0, s0;
	s13 =	sor.u32 $0x2000, s5  }
0x32d: {  	(v2sf) =	vpush v2, $0xF;
	[hbm4b:s14+s4] =	stream.linear.scatter [tilespmem:s13], [sflag:$0x1], $0x100, $0x38;
	[tilespmem:$0x4800] =	vst v63  }
0x32e: {  	s16 =	sadd.s32 $0x440, s0;
	s15 =	sor.u32 $0x2400, s5  }
0x32f: {  	[hbm4b:s16+s4] =	stream.linear.scatter [tilespmem:s15], [sflag:$0x1], $0x100, $0x38;
	[tilespmem:$0x4800] =	vst v63  }
0x330: {  	s17 =	sor.u32 $0x2800, s5;
	s18 =	sadd.s32 $0x4C0, s0  }
0x331: {  	[hbm4b:s18+s4] =	stream.linear.scatter [tilespmem:s17], [sflag:$0x1], $0x100, $0x38;
	[tilespmem:$0x4800] =	vst v63  }
0x332: {  	s19 =	sor.u32 $0x2C00, s5;
	s20 =	sadd.s32 $0x540, s0  }
0x333: {  	[hbm4b:s20+s4] =	stream.linear.scatter [tilespmem:s19], [sflag:$0x1], $0x100, $0x38;
	[tilespmem:$0x4800] =	vst v63  }
0x334: {  	s21 =	sor.u32 $0x3000, s5;
	s22 =	sadd.s32 $0x5C0, s0  }
0x335: {  	[hbm4b:s22+s4] =	stream.linear.scatter [tilespmem:s21], [sflag:$0x1], $0x100, $0x38;
	[tilespmem:$0x4800] =	vst v63  }
0x336: {  	s24 =	sor.u32 $0x3400, s5;
	s26 =	sadd.s32 $0x640, s0  }
0x337: {  	[hbm4b:s26+s4] =	stream.linear.scatter [tilespmem:s24], [sflag:$0x1], $0x100, $0x38;
	[tilespmem:$0x4800] =	vst v63  }
0x338: {  	s28 =	sor.u32 $0x3800, s5;
	s7 =	sadd.s32 $0x6C0, s0  }
0x339: {  	[hbm4b:s7+s4] =	stream.linear.scatter [tilespmem:s28], [sflag:$0x1], $0x100, $0x38;
	[tilespmem:$0x4800] =	vst v63  }
0x33a: {  	s8 =	sor.u32 $0x3C00, s5;
	s9 =	sadd.s32 $0x740, s0  }
0x33b: {  	[hbm4b:s9+s4] =	stream.linear.scatter [tilespmem:s8], [sflag:$0x1], $0x100, $0x38;
	[tilespmem:$0x4800] =	vst v63  }
0x33c: {  	s5 =	sadd.s32 $0x4000, s5;
	s10 =	sadd.s32 $0x7C0, s0;
	s11 =	spop (v2sf)  }
0x33d: {  	[hbm4b:s10+s4] =	stream.linear.scatter [tilespmem:s5], [sflag:$0x1], $0x100, $0x38;
	[tilespmem:$0x4800] =	vst v63  }
0x33e: {  	s12 =	sshll.u32 s11, $0x8;
	s5 =	sshll.u32 s11, $0xC  }
0x33f: {  	s6 =	sand.u32 $0x300, s12;
	s5 =	sand.u32 $0xFFFFC000, s5  }
0x340: {  	s5 =	sor.u32 s6, s5  }
0x341: {  	s13 =	sadd.s32 $0x60, s0;
	s14 =	sor.u32 $0x400, s5  }
0x342: {  	[hbm4b:s13+s4] =	stream.linear.scatter [tilespmem:s14], [sflag:$0x1], $0x100, $0x38;
	[tilespmem:$0x4800] =	vst v63  }
0x343: {  	s17 =	sadd.s32 $0xE0, s0;
	s16 =	sor.u32 $0x800, s5  }
0x344: {  	[hbm4b:s17+s4] =	stream.linear.scatter [tilespmem:s16], [sflag:$0x1], $0x100, $0x38;
	[tilespmem:$0x4800] =	vst v63  }
0x345: {  	s19 =	sadd.s32 $0x160, s0;
	s18 =	sor.u32 $0xC00, s5  }
0x346: {  	[hbm4b:s19+s4] =	stream.linear.scatter [tilespmem:s18], [sflag:$0x1], $0x100, $0x38;
	[tilespmem:$0x4800] =	vst v63  }
0x347: {  	s21 =	sadd.s32 $0x1E0, s0;
	s20 =	sor.u32 $0x1000, s5  }
0x348: {  	v2 =	vsel vm4, $0x0, v1;
	[hbm4b:s21+s4] =	stream.linear.scatter [tilespmem:s20], [sflag:$0x1], $0x100, $0x38;
	[tilespmem:$0x4800] =	vst v63  }
0x349: {  	(xrf0) =	vadd.scan.msk.s32 $0xffff, v2;
	s24 =	sadd.s32 $0x260, s0;
	s22 =	sor.u32 $0x1400, s5  }
0x34a: {  	[hbm4b:s24+s4] =	stream.linear.scatter [tilespmem:s22], [sflag:$0x1], $0x100, $0x38;
	[tilespmem:$0x4800] =	vst v63  }
0x34b: {  	s28 =	sadd.s32 $0x2E0, s0;
	s26 =	sor.u32 $0x1800, s5  }
0x34c: {  	[hbm4b:s28+s4] =	stream.linear.scatter [tilespmem:s26], [sflag:$0x1], $0x100, $0x38;
	[tilespmem:$0x4800] =	vst v63  }
0x34d: {  	s8 =	sadd.s32 $0x360, s0;
	s7 =	sor.u32 $0x1C00, s5  }
0x34e: {  	[hbm4b:s8+s4] =	stream.linear.scatter [tilespmem:s7], [sflag:$0x1], $0x100, $0x38;
	[tilespmem:$0x4800] =	vst v63  }
0x34f: {  	v2, _, _ =	vpop (xrf0);
	s10 =	sadd.s32 $0x3E0, s0;
	s9 =	sor.u32 $0x2000, s5  }
0x350: {  	(v2sf) =	vpush v2, $0xF;
	[hbm4b:s10+s4] =	stream.linear.scatter [tilespmem:s9], [sflag:$0x1], $0x100, $0x38;
	[tilespmem:$0x4800] =	vst v63  }
0x351: {  	s12 =	sadd.s32 $0x460, s0;
	s11 =	sor.u32 $0x2400, s5  }
0x352: {  	[hbm4b:s12+s4] =	stream.linear.scatter [tilespmem:s11], [sflag:$0x1], $0x100, $0x38;
	[tilespmem:$0x4800] =	vst v63  }
0x353: {  	s13 =	sor.u32 $0x2800, s5;
	s14 =	sadd.s32 $0x4E0, s0  }
0x354: {  	[hbm4b:s14+s4] =	stream.linear.scatter [tilespmem:s13], [sflag:$0x1], $0x100, $0x38;
	[tilespmem:$0x4800] =	vst v63  }
0x355: {  	s16 =	sor.u32 $0x2C00, s5;
	s17 =	sadd.s32 $0x560, s0  }
0x356: {  	[hbm4b:s17+s4] =	stream.linear.scatter [tilespmem:s16], [sflag:$0x1], $0x100, $0x38;
	[tilespmem:$0x4800] =	vst v63  }
0x357: {  	s18 =	sor.u32 $0x3000, s5;
	s19 =	sadd.s32 $0x5E0, s0  }
0x358: {  	[hbm4b:s19+s4] =	stream.linear.scatter [tilespmem:s18], [sflag:$0x1], $0x100, $0x38;
	[tilespmem:$0x4800] =	vst v63  }
0x359: {  	s20 =	sor.u32 $0x3400, s5;
	s21 =	sadd.s32 $0x660, s0  }
0x35a: {  	[hbm4b:s21+s4] =	stream.linear.scatter [tilespmem:s20], [sflag:$0x1], $0x100, $0x38;
	[tilespmem:$0x4800] =	vst v63  }
0x35b: {  	s22 =	sor.u32 $0x3800, s5;
	s24 =	sadd.s32 $0x6E0, s0  }
0x35c: {  	[hbm4b:s24+s4] =	stream.linear.scatter [tilespmem:s22], [sflag:$0x1], $0x100, $0x38;
	[tilespmem:$0x4800] =	vst v63  }
0x35d: {  	s26 =	sor.u32 $0x3C00, s5;
	s28 =	sadd.s32 $0x760, s0  }
0x35e: {  	[hbm4b:s28+s4] =	stream.linear.scatter [tilespmem:s26], [sflag:$0x1], $0x100, $0x38;
	[tilespmem:$0x4800] =	vst v63  }
0x35f: {  	s5 =	sadd.s32 $0x4000, s5;
	s0 =	sadd.s32 $0x7E0, s0;
	s7 =	spop (v2sf)  }
0x360: {  	[hbm4b:s0+s4] =	stream.linear.scatter [tilespmem:s5], [sflag:$0x1], $0x100, $0x38;
	[tilespmem:$0x4800] =	vst v63  }
0x361: {  	s8 =	sshll.u32 s7, $0x8;
	s0 =	sshll.u32 s7, $0xC  }
0x362: {  	s5 =	sand.u32 $0x300, s8;
	s0 =	sand.u32 $0xFFFFC000, s0  }
0x363: {  	s9 =	rddreg [dreg:$0x6];
	s5 =	sor.u32 s5, s0  }
0x364: {  	s0 =	sadd.s32 s31, s9;
	s10 =	sor.u32 $0x400, s5  }
0x365: {  	[hbm4b:s0+s4] =	stream.linear.scatter [tilespmem:s10], [sflag:$0x1], $0x100, $0x38;
	[tilespmem:$0x4800] =	vst v63  }
0x366: {  	s11 =	sor.u32 $0x800, s5;
	s12 =	sadd.s32 $0x80, s0  }
0x367: {  	[hbm4b:s12+s4] =	stream.linear.scatter [tilespmem:s11], [sflag:$0x1], $0x100, $0x38;
	[tilespmem:$0x4800] =	vst v63  }
0x368: {  	s13 =	sor.u32 $0xC00, s5;
	s14 =	sadd.s32 $0x100, s0  }
0x369: {  	[hbm4b:s14+s4] =	stream.linear.scatter [tilespmem:s13], [sflag:$0x1], $0x100, $0x38;
	[tilespmem:$0x4800] =	vst v63  }
0x36a: {  	s16 =	sor.u32 $0x1000, s5;
	s17 =	sadd.s32 $0x180, s0  }
0x36b: {  	v2 =	vsel vm5, $0x0, v1;
	[hbm4b:s17+s4] =	stream.linear.scatter [tilespmem:s16], [sflag:$0x1], $0x100, $0x38;
	[tilespmem:$0x4800] =	vst v63  }
0x36c: {  	(xrf0) =	vadd.scan.msk.s32 $0xffff, v2;
	s18 =	sor.u32 $0x1400, s5;
	s19 =	sadd.s32 $0x200, s0  }
0x36d: {  	[hbm4b:s19+s4] =	stream.linear.scatter [tilespmem:s18], [sflag:$0x1], $0x100, $0x38;
	[tilespmem:$0x4800] =	vst v63  }
0x36e: {  	s20 =	sor.u32 $0x1800, s5;
	s21 =	sadd.s32 $0x280, s0  }
0x36f: {  	[hbm4b:s21+s4] =	stream.linear.scatter [tilespmem:s20], [sflag:$0x1], $0x100, $0x38;
	[tilespmem:$0x4800] =	vst v63  }
0x370: {  	s22 =	sor.u32 $0x1C00, s5;
	s24 =	sadd.s32 $0x300, s0  }
0x371: {  	[hbm4b:s24+s4] =	stream.linear.scatter [tilespmem:s22], [sflag:$0x1], $0x100, $0x38;
	[tilespmem:$0x4800] =	vst v63  }
0x372: {  	v2, _, _ =	vpop (xrf0);
	s26 =	sor.u32 $0x2000, s5;
	s28 =	sadd.s32 $0x380, s0  }
0x373: {  	(v2sf) =	vpush v2, $0xF;
	[hbm4b:s28+s4] =	stream.linear.scatter [tilespmem:s26], [sflag:$0x1], $0x100, $0x38;
	[tilespmem:$0x4800] =	vst v63  }
0x374: {  	s7 =	sor.u32 $0x2400, s5;
	s8 =	sadd.s32 $0x400, s0  }
0x375: {  	[hbm4b:s8+s4] =	stream.linear.scatter [tilespmem:s7], [sflag:$0x1], $0x100, $0x38;
	[tilespmem:$0x4800] =	vst v63  }
0x376: {  	s9 =	sor.u32 $0x2800, s5;
	s10 =	sadd.s32 $0x480, s0  }
0x377: {  	[hbm4b:s10+s4] =	stream.linear.scatter [tilespmem:s9], [sflag:$0x1], $0x100, $0x38;
	[tilespmem:$0x4800] =	vst v63  }
0x378: {  	s11 =	sor.u32 $0x2C00, s5;
	s12 =	sadd.s32 $0x500, s0  }
0x379: {  	[hbm4b:s12+s4] =	stream.linear.scatter [tilespmem:s11], [sflag:$0x1], $0x100, $0x38;
	[tilespmem:$0x4800] =	vst v63  }
0x37a: {  	s13 =	sor.u32 $0x3000, s5;
	s14 =	sadd.s32 $0x580, s0  }
0x37b: {  	[hbm4b:s14+s4] =	stream.linear.scatter [tilespmem:s13], [sflag:$0x1], $0x100, $0x38;
	[tilespmem:$0x4800] =	vst v63  }
0x37c: {  	s15 =	sor.u32 $0x3400, s5;
	s16 =	sadd.s32 $0x600, s0  }
0x37d: {  	[hbm4b:s16+s4] =	stream.linear.scatter [tilespmem:s15], [sflag:$0x1], $0x100, $0x38;
	[tilespmem:$0x4800] =	vst v63  }
0x37e: {  	s17 =	sor.u32 $0x3800, s5;
	s18 =	sadd.s32 $0x680, s0  }
0x37f: {  	[hbm4b:s18+s4] =	stream.linear.scatter [tilespmem:s17], [sflag:$0x1], $0x100, $0x38;
	[tilespmem:$0x4800] =	vst v63  }
0x380: {  	s19 =	sor.u32 $0x3C00, s5;
	s20 =	sadd.s32 $0x700, s0  }
0x381: {  	[hbm4b:s20+s4] =	stream.linear.scatter [tilespmem:s19], [sflag:$0x1], $0x100, $0x38;
	[tilespmem:$0x4800] =	vst v63  }
0x382: {  	s5 =	sadd.s32 $0x4000, s5;
	s21 =	sadd.s32 $0x780, s0;
	s22 =	spop (v2sf)  }
0x383: {  	[hbm4b:s21+s4] =	stream.linear.scatter [tilespmem:s5], [sflag:$0x1], $0x100, $0x38;
	[tilespmem:$0x4800] =	vst v63  }
0x384: {  	s24 =	sshll.u32 s22, $0x8;
	s5 =	sshll.u32 s22, $0xC  }
0x385: {  	s6 =	sand.u32 $0x300, s24;
	s5 =	sand.u32 $0xFFFFC000, s5  }
0x386: {  	s5 =	sor.u32 s6, s5  }
0x387: {  	s26 =	sadd.s32 $0x20, s0;
	s28 =	sor.u32 $0x400, s5  }
0x388: {  	[hbm4b:s26+s4] =	stream.linear.scatter [tilespmem:s28], [sflag:$0x1], $0x100, $0x38;
	[tilespmem:$0x4800] =	vst v63  }
0x389: {  	s8 =	sadd.s32 $0xA0, s0;
	s7 =	sor.u32 $0x800, s5  }
0x38a: {  	[hbm4b:s8+s4] =	stream.linear.scatter [tilespmem:s7], [sflag:$0x1], $0x100, $0x38;
	[tilespmem:$0x4800] =	vst v63  }
0x38b: {  	s10 =	sadd.s32 $0x120, s0;
	s9 =	sor.u32 $0xC00, s5  }
0x38c: {  	[hbm4b:s10+s4] =	stream.linear.scatter [tilespmem:s9], [sflag:$0x1], $0x100, $0x38;
	[tilespmem:$0x4800] =	vst v63  }
0x38d: {  	s12 =	sadd.s32 $0x1A0, s0;
	s11 =	sor.u32 $0x1000, s5  }
0x38e: {  	v2 =	vsel vm6, $0x0, v1;
	[hbm4b:s12+s4] =	stream.linear.scatter [tilespmem:s11], [sflag:$0x1], $0x100, $0x38;
	[tilespmem:$0x4800] =	vst v63  }
0x38f: {  	(xrf0) =	vadd.scan.msk.s32 $0xffff, v2;
	s14 =	sadd.s32 $0x220, s0;
	s13 =	sor.u32 $0x1400, s5  }
0x390: {  	[hbm4b:s14+s4] =	stream.linear.scatter [tilespmem:s13], [sflag:$0x1], $0x100, $0x38;
	[tilespmem:$0x4800] =	vst v63  }
0x391: {  	s17 =	sadd.s32 $0x2A0, s0;
	s16 =	sor.u32 $0x1800, s5  }
0x392: {  	[hbm4b:s17+s4] =	stream.linear.scatter [tilespmem:s16], [sflag:$0x1], $0x100, $0x38;
	[tilespmem:$0x4800] =	vst v63  }
0x393: {  	s19 =	sadd.s32 $0x320, s0;
	s18 =	sor.u32 $0x1C00, s5  }
0x394: {  	[hbm4b:s19+s4] =	stream.linear.scatter [tilespmem:s18], [sflag:$0x1], $0x100, $0x38;
	[tilespmem:$0x4800] =	vst v63  }
0x395: {  	v2, _, _ =	vpop (xrf0);
	s21 =	sadd.s32 $0x3A0, s0;
	s20 =	sor.u32 $0x2000, s5  }
0x396: {  	(v2sf) =	vpush v2, $0xF;
	[hbm4b:s21+s4] =	stream.linear.scatter [tilespmem:s20], [sflag:$0x1], $0x100, $0x38;
	[tilespmem:$0x4800] =	vst v63  }
0x397: {  	s24 =	sadd.s32 $0x420, s0;
	s22 =	sor.u32 $0x2400, s5  }
0x398: {  	[hbm4b:s24+s4] =	stream.linear.scatter [tilespmem:s22], [sflag:$0x1], $0x100, $0x38;
	[tilespmem:$0x4800] =	vst v63  }
0x399: {  	s26 =	sor.u32 $0x2800, s5;
	s28 =	sadd.s32 $0x4A0, s0  }
0x39a: {  	[hbm4b:s28+s4] =	stream.linear.scatter [tilespmem:s26], [sflag:$0x1], $0x100, $0x38;
	[tilespmem:$0x4800] =	vst v63  }
0x39b: {  	s7 =	sor.u32 $0x2C00, s5;
	s8 =	sadd.s32 $0x520, s0  }
0x39c: {  	[hbm4b:s8+s4] =	stream.linear.scatter [tilespmem:s7], [sflag:$0x1], $0x100, $0x38;
	[tilespmem:$0x4800] =	vst v63  }
0x39d: {  	s9 =	sor.u32 $0x3000, s5;
	s10 =	sadd.s32 $0x5A0, s0  }
0x39e: {  	[hbm4b:s10+s4] =	stream.linear.scatter [tilespmem:s9], [sflag:$0x1], $0x100, $0x38;
	[tilespmem:$0x4800] =	vst v63  }
0x39f: {  	s11 =	sor.u32 $0x3400, s5;
	s12 =	sadd.s32 $0x620, s0  }
0x3a0: {  	[hbm4b:s12+s4] =	stream.linear.scatter [tilespmem:s11], [sflag:$0x1], $0x100, $0x38;
	[tilespmem:$0x4800] =	vst v63  }
0x3a1: {  	s13 =	sor.u32 $0x3800, s5;
	s14 =	sadd.s32 $0x6A0, s0  }
0x3a2: {  	[hbm4b:s14+s4] =	stream.linear.scatter [tilespmem:s13], [sflag:$0x1], $0x100, $0x38;
	[tilespmem:$0x4800] =	vst v63  }
0x3a3: {  	s15 =	sor.u32 $0x3C00, s5;
	s16 =	sadd.s32 $0x720, s0  }
0x3a4: {  	[hbm4b:s16+s4] =	stream.linear.scatter [tilespmem:s15], [sflag:$0x1], $0x100, $0x38;
	[tilespmem:$0x4800] =	vst v63  }
0x3a5: {  	s5 =	sadd.s32 $0x4000, s5;
	s17 =	sadd.s32 $0x7A0, s0;
	s18 =	spop (v2sf)  }
0x3a6: {  	[hbm4b:s17+s4] =	stream.linear.scatter [tilespmem:s5], [sflag:$0x1], $0x100, $0x38;
	[tilespmem:$0x4800] =	vst v63  }
0x3a7: {  	s19 =	sshll.u32 s18, $0x8;
	s5 =	sshll.u32 s18, $0xC  }
0x3a8: {  	s6 =	sand.u32 $0x300, s19;
	s5 =	sand.u32 $0xFFFFC000, s5  }
0x3a9: {  	s5 =	sor.u32 s6, s5  }
0x3aa: {  	s20 =	sadd.s32 $0x40, s0;
	s21 =	sor.u32 $0x400, s5  }
0x3ab: {  	[hbm4b:s20+s4] =	stream.linear.scatter [tilespmem:s21], [sflag:$0x1], $0x100, $0x38;
	[tilespmem:$0x4800] =	vst v63  }
0x3ac: {  	s24 =	sadd.s32 $0xC0, s0;
	s22 =	sor.u32 $0x800, s5  }
0x3ad: {  	[hbm4b:s24+s4] =	stream.linear.scatter [tilespmem:s22], [sflag:$0x1], $0x100, $0x38;
	[tilespmem:$0x4800] =	vst v63  }
0x3ae: {  	s28 =	sadd.s32 $0x140, s0;
	s26 =	sor.u32 $0xC00, s5  }
0x3af: {  	[hbm4b:s28+s4] =	stream.linear.scatter [tilespmem:s26], [sflag:$0x1], $0x100, $0x38;
	[tilespmem:$0x4800] =	vst v63  }
0x3b0: {  	s8 =	sadd.s32 $0x1C0, s0;
	s7 =	sor.u32 $0x1000, s5  }
0x3b1: {  	v1 =	vsel vm7, $0x0, v1;
	[hbm4b:s8+s4] =	stream.linear.scatter [tilespmem:s7], [sflag:$0x1], $0x100, $0x38;
	[tilespmem:$0x4800] =	vst v63  }
0x3b2: {  	(xrf0) =	vadd.scan.msk.s32 $0xffff, v1;
	s10 =	sadd.s32 $0x240, s0;
	s9 =	sor.u32 $0x1400, s5  }
0x3b3: {  	[hbm4b:s10+s4] =	stream.linear.scatter [tilespmem:s9], [sflag:$0x1], $0x100, $0x38;
	[tilespmem:$0x4800] =	vst v63  }
0x3b4: {  	s12 =	sadd.s32 $0x2C0, s0;
	s11 =	sor.u32 $0x1800, s5  }
0x3b5: {  	[hbm4b:s12+s4] =	stream.linear.scatter [tilespmem:s11], [sflag:$0x1], $0x100, $0x38;
	[tilespmem:$0x4800] =	vst v63  }
0x3b6: {  	s14 =	sadd.s32 $0x340, s0;
	s13 =	sor.u32 $0x1C00, s5  }
0x3b7: {  	[hbm4b:s14+s4] =	stream.linear.scatter [tilespmem:s13], [sflag:$0x1], $0x100, $0x38;
	[tilespmem:$0x4800] =	vst v63  }
0x3b8: {  	v1, _, _ =	vpop (xrf0);
	s17 =	sadd.s32 $0x3C0, s0;
	s16 =	sor.u32 $0x2000, s5  }
0x3b9: {  	(v2sf) =	vpush v1, $0xF;
	[hbm4b:s17+s4] =	stream.linear.scatter [tilespmem:s16], [sflag:$0x1], $0x100, $0x38;
	[tilespmem:$0x4800] =	vst v63  }
0x3ba: {  	s19 =	sadd.s32 $0x440, s0;
	s18 =	sor.u32 $0x2400, s5  }
0x3bb: {  	[hbm4b:s19+s4] =	stream.linear.scatter [tilespmem:s18], [sflag:$0x1], $0x100, $0x38;
	[tilespmem:$0x4800] =	vst v63  }
0x3bc: {  	s20 =	sor.u32 $0x2800, s5;
	s21 =	sadd.s32 $0x4C0, s0  }
0x3bd: {  	[hbm4b:s21+s4] =	stream.linear.scatter [tilespmem:s20], [sflag:$0x1], $0x100, $0x38;
	[tilespmem:$0x4800] =	vst v63  }
0x3be: {  	s22 =	sor.u32 $0x2C00, s5;
	s24 =	sadd.s32 $0x540, s0  }
0x3bf: {  	[hbm4b:s24+s4] =	stream.linear.scatter [tilespmem:s22], [sflag:$0x1], $0x100, $0x38;
	[tilespmem:$0x4800] =	vst v63  }
0x3c0: {  	s26 =	sor.u32 $0x3000, s5;
	s28 =	sadd.s32 $0x5C0, s0  }
0x3c1: {  	[hbm4b:s28+s4] =	stream.linear.scatter [tilespmem:s26], [sflag:$0x1], $0x100, $0x38;
	[tilespmem:$0x4800] =	vst v63  }
0x3c2: {  	s7 =	sor.u32 $0x3400, s5;
	s8 =	sadd.s32 $0x640, s0  }
0x3c3: {  	[hbm4b:s8+s4] =	stream.linear.scatter [tilespmem:s7], [sflag:$0x1], $0x100, $0x38;
	[tilespmem:$0x4800] =	vst v63  }
0x3c4: {  	s9 =	sor.u32 $0x3800, s5;
	s10 =	sadd.s32 $0x6C0, s0  }
0x3c5: {  	[hbm4b:s10+s4] =	stream.linear.scatter [tilespmem:s9], [sflag:$0x1], $0x100, $0x38;
	[tilespmem:$0x4800] =	vst v63  }
0x3c6: {  	s11 =	sor.u32 $0x3C00, s5;
	s12 =	sadd.s32 $0x740, s0  }
0x3c7: {  	[hbm4b:s12+s4] =	stream.linear.scatter [tilespmem:s11], [sflag:$0x1], $0x100, $0x38;
	[tilespmem:$0x4800] =	vst v63  }
0x3c8: {  	s5 =	sadd.s32 $0x4000, s5;
	s13 =	sadd.s32 $0x7C0, s0;
	s14 =	spop (v2sf)  }
0x3c9: {  	[hbm4b:s13+s4] =	stream.linear.scatter [tilespmem:s5], [sflag:$0x1], $0x100, $0x38;
	[tilespmem:$0x4800] =	vst v63  }
0x3ca: {  	s15 =	sshll.u32 s14, $0x8;
	s5 =	sshll.u32 s14, $0xC  }
0x3cb: {  	s6 =	sand.u32 $0x300, s15;
	s5 =	sand.u32 $0xFFFFC000, s5  }
0x3cc: {  	s5 =	sor.u32 s6, s5  }
0x3cd: {  	s16 =	sadd.s32 $0x60, s0;
	s17 =	sor.u32 $0x400, s5  }
0x3ce: {  	[hbm4b:s16+s4] =	stream.linear.scatter [tilespmem:s17], [sflag:$0x1], $0x100, $0x38;
	[tilespmem:$0x4800] =	vst v63  }
0x3cf: {  	s19 =	sadd.s32 $0xE0, s0;
	s18 =	sor.u32 $0x800, s5  }
0x3d0: {  	[hbm4b:s19+s4] =	stream.linear.scatter [tilespmem:s18], [sflag:$0x1], $0x100, $0x38;
	[tilespmem:$0x4800] =	vst v63  }
0x3d1: {  	s21 =	sadd.s32 $0x160, s0;
	s20 =	sor.u32 $0xC00, s5  }
0x3d2: {  	[hbm4b:s21+s4] =	stream.linear.scatter [tilespmem:s20], [sflag:$0x1], $0x100, $0x38;
	[tilespmem:$0x4800] =	vst v63  }
0x3d3: {  	s24 =	sadd.s32 $0x1E0, s0;
	s22 =	sor.u32 $0x1000, s5  }
0x3d4: {  	[hbm4b:s24+s4] =	stream.linear.scatter [tilespmem:s22], [sflag:$0x1], $0x100, $0x38;
	[tilespmem:$0x4800] =	vst v63  }
0x3d5: {  	s28 =	sadd.s32 $0x260, s0;
	s26 =	sor.u32 $0x1400, s5  }
0x3d6: {  	[hbm4b:s28+s4] =	stream.linear.scatter [tilespmem:s26], [sflag:$0x1], $0x100, $0x38;
	[tilespmem:$0x4800] =	vst v63  }
0x3d7: {  	s8 =	sadd.s32 $0x2E0, s0;
	s7 =	sor.u32 $0x1800, s5  }
0x3d8: {  	[hbm4b:s8+s4] =	stream.linear.scatter [tilespmem:s7], [sflag:$0x1], $0x100, $0x38;
	[tilespmem:$0x4800] =	vst v63  }
0x3d9: {  	s10 =	sadd.s32 $0x360, s0;
	s9 =	sor.u32 $0x1C00, s5  }
0x3da: {  	[hbm4b:s10+s4] =	stream.linear.scatter [tilespmem:s9], [sflag:$0x1], $0x100, $0x38;
	[tilespmem:$0x4800] =	vst v63  }
0x3db: {  	s12 =	sadd.s32 $0x3E0, s0;
	s11 =	sor.u32 $0x2000, s5  }
0x3dc: {  	[hbm4b:s12+s4] =	stream.linear.scatter [tilespmem:s11], [sflag:$0x1], $0x100, $0x38;
	[tilespmem:$0x4800] =	vst v63  }
0x3dd: {  	s14 =	sadd.s32 $0x460, s0;
	s13 =	sor.u32 $0x2400, s5  }
0x3de: {  	[hbm4b:s14+s4] =	stream.linear.scatter [tilespmem:s13], [sflag:$0x1], $0x100, $0x38;
	[tilespmem:$0x4800] =	vst v63  }
0x3df: {  	s16 =	sor.u32 $0x2800, s5;
	s17 =	sadd.s32 $0x4E0, s0  }
0x3e0: {  	[hbm4b:s17+s4] =	stream.linear.scatter [tilespmem:s16], [sflag:$0x1], $0x100, $0x38;
	[tilespmem:$0x4800] =	vst v63  }
0x3e1: {  	s18 =	sor.u32 $0x2C00, s5;
	s19 =	sadd.s32 $0x560, s0  }
0x3e2: {  	[hbm4b:s19+s4] =	stream.linear.scatter [tilespmem:s18], [sflag:$0x1], $0x100, $0x38;
	[tilespmem:$0x4800] =	vst v63  }
0x3e3: {  	s20 =	sor.u32 $0x3000, s5;
	s21 =	sadd.s32 $0x5E0, s0  }
0x3e4: {  	[hbm4b:s21+s4] =	stream.linear.scatter [tilespmem:s20], [sflag:$0x1], $0x100, $0x38;
	[tilespmem:$0x4800] =	vst v63  }
0x3e5: {  	s22 =	sor.u32 $0x3400, s5;
	s24 =	sadd.s32 $0x660, s0  }
0x3e6: {  	[hbm4b:s24+s4] =	stream.linear.scatter [tilespmem:s22], [sflag:$0x1], $0x100, $0x38;
	[tilespmem:$0x4800] =	vst v63  }
0x3e7: {  	s26 =	sor.u32 $0x3800, s5;
	s28 =	sadd.s32 $0x6E0, s0  }
0x3e8: {  	[hbm4b:s28+s4] =	stream.linear.scatter [tilespmem:s26], [sflag:$0x1], $0x100, $0x38;
	[tilespmem:$0x4800] =	vst v63  }
0x3e9: {  	s7 =	sor.u32 $0x3C00, s5;
	s8 =	sadd.s32 $0x760, s0  }
0x3ea: {  	[hbm4b:s8+s4] =	stream.linear.scatter [tilespmem:s7], [sflag:$0x1], $0x100, $0x38;
	[tilespmem:$0x4800] =	vst v63  }
0x3eb: {  	s5 =	sadd.s32 $0x4000, s5;
	s0 =	sadd.s32 $0x7E0, s0  }
0x3ec: {  	[hbm4b:s0+s4] =	stream.linear.scatter [tilespmem:s5], [sflag:$0x1], $0x100, $0x38;
	[tilespmem:$0x4800] =	vst v63  }
0x3ed: {  	_ =	swait.ge [sflag:s3], $0x1000  }
0x3ee: {  	[sflag:s3] =	ssyncset.done $0x0  }
0x3ef: {  	[sflag:s3] =	ssyncadd.s32 $0xFFFFF000  }
0x3f0: {  	_ =	swait.ge [sflag:s3], $0x1000  }
0x3f1: {  	[sflag:s3] =	ssyncset.done $0x0  }
0x3f2: {  	[sflag:s3] =	ssyncadd.s32 $0xFFFFF000  }
0x3f3: {  	_ =	swait.ge [sflag:s3], $0x1000  }
0x3f4: {  	[sflag:s3] =	ssyncset.done $0x0  }
0x3f5: {  	[sflag:s3] =	ssyncadd.s32 $0xFFFFF000  }
0x3f6: {  	_ =	swait.ge [sflag:s3], $0x1000  }
0x3f7: {  	[sflag:s3] =	ssyncset.done $0x0  }
0x3f8: {  	[sflag:s3] =	ssyncadd.s32 $0xFFFFF000  }
0x3f9: {  	_ =	swait.ge [sflag:s3], $0x1000  }
0x3fa: {  	[sflag:s3] =	ssyncset.done $0x0  }
0x3fb: {  	[sflag:s3] =	ssyncadd.s32 $0xFFFFF000  }
0x3fc: {  	_ =	swait.ge [sflag:s3], $0x1000  }
0x3fd: {  	[sflag:s3] =	ssyncset.done $0x0  }
0x3fe: {  	[sflag:s3] =	ssyncadd.s32 $0xFFFFF000  }
0x3ff: {  	_ =	swait.ge [sflag:s3], $0x1000  }
0x400: {  	[sflag:s3] =	ssyncset.done $0x0  }
0x401: {  	[sflag:s3] =	ssyncadd.s32 $0xFFFFF000  }
0x402: {  	_ =	swait.ge [sflag:s3], $0x1000  }
0x403: {  	[sflag:s3] =	ssyncset.done $0x0  }
0x404: {  	[sflag:s3] =	ssyncadd.s32 $0xFFFFF000  }
0x405: {  	v1 =	vld [tilespmem:s30+$0x0];
	_ =	sdelay $0x4  }
0x406: {  	v1 =	vshll.u32 v1, v0  }
0x407: {  	v2 =	vnsel vm0, $0x0, v1  }
0x408: {  	(xrf0) =	vadd.scan.msk.s32 $0xffff, v2;
	_ =	sdelay $0x5  }
0x409: {  	v2, _, _ =	vpop (xrf0)  }
0x40a: {  	(v2sf) =	vpush v2, $0xF;
	_ =	sdelay $0xe  }
0x40b: {  	s9 =	spop (v2sf)  }
0x40c: {  	s10 =	sshll.u32 s9, $0xC  }
0x40d: {  	s0 =	sshll.u32 s9, $0x8;
	s5 =	sand.u32 $0xFFFFC000, s10  }
0x40e: {  	s0 =	sand.u32 $0x300, s0;
	s5 =	sadd.s32 s5, s2  }
0x40f: {  	s11 =	rddreg [dreg:$0x7];
	s0 =	sadd.s32 s0, s5  }
0x410: {  	s12 =	sadd.s32 s31, s11;
	s0 =	sshrl.u32 s0, $0x3  }
0x411: {  	v2 =	vsel vm1, $0x0, v1;
	[hbm:s12@s25], [sflag:s29] =	dma.strided [spmem:s0@s25], $0x200, s23, $0x10   }
0x412: {  	(xrf0) =	vadd.scan.msk.s32 $0xffff, v2;
	_ =	sdelay $0x5  }
0x413: {  	v2, _, _ =	vpop (xrf0)  }
0x414: {  	(v2sf) =	vpush v2, $0xF;
	_ =	sdelay $0xe  }
0x415: {  	s0 =	spop (v2sf)  }
0x416: {  	s13 =	sshll.u32 s0, $0xC  }
0x417: {  	s0 =	sshll.u32 s0, $0x8;
	s6 =	sand.u32 $0xFFFFC000, s13  }
0x418: {  	s0 =	sand.u32 $0x300, s0;
	s6 =	sadd.s32 s6, s2  }
0x419: {  	s0 =	sadd.s32 s0, s6  }
0x41a: {  	s14 =	sadd.s32 $0x20, s12;
	s0 =	sshrl.u32 s0, $0x3  }
0x41b: {  	v2 =	vsel vm2, $0x0, v1;
	[hbm:s14@s25], [sflag:s29] =	dma.strided [spmem:s0@s25], $0x200, s23, $0x10   }
0x41c: {  	(xrf0) =	vadd.scan.msk.s32 $0xffff, v2;
	_ =	sdelay $0x5  }
0x41d: {  	v2, _, _ =	vpop (xrf0)  }
0x41e: {  	(v2sf) =	vpush v2, $0xF;
	_ =	sdelay $0xe  }
0x41f: {  	s0 =	spop (v2sf)  }
0x420: {  	s15 =	sshll.u32 s0, $0xC  }
0x421: {  	s0 =	sshll.u32 s0, $0x8;
	s6 =	sand.u32 $0xFFFFC000, s15  }
0x422: {  	s0 =	sand.u32 $0x300, s0;
	s6 =	sadd.s32 s6, s2  }
0x423: {  	s0 =	sadd.s32 s0, s6  }
0x424: {  	s16 =	sadd.s32 $0x40, s12;
	s0 =	sshrl.u32 s0, $0x3  }
0x425: {  	v2 =	vsel vm3, $0x0, v1;
	[hbm:s16@s25], [sflag:s29] =	dma.strided [spmem:s0@s25], $0x200, s23, $0x10   }
0x426: {  	(xrf0) =	vadd.scan.msk.s32 $0xffff, v2;
	_ =	sdelay $0x5  }
0x427: {  	v2, _, _ =	vpop (xrf0)  }
0x428: {  	(v2sf) =	vpush v2, $0xF;
	_ =	sdelay $0xe  }
0x429: {  	s0 =	spop (v2sf)  }
0x42a: {  	s17 =	sshll.u32 s0, $0xC  }
0x42b: {  	s0 =	sshll.u32 s0, $0x8;
	s6 =	sand.u32 $0xFFFFC000, s17  }
0x42c: {  	s0 =	sand.u32 $0x300, s0;
	s6 =	sadd.s32 s6, s2  }
0x42d: {  	s0 =	sadd.s32 s0, s6  }
0x42e: {  	s5 =	sadd.s32 $0x60, s12;
	s0 =	sshrl.u32 s0, $0x3  }
0x42f: {  	v2 =	vsel vm4, $0x0, v1;
	[hbm:s5@s25], [sflag:s29] =	dma.strided [spmem:s0@s25], $0x200, s23, $0x10   }
0x430: {  	(xrf0) =	vadd.scan.msk.s32 $0xffff, v2;
	_ =	sdelay $0x5  }
0x431: {  	v2, _, _ =	vpop (xrf0)  }
0x432: {  	(v2sf) =	vpush v2, $0xF;
	_ =	sdelay $0xe  }
0x433: {  	s0 =	spop (v2sf)  }
0x434: {  	s18 =	sshll.u32 s0, $0xC  }
0x435: {  	s0 =	sshll.u32 s0, $0x8;
	s5 =	sand.u32 $0xFFFFC000, s18  }
0x436: {  	s0 =	sand.u32 $0x300, s0;
	s5 =	sadd.s32 s5, s2  }
0x437: {  	s19 =	rddreg [dreg:$0x8];
	s0 =	sadd.s32 s0, s5  }
0x438: {  	s20 =	sadd.s32 s31, s19;
	s0 =	sshrl.u32 s0, $0x3  }
0x439: {  	v2 =	vsel vm5, $0x0, v1;
	[hbm:s20@s25], [sflag:s29] =	dma.strided [spmem:s0@s25], $0x200, s23, $0x10   }
0x43a: {  	(xrf0) =	vadd.scan.msk.s32 $0xffff, v2;
	_ =	sdelay $0x5  }
0x43b: {  	v2, _, _ =	vpop (xrf0)  }
0x43c: {  	(v2sf) =	vpush v2, $0xF;
	_ =	sdelay $0xe  }
0x43d: {  	s0 =	spop (v2sf)  }
0x43e: {  	s21 =	sshll.u32 s0, $0xC  }
0x43f: {  	s0 =	sshll.u32 s0, $0x8;
	s6 =	sand.u32 $0xFFFFC000, s21  }
0x440: {  	s0 =	sand.u32 $0x300, s0;
	s6 =	sadd.s32 s6, s2  }
0x441: {  	s0 =	sadd.s32 s0, s6  }
0x442: {  	s22 =	sadd.s32 $0x20, s20;
	s0 =	sshrl.u32 s0, $0x3  }
0x443: {  	v2 =	vsel vm6, $0x0, v1;
	[hbm:s22@s25], [sflag:s29] =	dma.strided [spmem:s0@s25], $0x200, s23, $0x10   }
0x444: {  	(xrf0) =	vadd.scan.msk.s32 $0xffff, v2;
	_ =	sdelay $0x5  }
0x445: {  	v2, _, _ =	vpop (xrf0)  }
0x446: {  	(v2sf) =	vpush v2, $0xF;
	_ =	sdelay $0xe  }
0x447: {  	s0 =	spop (v2sf)  }
0x448: {  	s24 =	sshll.u32 s0, $0xC  }
0x449: {  	s0 =	sshll.u32 s0, $0x8;
	s6 =	sand.u32 $0xFFFFC000, s24  }
0x44a: {  	s0 =	sand.u32 $0x300, s0;
	s6 =	sadd.s32 s6, s2  }
0x44b: {  	s0 =	sadd.s32 s0, s6  }
0x44c: {  	s26 =	sadd.s32 $0x40, s20;
	s0 =	sshrl.u32 s0, $0x3  }
0x44d: {  	v1 =	vsel vm7, $0x0, v1;
	[hbm:s26@s25], [sflag:s29] =	dma.strided [spmem:s0@s25], $0x200, s23, $0x10   }
0x44e: {  	(xrf0) =	vadd.scan.msk.s32 $0xffff, v1;
	_ =	sdelay $0x5  }
0x44f: {  	v1, _, _ =	vpop (xrf0)  }
0x450: {  	(v2sf) =	vpush v1, $0xF;
	_ =	sdelay $0xe  }
0x451: {  	s0 =	spop (v2sf)  }
0x452: {  	s28 =	sshll.u32 s0, $0xC  }
0x453: {  	s0 =	sshll.u32 s0, $0x8;
	s6 =	sand.u32 $0xFFFFC000, s28  }
0x454: {  	s0 =	sand.u32 $0x300, s0;
	s6 =	sadd.s32 s6, s2  }
0x455: {  	s0 =	sadd.s32 s0, s6  }
0x456: {  	s5 =	sadd.s32 $0x60, s20;
	s0 =	sshrl.u32 s0, $0x3  }
0x457: {  	[hbm:s5@s25], [sflag:s29] =	dma.strided [spmem:s0@s25], $0x200, s23, $0x10   }
0x458: {  	_ =	swait.ge [sflag:s23], $0x200  }
0x459: {  	[sflag:s23] =	ssyncset.done $0x0  }
0x45a: {  	[sflag:s23] =	ssyncadd.s32 $0xFFFFFE00  }
0x45b: {  	_ =	swait.ge [sflag:s23], $0x200  }
0x45c: {  	[sflag:s23] =	ssyncset.done $0x0  }
0x45d: {  	[sflag:s23] =	ssyncadd.s32 $0xFFFFFE00  }
0x45e: {  	_ =	swait.ge [sflag:s23], $0x200  }
0x45f: {  	[sflag:s23] =	ssyncset.done $0x0  }
0x460: {  	[sflag:s23] =	ssyncadd.s32 $0xFFFFFE00  }
0x461: {  	_ =	swait.ge [sflag:s23], $0x200  }
0x462: {  	[sflag:s23] =	ssyncset.done $0x0  }
0x463: {  	[sflag:s23] =	ssyncadd.s32 $0xFFFFFE00  }
0x464: {  	_ =	swait.ge [sflag:s23], $0x200  }
0x465: {  	[sflag:s23] =	ssyncset.done $0x0  }
0x466: {  	[sflag:s23] =	ssyncadd.s32 $0xFFFFFE00  }
0x467: {  	_ =	swait.ge [sflag:s23], $0x200  }
0x468: {  	[sflag:s23] =	ssyncset.done $0x0  }
0x469: {  	[sflag:s23] =	ssyncadd.s32 $0xFFFFFE00  }
0x46a: {  	p1 =	sne.s32 s31, $0x3C000;
	_ =	swait.ge [sflag:s23], $0x200  }
.Ltmp0:
0x46b: {  	[sflag:s23] =	ssyncset.done $0x0;
	(pc) =	sbr.rel @p1 .LBB2_2-.Ltmp0, $4  }
0x46c: {  	[sflag:s23] =	ssyncadd.s32 $0xFFFFFE00  }
0x46d: {  	_ =	swait.ge [sflag:s23], $0x200  }
0x46e: {  	[sflag:s23] =	ssyncset.done $0x0  }
0x46f: {  	s30 =	sadd.s32 $0x20, s30;
	s31 =	sadd.s32 $0x2000, s31;
	[sflag:s23] =	ssyncadd.s32 $0xFFFFFE00  }
0x470: {  	_ =	swait.ge [sflag:s3], $0x1000  }
0x471: {  	[sflag:s3] =	ssyncset.done $0x0  }
0x472: {  	[sflag:s3] =	ssyncadd.s32 $0xFFFFF000  }
0x473: {  	_ =	swait.ge [sflag:s3], $0x1000  }
0x474: {  	[sflag:s3] =	ssyncset.done $0x0  }
0x475: {  	[sflag:s3] =	ssyncadd.s32 $0xFFFFF000  }
0x476: {  	_ =	swait.ge [sflag:s3], $0x1000  }
0x477: {  	[sflag:s3] =	ssyncset.done $0x0  }
0x478: {  	[sflag:s3] =	ssyncadd.s32 $0xFFFFF000  }
0x479: {  	_ =	swait.ge [sflag:s3], $0x1000  }
0x47a: {  	[sflag:s3] =	ssyncset.done $0x0  }
0x47b: {  	[sflag:s3] =	ssyncadd.s32 $0xFFFFF000  }
0x47c: {  	_ =	swait.ge [sflag:s3], $0x1000  }
0x47d: {  	[sflag:s3] =	ssyncset.done $0x0  }
0x47e: {  	[sflag:s3] =	ssyncadd.s32 $0xFFFFF000  }
0x47f: {  	_ =	swait.ge [sflag:s3], $0x1000  }
0x480: {  	[sflag:s3] =	ssyncset.done $0x0  }
0x481: {  	[sflag:s3] =	ssyncadd.s32 $0xFFFFF000  }
0x482: {  	_ =	swait.ge [sflag:s3], $0x1000  }
0x483: {  	[sflag:s3] =	ssyncset.done $0x0  }
0x484: {  	[sflag:s3] =	ssyncadd.s32 $0xFFFFF000  }
0x485: {  	_ =	swait.ge [sflag:s3], $0x1000  }
0x486: {  	[sflag:s3] =	ssyncset.done $0x0  }
0x487: {  	[sflag:s3] =	ssyncadd.s32 $0xFFFFF000  }
0x488: {  	_ =	swait.ge [sflag:s23], $0x200  }
0x489: {  	[sflag:s23] =	ssyncset.done $0x0  }
0x48a: {  	[sflag:s23] =	ssyncadd.s32 $0xFFFFFE00  }
0x48b: {  	_ =	swait.ge [sflag:s23], $0x200  }
0x48c: {  	[sflag:s23] =	ssyncset.done $0x0  }
0x48d: {  	[sflag:s23] =	ssyncadd.s32 $0xFFFFFE00  }
0x48e: {  	_ =	swait.ge [sflag:s23], $0x200  }
0x48f: {  	[sflag:s23] =	ssyncset.done $0x0  }
0x490: {  	[sflag:s23] =	ssyncadd.s32 $0xFFFFFE00  }
0x491: {  	_ =	swait.ge [sflag:s23], $0x200  }
0x492: {  	[sflag:s23] =	ssyncset.done $0x0  }
0x493: {  	[sflag:s23] =	ssyncadd.s32 $0xFFFFFE00  }
0x494: {  	_ =	swait.ge [sflag:s23], $0x200  }
0x495: {  	[sflag:s23] =	ssyncset.done $0x0  }
0x496: {  	[sflag:s23] =	ssyncadd.s32 $0xFFFFFE00  }
0x497: {  	_ =	swait.ge [sflag:s23], $0x200  }
0x498: {  	[sflag:s23] =	ssyncset.done $0x0  }
0x499: {  	[sflag:s23] =	ssyncadd.s32 $0xFFFFFE00  }
0x49a: {  	_ =	swait.ge [sflag:s23], $0x200  }
0x49b: {  	[sflag:s23] =	ssyncset.done $0x0  }
0x49c: {  	[sflag:s23] =	ssyncadd.s32 $0xFFFFFE00  }
0x49d: {  	_ =	swait.ge [sflag:s23], $0x200  }
0x49e: {  	s5 =	sld [smem:$0x7EE];
	_ =	sdelay $0x2  }
0x49f: {  	s0 =	rddreg [dreg:$0x15];
	s5 =	sadd.s32 $0x1, s5  }
0x4a0: {  	p1 =	sne.s32 s5, s0  }
.Ltmp1:
0x4a1: {  	_ = 	snop;
	(pc) =	sbr.rel @p1 .LBB2_1-.Ltmp1, $3  }
0x4a2: {  	_ =	sdelay $0x1  }
0x4a3: {  	[sflag:s23] =	ssyncset.done $0x0  }
0x4a4: {  	[sflag:s23] =	ssyncadd.s32 $0xFFFFFE00  }
0x4a5: {  	_ =	sfence.sel $0x180000  }
0x4a6: {  	[bflag:$0x0] =	sbarrier.arrive $0xFFFF  }
0x4a7: {  	_ =	strace $0x90000047  }
0x4a8: {  	[bflag:$0x2] =	sbarrier.arrive $0xFFFF  }
0x4a9: {  	p0 =	sne.s32 s1, $0x0;
	s0 =	rddreg [dreg:$0x4]  }
0x4aa: {  	s0 =	sadd.s32 @!p0 $0x100000, s0  }
0x4ab: {  	[sflag:s0] =	ssyncadd.tile.s32 @!p0 $0x1;
	_ =	shalt  }
.Lfunc_end2:
_tile_overlayer_lowered:
.L_overlay_start_2:
0x4ac: {  	(tag) =	ssettag $0x2  }
0x4ad: {  	s0 =	rddreg [dreg:$0x0];
	s2 =	stileid.u32  }
0x4ae: {  	s1 =	rddreg [dreg:$0x1];
	p0 =	sne.s32 s2, $0x0  }
0x4af: {  	s3 =	rddreg [dreg:$0x2];
	[bflag:$0x3] =	sbarrier.arrive $0xFFFF;
	s2 =	simm.s32 @!p0 $0x1C03  }
0x4b0: {  	[timem:s3], [sflag:s2] =	dma.local @!p0 [hbm:s0], s1  }
0x4b1: {  	s0 =	simm.s32 @!p0 $0x3  }
0x4b2: {  	_ =	swait.ge @!p0 [sflag:s0], s1  }
0x4b3: {  	s1 =	ssub.s32 @!p0 $0x0, s1;
	[sflag:s0] =	ssyncset.done @!p0 $0x0  }
0x4b4: {  	[sflag:s0] =	ssyncadd.s32 @!p0 s1  }
0x4b5: {  	[bflag:$0x3] =	sbarrier.arrive $0xFFFF  }
0x4b6: {  	_ =	shalt  }

</sc_bundles>
